<compile_context>
chip_gen: v7x
topology: tpu7x:2x2x1
jax: 0.10.2.dev20260603
libtpu: 0.0.44.dev20260713+nightly
codegen_flags: <defaults>
</compile_context>

<pallas_src>
import functools

import jax
import jax.numpy as jnp
from jax import lax
from jax.experimental import pallas as pl
from jax.experimental.pallas import tpu as pltpu
from jax.experimental.pallas import tpu_sc as plsc

_D = 256
_H = 8
_HD = 32
_L = 4
_P = 4
_SPATIAL = ((64, 64), (32, 32), (16, 16), (8, 8))
_V = sum(h * w for h, w in _SPATIAL)
_NC, _NS = 2, 16
_NW = _NC * _NS


def _proj_body(vb, qb, wv, bv, wq, bq, vt_ref, off_ref, aw_ref):
    vt_ref[...] = vb[...] @ wv[...] + bv[...]
    qo = qb[...] @ wq[...] + bq[...]
    off_ref[...] = qo[:, :_D]
    for h in range(_H):
        sl = qo[:, _D + 16 * h:_D + 16 * h + 16]
        m = jnp.max(sl, axis=1, keepdims=True)
        e = jnp.exp(sl - m)
        aw_ref[:, 16 * h:16 * (h + 1)] = e / jnp.sum(e, axis=1, keepdims=True)


def _projections(v2, q2, wv_t, bv, wq_t, bq):
    n = v2.shape[0]
    blk = 256
    grid = n // blk
    return pl.pallas_call(
        _proj_body,
        grid=(grid,),
        in_specs=[
            pl.BlockSpec((blk, _D), lambda i: (i, 0)),
            pl.BlockSpec((blk, _D), lambda i: (i, 0)),
            pl.BlockSpec((_D, _D), lambda i: (0, 0)),
            pl.BlockSpec((1, _D), lambda i: (0, 0)),
            pl.BlockSpec((_D, _D + _H * 16), lambda i: (0, 0)),
            pl.BlockSpec((1, _D + _H * 16), lambda i: (0, 0)),
        ],
        out_specs=[
            pl.BlockSpec((blk, _D), lambda i: (i, 0)),
            pl.BlockSpec((blk, _D), lambda i: (i, 0)),
            pl.BlockSpec((blk, _H * 16), lambda i: (i, 0)),
        ],
        out_shape=[
            jax.ShapeDtypeStruct((n, _D), jnp.float32),
            jax.ShapeDtypeStruct((n, _D), jnp.float32),
            jax.ShapeDtypeStruct((n, _H * 16), jnp.float32),
        ],
    )(v2, q2, wv_t, bv, wq_t, bq)


def _sc_gather(table, idx2d):
    nrows = idx2d.shape[0]
    per_tile = nrows // _NW
    chunks = per_tile // 8
    mesh = plsc.VectorSubcoreMesh(core_axis_name="c", subcore_axis_name="s")

    @functools.partial(
        pl.kernel,
        mesh=mesh,
        out_type=jax.ShapeDtypeStruct((nrows * 128, _HD), jnp.float32),
        compiler_params=pltpu.CompilerParams(use_tc_tiling_on_sc=False),
        scratch_types=[
            pltpu.VMEM((8, 128), jnp.int32),
            pltpu.VMEM((8, 128), jnp.int32),
            pltpu.VMEM((1024, _HD), jnp.float32),
            pltpu.VMEM((1024, _HD), jnp.float32),
            pltpu.SemaphoreType.DMA,
            pltpu.SemaphoreType.DMA,
        ],
    )
    def k(table_hbm, idx_hbm, out_hbm, idx0, idx1, g0, g1, sem0, sem1):
        wid = lax.axis_index("s") * _NC + lax.axis_index("c")
        base = wid * per_tile
        idxb, gb, semb = (idx0, idx1), (g0, g1), (sem0, sem1)

        def fire(c, b):
            rb = base + c * 8
            pltpu.sync_copy(idx_hbm.at[pl.ds(rb, 8)], idxb[b])
            for j in range(8):
                pltpu.async_copy(table_hbm.at[idxb[b].at[j]],
                                 gb[b].at[pl.ds(j * 128, 128)], semb[b])

        def drain_store(c, b):
            for j in range(8):
                pltpu.make_async_copy(table_hbm.at[idxb[b].at[j]],
                                      gb[b].at[pl.ds(j * 128, 128)],
                                      semb[b]).wait()
            pltpu.sync_copy(gb[b], out_hbm.at[pl.ds((base + c * 8) * 128, 1024)])

        def body(i, carry):
            c0 = i * 2
            fire(c0, 0)
            fire(c0 + 1, 1)
            drain_store(c0, 0)
            drain_store(c0 + 1, 1)
            return carry

        lax.fori_loop(0, chunks // 2, body, 0)

    return k(table, idx2d)


def _reduce_body(g_ref, w_ref, wo, bo, out_ref):
    g = g_ref[...].reshape(16, _H, _L * _P * 4, _HD)
    outs = []
    for h in range(_H):
        wh = w_ref[:, 64 * h:64 * (h + 1)]
        gh = g[:, h]
        outs.append(jnp.sum(gh * wh[:, :, None], axis=1))
    o = jnp.concatenate(outs, axis=1)
    out_ref[...] = o @ wo[...] + bo[...]


def _reduce_out(g, w2, wo_t, bo):
    n = w2.shape[0]
    blk = 16
    grid = n // blk
    return pl.pallas_call(
        _reduce_body,
        grid=(grid,),
        in_specs=[
            pl.BlockSpec((blk * 512, _HD), lambda i: (i, 0)),
            pl.BlockSpec((blk, 512), lambda i: (i, 0)),
            pl.BlockSpec((_D, _D), lambda i: (0, 0)),
            pl.BlockSpec((1, _D), lambda i: (0, 0)),
        ],
        out_specs=pl.BlockSpec((blk, _D), lambda i: (i, 0)),
        out_shape=jax.ShapeDtypeStruct((n, _D), jnp.float32),
    )(g, w2, wo_t, bo)


def kernel(query, reference_points, value, spatial_shapes, level_start_index,
           W_off, b_off, W_attn, b_attn, W_v, b_v, W_out, b_out):
    B, Q, _ = query.shape
    V = value.shape[1]
    BQ = B * Q

    q2 = query.reshape(BQ, _D)
    v2 = value.reshape(BQ, _D)
    wq_t = jnp.concatenate([W_off, W_attn], axis=0).T
    bq = jnp.concatenate([b_off, b_attn])[None, :]
    vtab, off, aw = _projections(v2, q2, W_v.T, b_v[None, :], wq_t, bq)

    off6 = off.reshape(BQ, _H, _L, _P, 2)
    aw4 = aw.reshape(BQ, _H, _L, _P)
    rp = reference_points.reshape(BQ, _L, 2)
    wl = jnp.array([w for _, w in _SPATIAL], jnp.float32)
    hl = jnp.array([h for h, _ in _SPATIAL], jnp.float32)
    lsi = jnp.array([0, 4096, 5120, 5376], jnp.int32)
    gx = (rp[:, None, :, None, 0] + off6[..., 0] / wl[None, None, :, None]) * wl[None, None, :, None] - 0.5
    gy = (rp[:, None, :, None, 1] + off6[..., 1] / hl[None, None, :, None]) * hl[None, None, :, None] - 0.5
    x0 = jnp.floor(gx)
    y0 = jnp.floor(gy)
    wx1 = gx - x0
    wx0 = 1.0 - wx1
    wy1 = gy - y0
    wy0 = 1.0 - wy1
    ix = jnp.stack([x0, x0 + 1, x0, x0 + 1], axis=-1)
    iy = jnp.stack([y0, y0, y0 + 1, y0 + 1], axis=-1)
    wc = jnp.stack([wx0 * wy0, wx1 * wy0, wx0 * wy1, wx1 * wy1], axis=-1)
    wlb = wl[None, None, :, None, None]
    hlb = hl[None, None, :, None, None]
    valid = ((ix >= 0) & (ix <= wlb - 1) & (iy >= 0) & (iy <= hlb - 1)).astype(jnp.float32)
    pix = (jnp.clip(iy, 0, hlb - 1) * wlb + jnp.clip(ix, 0, wlb - 1)).astype(jnp.int32) \
        + lsi[None, None, :, None, None]
    b_idx = (jnp.arange(BQ, dtype=jnp.int32) // Q)[:, None, None, None, None]
    h_idx = jnp.arange(_H, dtype=jnp.int32)[None, :, None, None, None]
    row = (b_idx * V + pix) * _H + h_idx
    w_all = (aw4[..., None] * wc * valid).reshape(BQ, 512)

    idx2d = row.reshape(BQ * 4, 128)
    g = _sc_gather(vtab.reshape(B * V * _H, _HD), idx2d)

    out2 = _reduce_out(g, w_all, W_out.T, b_out[None, :])
    return out2.reshape(B, Q, _D)

# --- scband reference (transcript-rebuilt; emitter-appended) ---
"""Pipeline reference for scband-msdeformable-attention-4226247819539 (READ-ONLY COPY).

The authoritative reference and input builder live on the scoring server;
editing this copy changes nothing except your own understanding.
"""

import jax, jax.numpy as jnp
import numpy as np

EMBED_DIM = 256
NUM_HEADS = 8
NUM_LEVELS = 4
NUM_POINTS = 4
HEAD_DIM = EMBED_DIM // NUM_HEADS
B = 4
SPATIAL = [[64, 64], [32, 32], [16, 16], [8, 8]]
NUM_VALUE = sum(h * w for h, w in SPATIAL)
NUM_QUERY = NUM_VALUE


def grid_sample_bilinear(img, grid):
    # img: [N, C, H, W]; grid: [N, Hg, Wg, 2] in [-1, 1]; align_corners=False, zero padding
    N, C, H, W = img.shape
    gx = (grid[..., 0] + 1.0) * (W * 0.5) - 0.5
    gy = (grid[..., 1] + 1.0) * (H * 0.5) - 0.5
    x0 = jnp.floor(gx)
    y0 = jnp.floor(gy)
    x1 = x0 + 1.0
    y1 = y0 + 1.0
    wx1 = gx - x0
    wx0 = 1.0 - wx1
    wy1 = gy - y0
    wy0 = 1.0 - wy1
    flat = img.reshape(N, C, H * W)

    def gather(ix, iy):
        valid = ((ix >= 0) & (ix <= W - 1) & (iy >= 0) & (iy <= H - 1)).astype(img.dtype)
        idx = (jnp.clip(iy, 0, H - 1) * W + jnp.clip(ix, 0, W - 1)).astype(jnp.int32)
        g = jax.vmap(lambda f, i: jnp.take(f, i, axis=1))(flat, idx.reshape(N, -1))
        g = g.reshape(N, C, idx.shape[1], idx.shape[2])
        return g * valid[:, None, :, :]

    g00 = gather(x0, y0)
    g01 = gather(x1, y0)
    g10 = gather(x0, y1)
    g11 = gather(x1, y1)
    out = (g00 * (wx0 * wy0)[:, None] + g01 * (wx1 * wy0)[:, None]
           + g10 * (wx0 * wy1)[:, None] + g11 * (wx1 * wy1)[:, None])
    return out


def setup_inputs(seed: int = 0):
    key = jax.random.key(seed)
    ks = jax.random.split(key, 16)
    s = 1.0 / np.sqrt(EMBED_DIM)
    inp = {}
    inp["query"] = jax.random.normal(ks[0], (B, NUM_QUERY, EMBED_DIM), jnp.float32)
    inp["reference_points"] = jax.random.uniform(ks[1], (B, NUM_QUERY, NUM_LEVELS, 2), jnp.float32)
    inp["value"] = jax.random.normal(ks[2], (B, NUM_VALUE, EMBED_DIM), jnp.float32)
    inp["spatial_shapes"] = jnp.array(SPATIAL, dtype=jnp.int32)
    lsi = np.concatenate([[0], np.cumsum([h * w for h, w in SPATIAL])[:-1]])
    inp["level_start_index"] = jnp.array(lsi, dtype=jnp.int32)
    inp["W_off"] = jax.random.normal(ks[3], (NUM_HEADS * NUM_LEVELS * NUM_POINTS * 2, EMBED_DIM), jnp.float32) * s * 0.1
    inp["b_off"] = jax.random.normal(ks[4], (NUM_HEADS * NUM_LEVELS * NUM_POINTS * 2,), jnp.float32) * 0.5
    inp["W_attn"] = jax.random.normal(ks[5], (NUM_HEADS * NUM_LEVELS * NUM_POINTS, EMBED_DIM), jnp.float32) * s
    inp["b_attn"] = jnp.zeros((NUM_HEADS * NUM_LEVELS * NUM_POINTS,), jnp.float32)
    inp["W_v"] = jax.random.normal(ks[6], (EMBED_DIM, EMBED_DIM), jnp.float32) * s
    inp["b_v"] = jnp.zeros((EMBED_DIM,), jnp.float32)
    inp["W_out"] = jax.random.normal(ks[7], (EMBED_DIM, EMBED_DIM), jnp.float32) * s
    inp["b_out"] = jnp.zeros((EMBED_DIM,), jnp.float32)
    return inp


def reference(query, reference_points, value, spatial_shapes, level_start_index, W_off, b_off, W_attn, b_attn, W_v, b_v, W_out, b_out):
    bsz, num_query, _ = query.shape
    num_value = value.shape[1]
    ss_static = np.array(SPATIAL)
    v = value @ W_v.T + b_v
    v = v.reshape(bsz, num_value, NUM_HEADS, HEAD_DIM)
    offs = (query @ W_off.T + b_off).reshape(bsz, num_query, NUM_HEADS, NUM_LEVELS, NUM_POINTS, 2)
    aw = (query @ W_attn.T + b_attn).reshape(bsz, num_query, NUM_HEADS, NUM_LEVELS * NUM_POINTS)
    aw = jax.nn.softmax(aw, axis=-1).reshape(bsz, num_query, NUM_HEADS, NUM_LEVELS, NUM_POINTS)
    norm = jnp.stack([spatial_shapes[:, 1], spatial_shapes[:, 0]], axis=-1).astype(jnp.float32)
    loc = reference_points[:, :, None, :, None, :] + offs / norm[None, None, None, :, None, :]
    output = jnp.zeros((bsz, num_query, NUM_HEADS, HEAD_DIM), jnp.float32)
    for lvl in range(ss_static.shape[0]):
        h_l, w_l = int(ss_static[lvl, 0]), int(ss_static[lvl, 1])
        value_l = jax.lax.dynamic_slice_in_dim(v, level_start_index[lvl], h_l * w_l, axis=1)
        value_l = value_l.transpose(0, 2, 3, 1).reshape(bsz * NUM_HEADS, HEAD_DIM, h_l, w_l)
        grid = loc[:, :, :, lvl].transpose(0, 2, 1, 3, 4).reshape(bsz * NUM_HEADS, num_query, NUM_POINTS, 2)
        grid = grid * 2.0 - 1.0
        sampled = grid_sample_bilinear(value_l, grid)
        sampled = sampled.reshape(bsz, NUM_HEADS, HEAD_DIM, num_query, NUM_POINTS)
        attn = aw[:, :, :, lvl].transpose(0, 2, 1, 3)[:, :, None, :, :]
        out_l = (sampled * attn).sum(axis=-1)
        output = output + out_l.transpose(0, 3, 1, 2)
    output = output.reshape(bsz, num_query, EMBED_DIM)
    return output @ W_out.T + b_out

if __name__ == "__main__":
    import jax
    _d = setup_inputs()
    print(jax.jit(kernel)(*tuple(_d.values())))

</pallas_src>

<mosaic_0001>
#map = affine_map<(d0, d1) -> (0, 0)>
module attributes {stable_mosaic.version = 14 : i64} {
  func.func @k(%arg0: i32, %arg1: i32, %arg2: memref<174080x32xf32, #tpu.memory_space<hbm>>, %arg3: memref<87040x128xi32, #tpu.memory_space<hbm>>, %arg4: memref<11141120x32xf32, #tpu.memory_space<hbm>>, %arg5: memref<8x128xi32, #tpu.memory_space<vmem>>, %arg6: memref<8x128xi32, #tpu.memory_space<vmem>>, %arg7: memref<1024x32xf32, #tpu.memory_space<vmem>>, %arg8: memref<1024x32xf32, #tpu.memory_space<vmem>>, %arg9: memref<!tpu.dma_semaphore, #tpu.memory_space<semaphore_mem>>, %arg10: memref<!tpu.dma_semaphore, #tpu.memory_space<semaphore_mem>>) attributes {dimension_semantics = [#tpu.dimension_semantics<core_parallel>, #tpu.dimension_semantics<subcore_parallel>], iteration_bounds = array<i64: 2, 16>, scalar_prefetch = 0 : i64, scratch_operands = 6 : i64, tpu.core_type = #tpu.core_type<sc_vector_subcore>, window_params = [{transform_indices = #map}, {transform_indices = #map}, {transform_indices = #map}]} {
    %mul3A = arith.constant 2 : i32
    %mul3A_0 = arith.muli %arg1, %mul3A : i32
    %add3A = arith.addi %mul3A_0, %arg0 : i32
    %mul3A_1 = arith.constant 2720 : i32
    %mul3A_2 = arith.muli %add3A, %mul3A_1 : i32
    %scan3A = arith.constant 0 : i32
    %scan3A_3 = arith.constant 0 : i32
    %scan3A_4 = arith.constant 170 : i32
    %scan3A_5 = arith.addi %scan3A_3, %scan3A_4 : i32
    %scan3A_6 = arith.constant 1 : i32
    scf.for %scan3A_8 = %scan3A_3 to %scan3A_5 step %scan3A_6  : i32 {
      %mul3A_9 = arith.constant 2 : i32
      %mul3A_10 = arith.muli %scan3A_8, %mul3A_9 : i32
      %mul3A_11 = arith.constant 8 : i32
      %mul3A_12 = arith.muli %mul3A_10, %mul3A_11 : i32
      %add3A_13 = arith.addi %mul3A_2, %mul3A_12 : i32
      "tpu.region"() ({
        %run_scoped3A = tpu.sem_alloc : memref<!tpu.dma_semaphore, #tpu.memory_space<semaphore_mem>>
        %dma_start3A_349 = arith.constant 0 : i32
        %dma_start3A_350 = tpu.memref_slice %arg3[%add3A_13, %dma_start3A_349] : memref<87040x128xi32, #tpu.memory_space<hbm>> -> memref<8x128xi32, #tpu.memory_space<hbm>>
        %dma_start3A_351 = arith.constant 0 : i32
        %dma_start3A_352 = tpu.memref_slice %arg3[%add3A_13, %dma_start3A_351] : memref<87040x128xi32, #tpu.memory_space<hbm>> -> memref<8x128xi32, #tpu.memory_space<hbm>>
        tpu.enqueue_dma source(%dma_start3A_352 : memref<8x128xi32, #tpu.memory_space<hbm>>) target(%arg5 : memref<8x128xi32, #tpu.memory_space<vmem>>) target_semaphore(%run_scoped3A : memref<!tpu.dma_semaphore, #tpu.memory_space<semaphore_mem>>)
        %dma_wait3A_353 = arith.constant 0 : i32
        %dma_wait3A_354 = tpu.memref_slice %arg3[%add3A_13, %dma_wait3A_353] : memref<87040x128xi32, #tpu.memory_space<hbm>> -> memref<8x128xi32, #tpu.memory_space<hbm>>
        %dma_wait3A_355 = arith.constant 0 : i32
        %dma_wait3A_356 = tpu.memref_slice %arg3[%add3A_13, %dma_wait3A_355] : memref<87040x128xi32, #tpu.memory_space<hbm>> -> memref<8x128xi32, #tpu.memory_space<hbm>>
        tpu.wait_dma2 semaphore(%run_scoped3A : memref<!tpu.dma_semaphore, #tpu.memory_space<semaphore_mem>>) src(%dma_wait3A_356 : memref<8x128xi32, #tpu.memory_space<hbm>>) dst(%arg5 : memref<8x128xi32, #tpu.memory_space<vmem>>)
        tpu.yield
      }) : () -> ()
      %dma_start3A = arith.constant 0 : i32
      %dma_start3A_14 = arith.constant 0 : i32
      %dma_start3A_15 = arith.constant 0 : i32
      %dma_start3A_16 = tpu.memref_slice %arg7[%dma_start3A_14, %dma_start3A_15] : memref<1024x32xf32, #tpu.memory_space<vmem>> -> memref<128x32xf32, #tpu.memory_space<vmem>>
      %dma_start3A_17 = arith.constant 0 : i32
      %dma_start3A_18 = tpu.memref_slice %arg5[%dma_start3A, %dma_start3A_17] : memref<8x128xi32, #tpu.memory_space<vmem>> -> memref<1x128xi32, #tpu.memory_space<vmem>>
      %dma_start3A_19 = tpu.memref_squeeze %dma_start3A_18 : memref<1x128xi32, #tpu.memory_space<vmem>> -> memref<128xi32, #tpu.memory_space<vmem>>
      %dma_start3A_20 = arith.constant 0 : i32
      %dma_start3A_21 = arith.constant 0 : i32
      %dma_start3A_22 = tpu.memref_slice %arg2[%dma_start3A_20, %dma_start3A_21] : memref<174080x32xf32, #tpu.memory_space<hbm>> -> memref<174080x32xf32, #tpu.memory_space<hbm>>
      tpu.enqueue_indirect_dma source(%dma_start3A_22 : memref<174080x32xf32, #tpu.memory_space<hbm>>) target(%dma_start3A_16 : memref<128x32xf32, #tpu.memory_space<vmem>>) offsets(%dma_start3A_19 : memref<128xi32, #tpu.memory_space<vmem>>) semaphore(%arg9 : memref<!tpu.dma_semaphore, #tpu.memory_space<semaphore_mem>>)
      %dma_start3A_23 = arith.constant 1 : i32
      %dma_start3A_24 = arith.constant 128 : i32
      %dma_start3A_25 = arith.constant 0 : i32
      %dma_start3A_26 = tpu.memref_slice %arg7[%dma_start3A_24, %dma_start3A_25] : memref<1024x32xf32, #tpu.memory_space<vmem>> -> memref<128x32xf32, #tpu.memory_space<vmem>>
      %dma_start3A_27 = arith.constant 0 : i32
      %dma_start3A_28 = tpu.memref_slice %arg5[%dma_start3A_23, %dma_start3A_27] : memref<8x128xi32, #tpu.memory_space<vmem>> -> memref<1x128xi32, #tpu.memory_space<vmem>>
      %dma_start3A_29 = tpu.memref_squeeze %dma_start3A_28 : memref<1x128xi32, #tpu.memory_space<vmem>> -> memref<128xi32, #tpu.memory_space<vmem>>
      %dma_start3A_30 = arith.constant 0 : i32
      %dma_start3A_31 = arith.constant 0 : i32
      %dma_start3A_32 = tpu.memref_slice %arg2[%dma_start3A_30, %dma_start3A_31] : memref<174080x32xf32, #tpu.memory_space<hbm>> -> memref<174080x32xf32, #tpu.memory_space<hbm>>
      tpu.enqueue_indirect_dma source(%dma_start3A_32 : memref<174080x32xf32, #tpu.memory_space<hbm>>) target(%dma_start3A_26 : memref<128x32xf32, #tpu.memory_space<vmem>>) offsets(%dma_start3A_29 : memref<128xi32, #tpu.memory_space<vmem>>) semaphore(%arg9 : memref<!tpu.dma_semaphore, #tpu.memory_space<semaphore_mem>>)
      %dma_start3A_33 = arith.constant 2 : i32
      %dma_start3A_34 = arith.constant 256 : i32
      %dma_start3A_35 = arith.constant 0 : i32
      %dma_start3A_36 = tpu.memref_slice %arg7[%dma_start3A_34, %dma_start3A_35] : memref<1024x32xf32, #tpu.memory_space<vmem>> -> memref<128x32xf32, #tpu.memory_space<vmem>>
      %dma_start3A_37 = arith.constant 0 : i32
      %dma_start3A_38 = tpu.memref_slice %arg5[%dma_start3A_33, %dma_start3A_37] : memref<8x128xi32, #tpu.memory_space<vmem>> -> memref<1x128xi32, #tpu.memory_space<vmem>>
      %dma_start3A_39 = tpu.memref_squeeze %dma_start3A_38 : memref<1x128xi32, #tpu.memory_space<vmem>> -> memref<128xi32, #tpu.memory_space<vmem>>
      %dma_start3A_40 = arith.constant 0 : i32
      %dma_start3A_41 = arith.constant 0 : i32
      %dma_start3A_42 = tpu.memref_slice %arg2[%dma_start3A_40, %dma_start3A_41] : memref<174080x32xf32, #tpu.memory_space<hbm>> -> memref<174080x32xf32, #tpu.memory_space<hbm>>
      tpu.enqueue_indirect_dma source(%dma_start3A_42 : memref<174080x32xf32, #tpu.memory_space<hbm>>) target(%dma_start3A_36 : memref<128x32xf32, #tpu.memory_space<vmem>>) offsets(%dma_start3A_39 : memref<128xi32, #tpu.memory_space<vmem>>) semaphore(%arg9 : memref<!tpu.dma_semaphore, #tpu.memory_space<semaphore_mem>>)
      %dma_start3A_43 = arith.constant 3 : i32
      %dma_start3A_44 = arith.constant 384 : i32
      %dma_start3A_45 = arith.constant 0 : i32
      %dma_start3A_46 = tpu.memref_slice %arg7[%dma_start3A_44, %dma_start3A_45] : memref<1024x32xf32, #tpu.memory_space<vmem>> -> memref<128x32xf32, #tpu.memory_space<vmem>>
      %dma_start3A_47 = arith.constant 0 : i32
      %dma_start3A_48 = tpu.memref_slice %arg5[%dma_start3A_43, %dma_start3A_47] : memref<8x128xi32, #tpu.memory_space<vmem>> -> memref<1x128xi32, #tpu.memory_space<vmem>>
      %dma_start3A_49 = tpu.memref_squeeze %dma_start3A_48 : memref<1x128xi32, #tpu.memory_space<vmem>> -> memref<128xi32, #tpu.memory_space<vmem>>
      %dma_start3A_50 = arith.constant 0 : i32
      %dma_start3A_51 = arith.constant 0 : i32
      %dma_start3A_52 = tpu.memref_slice %arg2[%dma_start3A_50, %dma_start3A_51] : memref<174080x32xf32, #tpu.memory_space<hbm>> -> memref<174080x32xf32, #tpu.memory_space<hbm>>
      tpu.enqueue_indirect_dma source(%dma_start3A_52 : memref<174080x32xf32, #tpu.memory_space<hbm>>) target(%dma_start3A_46 : memref<128x32xf32, #tpu.memory_space<vmem>>) offsets(%dma_start3A_49 : memref<128xi32, #tpu.memory_space<vmem>>) semaphore(%arg9 : memref<!tpu.dma_semaphore, #tpu.memory_space<semaphore_mem>>)
      %dma_start3A_53 = arith.constant 4 : i32
      %dma_start3A_54 = arith.constant 512 : i32
      %dma_start3A_55 = arith.constant 0 : i32
      %dma_start3A_56 = tpu.memref_slice %arg7[%dma_start3A_54, %dma_start3A_55] : memref<1024x32xf32, #tpu.memory_space<vmem>> -> memref<128x32xf32, #tpu.memory_space<vmem>>
      %dma_start3A_57 = arith.constant 0 : i32
      %dma_start3A_58 = tpu.memref_slice %arg5[%dma_start3A_53, %dma_start3A_57] : memref<8x128xi32, #tpu.memory_space<vmem>> -> memref<1x128xi32, #tpu.memory_space<vmem>>
      %dma_start3A_59 = tpu.memref_squeeze %dma_start3A_58 : memref<1x128xi32, #tpu.memory_space<vmem>> -> memref<128xi32, #tpu.memory_space<vmem>>
      %dma_start3A_60 = arith.constant 0 : i32
      %dma_start3A_61 = arith.constant 0 : i32
      %dma_start3A_62 = tpu.memref_slice %arg2[%dma_start3A_60, %dma_start3A_61] : memref<174080x32xf32, #tpu.memory_space<hbm>> -> memref<174080x32xf32, #tpu.memory_space<hbm>>
      tpu.enqueue_indirect_dma source(%dma_start3A_62 : memref<174080x32xf32, #tpu.memory_space<hbm>>) target(%dma_start3A_56 : memref<128x32xf32, #tpu.memory_space<vmem>>) offsets(%dma_start3A_59 : memref<128xi32, #tpu.memory_space<vmem>>) semaphore(%arg9 : memref<!tpu.dma_semaphore, #tpu.memory_space<semaphore_mem>>)
      %dma_start3A_63 = arith.constant 5 : i32
      %dma_start3A_64 = arith.constant 640 : i32
      %dma_start3A_65 = arith.constant 0 : i32
      %dma_start3A_66 = tpu.memref_slice %arg7[%dma_start3A_64, %dma_start3A_65] : memref<1024x32xf32, #tpu.memory_space<vmem>> -> memref<128x32xf32, #tpu.memory_space<vmem>>
      %dma_start3A_67 = arith.constant 0 : i32
      %dma_start3A_68 = tpu.memref_slice %arg5[%dma_start3A_63, %dma_start3A_67] : memref<8x128xi32, #tpu.memory_space<vmem>> -> memref<1x128xi32, #tpu.memory_space<vmem>>
      %dma_start3A_69 = tpu.memref_squeeze %dma_start3A_68 : memref<1x128xi32, #tpu.memory_space<vmem>> -> memref<128xi32, #tpu.memory_space<vmem>>
      %dma_start3A_70 = arith.constant 0 : i32
      %dma_start3A_71 = arith.constant 0 : i32
      %dma_start3A_72 = tpu.memref_slice %arg2[%dma_start3A_70, %dma_start3A_71] : memref<174080x32xf32, #tpu.memory_space<hbm>> -> memref<174080x32xf32, #tpu.memory_space<hbm>>
      tpu.enqueue_indirect_dma source(%dma_start3A_72 : memref<174080x32xf32, #tpu.memory_space<hbm>>) target(%dma_start3A_66 : memref<128x32xf32, #tpu.memory_space<vmem>>) offsets(%dma_start3A_69 : memref<128xi32, #tpu.memory_space<vmem>>) semaphore(%arg9 : memref<!tpu.dma_semaphore, #tpu.memory_space<semaphore_mem>>)
      %dma_start3A_73 = arith.constant 6 : i32
      %dma_start3A_74 = arith.constant 768 : i32
      %dma_start3A_75 = arith.constant 0 : i32
      %dma_start3A_76 = tpu.memref_slice %arg7[%dma_start3A_74, %dma_start3A_75] : memref<1024x32xf32, #tpu.memory_space<vmem>> -> memref<128x32xf32, #tpu.memory_space<vmem>>
      %dma_start3A_77 = arith.constant 0 : i32
      %dma_start3A_78 = tpu.memref_slice %arg5[%dma_start3A_73, %dma_start3A_77] : memref<8x128xi32, #tpu.memory_space<vmem>> -> memref<1x128xi32, #tpu.memory_space<vmem>>
      %dma_start3A_79 = tpu.memref_squeeze %dma_start3A_78 : memref<1x128xi32, #tpu.memory_space<vmem>> -> memref<128xi32, #tpu.memory_space<vmem>>
      %dma_start3A_80 = arith.constant 0 : i32
      %dma_start3A_81 = arith.constant 0 : i32
      %dma_start3A_82 = tpu.memref_slice %arg2[%dma_start3A_80, %dma_start3A_81] : memref<174080x32xf32, #tpu.memory_space<hbm>> -> memref<174080x32xf32, #tpu.memory_space<hbm>>
      tpu.enqueue_indirect_dma source(%dma_start3A_82 : memref<174080x32xf32, #tpu.memory_space<hbm>>) target(%dma_start3A_76 : memref<128x32xf32, #tpu.memory_space<vmem>>) offsets(%dma_start3A_79 : memref<128xi32, #tpu.memory_space<vmem>>) semaphore(%arg9 : memref<!tpu.dma_semaphore, #tpu.memory_space<semaphore_mem>>)
      %dma_start3A_83 = arith.constant 7 : i32
      %dma_start3A_84 = arith.constant 896 : i32
      %dma_start3A_85 = arith.constant 0 : i32
      %dma_start3A_86 = tpu.memref_slice %arg7[%dma_start3A_84, %dma_start3A_85] : memref<1024x32xf32, #tpu.memory_space<vmem>> -> memref<128x32xf32, #tpu.memory_space<vmem>>
      %dma_start3A_87 = arith.constant 0 : i32
      %dma_start3A_88 = tpu.memref_slice %arg5[%dma_start3A_83, %dma_start3A_87] : memref<8x128xi32, #tpu.memory_space<vmem>> -> memref<1x128xi32, #tpu.memory_space<vmem>>
      %dma_start3A_89 = tpu.memref_squeeze %dma_start3A_88 : memref<1x128xi32, #tpu.memory_space<vmem>> -> memref<128xi32, #tpu.memory_space<vmem>>
      %dma_start3A_90 = arith.constant 0 : i32
      %dma_start3A_91 = arith.constant 0 : i32
      %dma_start3A_92 = tpu.memref_slice %arg2[%dma_start3A_90, %dma_start3A_91] : memref<174080x32xf32, #tpu.memory_space<hbm>> -> memref<174080x32xf32, #tpu.memory_space<hbm>>
      tpu.enqueue_indirect_dma source(%dma_start3A_92 : memref<174080x32xf32, #tpu.memory_space<hbm>>) target(%dma_start3A_86 : memref<128x32xf32, #tpu.memory_space<vmem>>) offsets(%dma_start3A_89 : memref<128xi32, #tpu.memory_space<vmem>>) semaphore(%arg9 : memref<!tpu.dma_semaphore, #tpu.memory_space<semaphore_mem>>)
      %add3A_93 = arith.constant 1 : i32
      %add3A_94 = arith.addi %mul3A_10, %add3A_93 : i32
      %mul3A_95 = arith.constant 8 : i32
      %mul3A_96 = arith.muli %add3A_94, %mul3A_95 : i32
      %add3A_97 = arith.addi %mul3A_2, %mul3A_96 : i32
      "tpu.region"() ({
        %run_scoped3A = tpu.sem_alloc : memref<!tpu.dma_semaphore, #tpu.memory_space<semaphore_mem>>
        %dma_start3A_349 = arith.constant 0 : i32
        %dma_start3A_350 = tpu.memref_slice %arg3[%add3A_97, %dma_start3A_349] : memref<87040x128xi32, #tpu.memory_space<hbm>> -> memref<8x128xi32, #tpu.memory_space<hbm>>
        %dma_start3A_351 = arith.constant 0 : i32
        %dma_start3A_352 = tpu.memref_slice %arg3[%add3A_97, %dma_start3A_351] : memref<87040x128xi32, #tpu.memory_space<hbm>> -> memref<8x128xi32, #tpu.memory_space<hbm>>
        tpu.enqueue_dma source(%dma_start3A_352 : memref<8x128xi32, #tpu.memory_space<hbm>>) target(%arg6 : memref<8x128xi32, #tpu.memory_space<vmem>>) target_semaphore(%run_scoped3A : memref<!tpu.dma_semaphore, #tpu.memory_space<semaphore_mem>>)
        %dma_wait3A_353 = arith.constant 0 : i32
        %dma_wait3A_354 = tpu.memref_slice %arg3[%add3A_97, %dma_wait3A_353] : memref<87040x128xi32, #tpu.memory_space<hbm>> -> memref<8x128xi32, #tpu.memory_space<hbm>>
        %dma_wait3A_355 = arith.constant 0 : i32
        %dma_wait3A_356 = tpu.memref_slice %arg3[%add3A_97, %dma_wait3A_355] : memref<87040x128xi32, #tpu.memory_space<hbm>> -> memref<8x128xi32, #tpu.memory_space<hbm>>
        tpu.wait_dma2 semaphore(%run_scoped3A : memref<!tpu.dma_semaphore, #tpu.memory_space<semaphore_mem>>) src(%dma_wait3A_356 : memref<8x128xi32, #tpu.memory_space<hbm>>) dst(%arg6 : memref<8x128xi32, #tpu.memory_space<vmem>>)
        tpu.yield
      }) : () -> ()
      %dma_start3A_98 = arith.constant 0 : i32
      %dma_start3A_99 = arith.constant 0 : i32
      %dma_start3A_100 = arith.constant 0 : i32
      %dma_start3A_101 = tpu.memref_slice %arg8[%dma_start3A_99, %dma_start3A_100] : memref<1024x32xf32, #tpu.memory_space<vmem>> -> memref<128x32xf32, #tpu.memory_space<vmem>>
      %dma_start3A_102 = arith.constant 0 : i32
      %dma_start3A_103 = tpu.memref_slice %arg6[%dma_start3A_98, %dma_start3A_102] : memref<8x128xi32, #tpu.memory_space<vmem>> -> memref<1x128xi32, #tpu.memory_space<vmem>>
      %dma_start3A_104 = tpu.memref_squeeze %dma_start3A_103 : memref<1x128xi32, #tpu.memory_space<vmem>> -> memref<128xi32, #tpu.memory_space<vmem>>
      %dma_start3A_105 = arith.constant 0 : i32
      %dma_start3A_106 = arith.constant 0 : i32
      %dma_start3A_107 = tpu.memref_slice %arg2[%dma_start3A_105, %dma_start3A_106] : memref<174080x32xf32, #tpu.memory_space<hbm>> -> memref<174080x32xf32, #tpu.memory_space<hbm>>
      tpu.enqueue_indirect_dma source(%dma_start3A_107 : memref<174080x32xf32, #tpu.memory_space<hbm>>) target(%dma_start3A_101 : memref<128x32xf32, #tpu.memory_space<vmem>>) offsets(%dma_start3A_104 : memref<128xi32, #tpu.memory_space<vmem>>) semaphore(%arg10 : memref<!tpu.dma_semaphore, #tpu.memory_space<semaphore_mem>>)
      %dma_start3A_108 = arith.constant 1 : i32
      %dma_start3A_109 = arith.constant 128 : i32
      %dma_start3A_110 = arith.constant 0 : i32
      %dma_start3A_111 = tpu.memref_slice %arg8[%dma_start3A_109, %dma_start3A_110] : memref<1024x32xf32, #tpu.memory_space<vmem>> -> memref<128x32xf32, #tpu.memory_space<vmem>>
      %dma_start3A_112 = arith.constant 0 : i32
      %dma_start3A_113 = tpu.memref_slice %arg6[%dma_start3A_108, %dma_start3A_112] : memref<8x128xi32, #tpu.memory_space<vmem>> -> memref<1x128xi32, #tpu.memory_space<vmem>>
      %dma_start3A_114 = tpu.memref_squeeze %dma_start3A_113 : memref<1x128xi32, #tpu.memory_space<vmem>> -> memref<128xi32, #tpu.memory_space<vmem>>
      %dma_start3A_115 = arith.constant 0 : i32
      %dma_start3A_116 = arith.constant 0 : i32
      %dma_start3A_117 = tpu.memref_slice %arg2[%dma_start3A_115, %dma_start3A_116] : memref<174080x32xf32, #tpu.memory_space<hbm>> -> memref<174080x32xf32, #tpu.memory_space<hbm>>
      tpu.enqueue_indirect_dma source(%dma_start3A_117 : memref<174080x32xf32, #tpu.memory_space<hbm>>) target(%dma_start3A_111 : memref<128x32xf32, #tpu.memory_space<vmem>>) offsets(%dma_start3A_114 : memref<128xi32, #tpu.memory_space<vmem>>) semaphore(%arg10 : memref<!tpu.dma_semaphore, #tpu.memory_space<semaphore_mem>>)
      %dma_start3A_118 = arith.constant 2 : i32
      %dma_start3A_119 = arith.constant 256 : i32
      %dma_start3A_120 = arith.constant 0 : i32
      %dma_start3A_121 = tpu.memref_slice %arg8[%dma_start3A_119, %dma_start3A_120] : memref<1024x32xf32, #tpu.memory_space<vmem>> -> memref<128x32xf32, #tpu.memory_space<vmem>>
      %dma_start3A_122 = arith.constant 0 : i32
      %dma_start3A_123 = tpu.memref_slice %arg6[%dma_start3A_118, %dma_start3A_122] : memref<8x128xi32, #tpu.memory_space<vmem>> -> memref<1x128xi32, #tpu.memory_space<vmem>>
      %dma_start3A_124 = tpu.memref_squeeze %dma_start3A_123 : memref<1x128xi32, #tpu.memory_space<vmem>> -> memref<128xi32, #tpu.memory_space<vmem>>
      %dma_start3A_125 = arith.constant 0 : i32
      %dma_start3A_126 = arith.constant 0 : i32
      %dma_start3A_127 = tpu.memref_slice %arg2[%dma_start3A_125, %dma_start3A_126] : memref<174080x32xf32, #tpu.memory_space<hbm>> -> memref<174080x32xf32, #tpu.memory_space<hbm>>
      tpu.enqueue_indirect_dma source(%dma_start3A_127 : memref<174080x32xf32, #tpu.memory_space<hbm>>) target(%dma_start3A_121 : memref<128x32xf32, #tpu.memory_space<vmem>>) offsets(%dma_start3A_124 : memref<128xi32, #tpu.memory_space<vmem>>) semaphore(%arg10 : memref<!tpu.dma_semaphore, #tpu.memory_space<semaphore_mem>>)
      %dma_start3A_128 = arith.constant 3 : i32
      %dma_start3A_129 = arith.constant 384 : i32
      %dma_start3A_130 = arith.constant 0 : i32
      %dma_start3A_131 = tpu.memref_slice %arg8[%dma_start3A_129, %dma_start3A_130] : memref<1024x32xf32, #tpu.memory_space<vmem>> -> memref<128x32xf32, #tpu.memory_space<vmem>>
      %dma_start3A_132 = arith.constant 0 : i32
      %dma_start3A_133 = tpu.memref_slice %arg6[%dma_start3A_128, %dma_start3A_132] : memref<8x128xi32, #tpu.memory_space<vmem>> -> memref<1x128xi32, #tpu.memory_space<vmem>>
      %dma_start3A_134 = tpu.memref_squeeze %dma_start3A_133 : memref<1x128xi32, #tpu.memory_space<vmem>> -> memref<128xi32, #tpu.memory_space<vmem>>
      %dma_start3A_135 = arith.constant 0 : i32
      %dma_start3A_136 = arith.constant 0 : i32
      %dma_start3A_137 = tpu.memref_slice %arg2[%dma_start3A_135, %dma_start3A_136] : memref<174080x32xf32, #tpu.memory_space<hbm>> -> memref<174080x32xf32, #tpu.memory_space<hbm>>
      tpu.enqueue_indirect_dma source(%dma_start3A_137 : memref<174080x32xf32, #tpu.memory_space<hbm>>) target(%dma_start3A_131 : memref<128x32xf32, #tpu.memory_space<vmem>>) offsets(%dma_start3A_134 : memref<128xi32, #tpu.memory_space<vmem>>) semaphore(%arg10 : memref<!tpu.dma_semaphore, #tpu.memory_space<semaphore_mem>>)
      %dma_start3A_138 = arith.constant 4 : i32
      %dma_start3A_139 = arith.constant 512 : i32
      %dma_start3A_140 = arith.constant 0 : i32
      %dma_start3A_141 = tpu.memref_slice %arg8[%dma_start3A_139, %dma_start3A_140] : memref<1024x32xf32, #tpu.memory_space<vmem>> -> memref<128x32xf32, #tpu.memory_space<vmem>>
      %dma_start3A_142 = arith.constant 0 : i32
      %dma_start3A_143 = tpu.memref_slice %arg6[%dma_start3A_138, %dma_start3A_142] : memref<8x128xi32, #tpu.memory_space<vmem>> -> memref<1x128xi32, #tpu.memory_space<vmem>>
      %dma_start3A_144 = tpu.memref_squeeze %dma_start3A_143 : memref<1x128xi32, #tpu.memory_space<vmem>> -> memref<128xi32, #tpu.memory_space<vmem>>
      %dma_start3A_145 = arith.constant 0 : i32
      %dma_start3A_146 = arith.constant 0 : i32
      %dma_start3A_147 = tpu.memref_slice %arg2[%dma_start3A_145, %dma_start3A_146] : memref<174080x32xf32, #tpu.memory_space<hbm>> -> memref<174080x32xf32, #tpu.memory_space<hbm>>
      tpu.enqueue_indirect_dma source(%dma_start3A_147 : memref<174080x32xf32, #tpu.memory_space<hbm>>) target(%dma_start3A_141 : memref<128x32xf32, #tpu.memory_space<vmem>>) offsets(%dma_start3A_144 : memref<128xi32, #tpu.memory_space<vmem>>) semaphore(%arg10 : memref<!tpu.dma_semaphore, #tpu.memory_space<semaphore_mem>>)
      %dma_start3A_148 = arith.constant 5 : i32
      %dma_start3A_149 = arith.constant 640 : i32
      %dma_start3A_150 = arith.constant 0 : i32
      %dma_start3A_151 = tpu.memref_slice %arg8[%dma_start3A_149, %dma_start3A_150] : memref<1024x32xf32, #tpu.memory_space<vmem>> -> memref<128x32xf32, #tpu.memory_space<vmem>>
      %dma_start3A_152 = arith.constant 0 : i32
      %dma_start3A_153 = tpu.memref_slice %arg6[%dma_start3A_148, %dma_start3A_152] : memref<8x128xi32, #tpu.memory_space<vmem>> -> memref<1x128xi32, #tpu.memory_space<vmem>>
      %dma_start3A_154 = tpu.memref_squeeze %dma_start3A_153 : memref<1x128xi32, #tpu.memory_space<vmem>> -> memref<128xi32, #tpu.memory_space<vmem>>
      %dma_start3A_155 = arith.constant 0 : i32
      %dma_start3A_156 = arith.constant 0 : i32
      %dma_start3A_157 = tpu.memref_slice %arg2[%dma_start3A_155, %dma_start3A_156] : memref<174080x32xf32, #tpu.memory_space<hbm>> -> memref<174080x32xf32, #tpu.memory_space<hbm>>
      tpu.enqueue_indirect_dma source(%dma_start3A_157 : memref<174080x32xf32, #tpu.memory_space<hbm>>) target(%dma_start3A_151 : memref<128x32xf32, #tpu.memory_space<vmem>>) offsets(%dma_start3A_154 : memref<128xi32, #tpu.memory_space<vmem>>) semaphore(%arg10 : memref<!tpu.dma_semaphore, #tpu.memory_space<semaphore_mem>>)
      %dma_start3A_158 = arith.constant 6 : i32
      %dma_start3A_159 = arith.constant 768 : i32
      %dma_start3A_160 = arith.constant 0 : i32
      %dma_start3A_161 = tpu.memref_slice %arg8[%dma_start3A_159, %dma_start3A_160] : memref<1024x32xf32, #tpu.memory_space<vmem>> -> memref<128x32xf32, #tpu.memory_space<vmem>>
      %dma_start3A_162 = arith.constant 0 : i32
      %dma_start3A_163 = tpu.memref_slice %arg6[%dma_start3A_158, %dma_start3A_162] : memref<8x128xi32, #tpu.memory_space<vmem>> -> memref<1x128xi32, #tpu.memory_space<vmem>>
      %dma_start3A_164 = tpu.memref_squeeze %dma_start3A_163 : memref<1x128xi32, #tpu.memory_space<vmem>> -> memref<128xi32, #tpu.memory_space<vmem>>
      %dma_start3A_165 = arith.constant 0 : i32
      %dma_start3A_166 = arith.constant 0 : i32
      %dma_start3A_167 = tpu.memref_slice %arg2[%dma_start3A_165, %dma_start3A_166] : memref<174080x32xf32, #tpu.memory_space<hbm>> -> memref<174080x32xf32, #tpu.memory_space<hbm>>
      tpu.enqueue_indirect_dma source(%dma_start3A_167 : memref<174080x32xf32, #tpu.memory_space<hbm>>) target(%dma_start3A_161 : memref<128x32xf32, #tpu.memory_space<vmem>>) offsets(%dma_start3A_164 : memref<128xi32, #tpu.memory_space<vmem>>) semaphore(%arg10 : memref<!tpu.dma_semaphore, #tpu.memory_space<semaphore_mem>>)
      %dma_start3A_168 = arith.constant 7 : i32
      %dma_start3A_169 = arith.constant 896 : i32
      %dma_start3A_170 = arith.constant 0 : i32
      %dma_start3A_171 = tpu.memref_slice %arg8[%dma_start3A_169, %dma_start3A_170] : memref<1024x32xf32, #tpu.memory_space<vmem>> -> memref<128x32xf32, #tpu.memory_space<vmem>>
      %dma_start3A_172 = arith.constant 0 : i32
      %dma_start3A_173 = tpu.memref_slice %arg6[%dma_start3A_168, %dma_start3A_172] : memref<8x128xi32, #tpu.memory_space<vmem>> -> memref<1x128xi32, #tpu.memory_space<vmem>>
      %dma_start3A_174 = tpu.memref_squeeze %dma_start3A_173 : memref<1x128xi32, #tpu.memory_space<vmem>> -> memref<128xi32, #tpu.memory_space<vmem>>
      %dma_start3A_175 = arith.constant 0 : i32
      %dma_start3A_176 = arith.constant 0 : i32
      %dma_start3A_177 = tpu.memref_slice %arg2[%dma_start3A_175, %dma_start3A_176] : memref<174080x32xf32, #tpu.memory_space<hbm>> -> memref<174080x32xf32, #tpu.memory_space<hbm>>
      tpu.enqueue_indirect_dma source(%dma_start3A_177 : memref<174080x32xf32, #tpu.memory_space<hbm>>) target(%dma_start3A_171 : memref<128x32xf32, #tpu.memory_space<vmem>>) offsets(%dma_start3A_174 : memref<128xi32, #tpu.memory_space<vmem>>) semaphore(%arg10 : memref<!tpu.dma_semaphore, #tpu.memory_space<semaphore_mem>>)
      %dma_wait3A = arith.constant 0 : i32
      %dma_wait3A_178 = arith.constant 0 : i32
      %dma_wait3A_179 = arith.constant 0 : i32
      %dma_wait3A_180 = tpu.memref_slice %arg7[%dma_wait3A_178, %dma_wait3A_179] : memref<1024x32xf32, #tpu.memory_space<vmem>> -> memref<128x32xf32, #tpu.memory_space<vmem>>
      %dma_wait3A_181 = arith.constant 0 : i32
      %dma_wait3A_182 = tpu.memref_slice %arg5[%dma_wait3A, %dma_wait3A_181] : memref<8x128xi32, #tpu.memory_space<vmem>> -> memref<1x128xi32, #tpu.memory_space<vmem>>
      %dma_wait3A_183 = tpu.memref_squeeze %dma_wait3A_182 : memref<1x128xi32, #tpu.memory_space<vmem>> -> memref<128xi32, #tpu.memory_space<vmem>>
      %dma_wait3A_184 = arith.constant 0 : i32
      %dma_wait3A_185 = arith.constant 0 : i32
      %dma_wait3A_186 = tpu.memref_slice %arg2[%dma_wait3A_184, %dma_wait3A_185] : memref<174080x32xf32, #tpu.memory_space<hbm>> -> memref<174080x32xf32, #tpu.memory_space<hbm>>
      tpu.wait_indirect_dma semaphore(%arg9 : memref<!tpu.dma_semaphore, #tpu.memory_space<semaphore_mem>>) src(%dma_wait3A_186 : memref<174080x32xf32, #tpu.memory_space<hbm>>) dst(%dma_wait3A_180 : memref<128x32xf32, #tpu.memory_space<vmem>>)
      %dma_wait3A_187 = arith.constant 1 : i32
      %dma_wait3A_188 = arith.constant 128 : i32
      %dma_wait3A_189 = arith.constant 0 : i32
      %dma_wait3A_190 = tpu.memref_slice %arg7[%dma_wait3A_188, %dma_wait3A_189] : memref<1024x32xf32, #tpu.memory_space<vmem>> -> memref<128x32xf32, #tpu.memory_space<vmem>>
      %dma_wait3A_191 = arith.constant 0 : i32
      %dma_wait3A_192 = tpu.memref_slice %arg5[%dma_wait3A_187, %dma_wait3A_191] : memref<8x128xi32, #tpu.memory_space<vmem>> -> memref<1x128xi32, #tpu.memory_space<vmem>>
      %dma_wait3A_193 = tpu.memref_squeeze %dma_wait3A_192 : memref<1x128xi32, #tpu.memory_space<vmem>> -> memref<128xi32, #tpu.memory_space<vmem>>
      %dma_wait3A_194 = arith.constant 0 : i32
      %dma_wait3A_195 = arith.constant 0 : i32
      %dma_wait3A_196 = tpu.memref_slice %arg2[%dma_wait3A_194, %dma_wait3A_195] : memref<174080x32xf32, #tpu.memory_space<hbm>> -> memref<174080x32xf32, #tpu.memory_space<hbm>>
      tpu.wait_indirect_dma semaphore(%arg9 : memref<!tpu.dma_semaphore, #tpu.memory_space<semaphore_mem>>) src(%dma_wait3A_196 : memref<174080x32xf32, #tpu.memory_space<hbm>>) dst(%dma_wait3A_190 : memref<128x32xf32, #tpu.memory_space<vmem>>)
      %dma_wait3A_197 = arith.constant 2 : i32
      %dma_wait3A_198 = arith.constant 256 : i32
      %dma_wait3A_199 = arith.constant 0 : i32
      %dma_wait3A_200 = tpu.memref_slice %arg7[%dma_wait3A_198, %dma_wait3A_199] : memref<1024x32xf32, #tpu.memory_space<vmem>> -> memref<128x32xf32, #tpu.memory_space<vmem>>
      %dma_wait3A_201 = arith.constant 0 : i32
      %dma_wait3A_202 = tpu.memref_slice %arg5[%dma_wait3A_197, %dma_wait3A_201] : memref<8x128xi32, #tpu.memory_space<vmem>> -> memref<1x128xi32, #tpu.memory_space<vmem>>
      %dma_wait3A_203 = tpu.memref_squeeze %dma_wait3A_202 : memref<1x128xi32, #tpu.memory_space<vmem>> -> memref<128xi32, #tpu.memory_space<vmem>>
      %dma_wait3A_204 = arith.constant 0 : i32
      %dma_wait3A_205 = arith.constant 0 : i32
      %dma_wait3A_206 = tpu.memref_slice %arg2[%dma_wait3A_204, %dma_wait3A_205] : memref<174080x32xf32, #tpu.memory_space<hbm>> -> memref<174080x32xf32, #tpu.memory_space<hbm>>
      tpu.wait_indirect_dma semaphore(%arg9 : memref<!tpu.dma_semaphore, #tpu.memory_space<semaphore_mem>>) src(%dma_wait3A_206 : memref<174080x32xf32, #tpu.memory_space<hbm>>) dst(%dma_wait3A_200 : memref<128x32xf32, #tpu.memory_space<vmem>>)
      %dma_wait3A_207 = arith.constant 3 : i32
      %dma_wait3A_208 = arith.constant 384 : i32
      %dma_wait3A_209 = arith.constant 0 : i32
      %dma_wait3A_210 = tpu.memref_slice %arg7[%dma_wait3A_208, %dma_wait3A_209] : memref<1024x32xf32, #tpu.memory_space<vmem>> -> memref<128x32xf32, #tpu.memory_space<vmem>>
      %dma_wait3A_211 = arith.constant 0 : i32
      %dma_wait3A_212 = tpu.memref_slice %arg5[%dma_wait3A_207, %dma_wait3A_211] : memref<8x128xi32, #tpu.memory_space<vmem>> -> memref<1x128xi32, #tpu.memory_space<vmem>>
      %dma_wait3A_213 = tpu.memref_squeeze %dma_wait3A_212 : memref<1x128xi32, #tpu.memory_space<vmem>> -> memref<128xi32, #tpu.memory_space<vmem>>
      %dma_wait3A_214 = arith.constant 0 : i32
      %dma_wait3A_215 = arith.constant 0 : i32
      %dma_wait3A_216 = tpu.memref_slice %arg2[%dma_wait3A_214, %dma_wait3A_215] : memref<174080x32xf32, #tpu.memory_space<hbm>> -> memref<174080x32xf32, #tpu.memory_space<hbm>>
      tpu.wait_indirect_dma semaphore(%arg9 : memref<!tpu.dma_semaphore, #tpu.memory_space<semaphore_mem>>) src(%dma_wait3A_216 : memref<174080x32xf32, #tpu.memory_space<hbm>>) dst(%dma_wait3A_210 : memref<128x32xf32, #tpu.memory_space<vmem>>)
      %dma_wait3A_217 = arith.constant 4 : i32
      %dma_wait3A_218 = arith.constant 512 : i32
      %dma_wait3A_219 = arith.constant 0 : i32
      %dma_wait3A_220 = tpu.memref_slice %arg7[%dma_wait3A_218, %dma_wait3A_219] : memref<1024x32xf32, #tpu.memory_space<vmem>> -> memref<128x32xf32, #tpu.memory_space<vmem>>
      %dma_wait3A_221 = arith.constant 0 : i32
      %dma_wait3A_222 = tpu.memref_slice %arg5[%dma_wait3A_217, %dma_wait3A_221] : memref<8x128xi32, #tpu.memory_space<vmem>> -> memref<1x128xi32, #tpu.memory_space<vmem>>
      %dma_wait3A_223 = tpu.memref_squeeze %dma_wait3A_222 : memref<1x128xi32, #tpu.memory_space<vmem>> -> memref<128xi32, #tpu.memory_space<vmem>>
      %dma_wait3A_224 = arith.constant 0 : i32
      %dma_wait3A_225 = arith.constant 0 : i32
      %dma_wait3A_226 = tpu.memref_slice %arg2[%dma_wait3A_224, %dma_wait3A_225] : memref<174080x32xf32, #tpu.memory_space<hbm>> -> memref<174080x32xf32, #tpu.memory_space<hbm>>
      tpu.wait_indirect_dma semaphore(%arg9 : memref<!tpu.dma_semaphore, #tpu.memory_space<semaphore_mem>>) src(%dma_wait3A_226 : memref<174080x32xf32, #tpu.memory_space<hbm>>) dst(%dma_wait3A_220 : memref<128x32xf32, #tpu.memory_space<vmem>>)
      %dma_wait3A_227 = arith.constant 5 : i32
      %dma_wait3A_228 = arith.constant 640 : i32
      %dma_wait3A_229 = arith.constant 0 : i32
      %dma_wait3A_230 = tpu.memref_slice %arg7[%dma_wait3A_228, %dma_wait3A_229] : memref<1024x32xf32, #tpu.memory_space<vmem>> -> memref<128x32xf32, #tpu.memory_space<vmem>>
      %dma_wait3A_231 = arith.constant 0 : i32
      %dma_wait3A_232 = tpu.memref_slice %arg5[%dma_wait3A_227, %dma_wait3A_231] : memref<8x128xi32, #tpu.memory_space<vmem>> -> memref<1x128xi32, #tpu.memory_space<vmem>>
      %dma_wait3A_233 = tpu.memref_squeeze %dma_wait3A_232 : memref<1x128xi32, #tpu.memory_space<vmem>> -> memref<128xi32, #tpu.memory_space<vmem>>
      %dma_wait3A_234 = arith.constant 0 : i32
      %dma_wait3A_235 = arith.constant 0 : i32
      %dma_wait3A_236 = tpu.memref_slice %arg2[%dma_wait3A_234, %dma_wait3A_235] : memref<174080x32xf32, #tpu.memory_space<hbm>> -> memref<174080x32xf32, #tpu.memory_space<hbm>>
      tpu.wait_indirect_dma semaphore(%arg9 : memref<!tpu.dma_semaphore, #tpu.memory_space<semaphore_mem>>) src(%dma_wait3A_236 : memref<174080x32xf32, #tpu.memory_space<hbm>>) dst(%dma_wait3A_230 : memref<128x32xf32, #tpu.memory_space<vmem>>)
      %dma_wait3A_237 = arith.constant 6 : i32
      %dma_wait3A_238 = arith.constant 768 : i32
      %dma_wait3A_239 = arith.constant 0 : i32
      %dma_wait3A_240 = tpu.memref_slice %arg7[%dma_wait3A_238, %dma_wait3A_239] : memref<1024x32xf32, #tpu.memory_space<vmem>> -> memref<128x32xf32, #tpu.memory_space<vmem>>
      %dma_wait3A_241 = arith.constant 0 : i32
      %dma_wait3A_242 = tpu.memref_slice %arg5[%dma_wait3A_237, %dma_wait3A_241] : memref<8x128xi32, #tpu.memory_space<vmem>> -> memref<1x128xi32, #tpu.memory_space<vmem>>
      %dma_wait3A_243 = tpu.memref_squeeze %dma_wait3A_242 : memref<1x128xi32, #tpu.memory_space<vmem>> -> memref<128xi32, #tpu.memory_space<vmem>>
      %dma_wait3A_244 = arith.constant 0 : i32
      %dma_wait3A_245 = arith.constant 0 : i32
      %dma_wait3A_246 = tpu.memref_slice %arg2[%dma_wait3A_244, %dma_wait3A_245] : memref<174080x32xf32, #tpu.memory_space<hbm>> -> memref<174080x32xf32, #tpu.memory_space<hbm>>
      tpu.wait_indirect_dma semaphore(%arg9 : memref<!tpu.dma_semaphore, #tpu.memory_space<semaphore_mem>>) src(%dma_wait3A_246 : memref<174080x32xf32, #tpu.memory_space<hbm>>) dst(%dma_wait3A_240 : memref<128x32xf32, #tpu.memory_space<vmem>>)
      %dma_wait3A_247 = arith.constant 7 : i32
      %dma_wait3A_248 = arith.constant 896 : i32
      %dma_wait3A_249 = arith.constant 0 : i32
      %dma_wait3A_250 = tpu.memref_slice %arg7[%dma_wait3A_248, %dma_wait3A_249] : memref<1024x32xf32, #tpu.memory_space<vmem>> -> memref<128x32xf32, #tpu.memory_space<vmem>>
      %dma_wait3A_251 = arith.constant 0 : i32
      %dma_wait3A_252 = tpu.memref_slice %arg5[%dma_wait3A_247, %dma_wait3A_251] : memref<8x128xi32, #tpu.memory_space<vmem>> -> memref<1x128xi32, #tpu.memory_space<vmem>>
      %dma_wait3A_253 = tpu.memref_squeeze %dma_wait3A_252 : memref<1x128xi32, #tpu.memory_space<vmem>> -> memref<128xi32, #tpu.memory_space<vmem>>
      %dma_wait3A_254 = arith.constant 0 : i32
      %dma_wait3A_255 = arith.constant 0 : i32
      %dma_wait3A_256 = tpu.memref_slice %arg2[%dma_wait3A_254, %dma_wait3A_255] : memref<174080x32xf32, #tpu.memory_space<hbm>> -> memref<174080x32xf32, #tpu.memory_space<hbm>>
      tpu.wait_indirect_dma semaphore(%arg9 : memref<!tpu.dma_semaphore, #tpu.memory_space<semaphore_mem>>) src(%dma_wait3A_256 : memref<174080x32xf32, #tpu.memory_space<hbm>>) dst(%dma_wait3A_250 : memref<128x32xf32, #tpu.memory_space<vmem>>)
      %mul3A_257 = arith.constant 8 : i32
      %mul3A_258 = arith.muli %mul3A_10, %mul3A_257 : i32
      %add3A_259 = arith.addi %mul3A_2, %mul3A_258 : i32
      %mul3A_260 = arith.constant 128 : i32
      %mul3A_261 = arith.muli %add3A_259, %mul3A_260 : i32
      "tpu.region"() ({
        %run_scoped3A = tpu.sem_alloc : memref<!tpu.dma_semaphore, #tpu.memory_space<semaphore_mem>>
        %dma_start3A_349 = arith.constant 0 : i32
        %dma_start3A_350 = tpu.memref_slice %arg4[%mul3A_261, %dma_start3A_349] : memref<11141120x32xf32, #tpu.memory_space<hbm>> -> memref<1024x32xf32, #tpu.memory_space<hbm>>
        %dma_start3A_351 = arith.constant 0 : i32
        %dma_start3A_352 = tpu.memref_slice %arg4[%mul3A_261, %dma_start3A_351] : memref<11141120x32xf32, #tpu.memory_space<hbm>> -> memref<1024x32xf32, #tpu.memory_space<hbm>>
        tpu.enqueue_dma source(%arg7 : memref<1024x32xf32, #tpu.memory_space<vmem>>) target(%dma_start3A_352 : memref<1024x32xf32, #tpu.memory_space<hbm>>) target_semaphore(%run_scoped3A : memref<!tpu.dma_semaphore, #tpu.memory_space<semaphore_mem>>)
        %dma_wait3A_353 = arith.constant 0 : i32
        %dma_wait3A_354 = tpu.memref_slice %arg4[%mul3A_261, %dma_wait3A_353] : memref<11141120x32xf32, #tpu.memory_space<hbm>> -> memref<1024x32xf32, #tpu.memory_space<hbm>>
        %dma_wait3A_355 = arith.constant 0 : i32
        %dma_wait3A_356 = tpu.memref_slice %arg4[%mul3A_261, %dma_wait3A_355] : memref<11141120x32xf32, #tpu.memory_space<hbm>> -> memref<1024x32xf32, #tpu.memory_space<hbm>>
        tpu.wait_dma2 semaphore(%run_scoped3A : memref<!tpu.dma_semaphore, #tpu.memory_space<semaphore_mem>>) src(%arg7 : memref<1024x32xf32, #tpu.memory_space<vmem>>) dst(%dma_wait3A_356 : memref<1024x32xf32, #tpu.memory_space<hbm>>)
        tpu.yield
      }) : () -> ()
      %add3A_262 = arith.constant 1 : i32
      %add3A_263 = arith.addi %mul3A_10, %add3A_262 : i32
      %dma_wait3A_264 = arith.constant 0 : i32
      %dma_wait3A_265 = arith.constant 0 : i32
      %dma_wait3A_266 = arith.constant 0 : i32
      %dma_wait3A_267 = tpu.memref_slice %arg8[%dma_wait3A_265, %dma_wait3A_266] : memref<1024x32xf32, #tpu.memory_space<vmem>> -> memref<128x32xf32, #tpu.memory_space<vmem>>
      %dma_wait3A_268 = arith.constant 0 : i32
      %dma_wait3A_269 = tpu.memref_slice %arg6[%dma_wait3A_264, %dma_wait3A_268] : memref<8x128xi32, #tpu.memory_space<vmem>> -> memref<1x128xi32, #tpu.memory_space<vmem>>
      %dma_wait3A_270 = tpu.memref_squeeze %dma_wait3A_269 : memref<1x128xi32, #tpu.memory_space<vmem>> -> memref<128xi32, #tpu.memory_space<vmem>>
      %dma_wait3A_271 = arith.constant 0 : i32
      %dma_wait3A_272 = arith.constant 0 : i32
      %dma_wait3A_273 = tpu.memref_slice %arg2[%dma_wait3A_271, %dma_wait3A_272] : memref<174080x32xf32, #tpu.memory_space<hbm>> -> memref<174080x32xf32, #tpu.memory_space<hbm>>
      tpu.wait_indirect_dma semaphore(%arg10 : memref<!tpu.dma_semaphore, #tpu.memory_space<semaphore_mem>>) src(%dma_wait3A_273 : memref<174080x32xf32, #tpu.memory_space<hbm>>) dst(%dma_wait3A_267 : memref<128x32xf32, #tpu.memory_space<vmem>>)
      %dma_wait3A_274 = arith.constant 1 : i32
      %dma_wait3A_275 = arith.constant 128 : i32
      %dma_wait3A_276 = arith.constant 0 : i32
      %dma_wait3A_277 = tpu.memref_slice %arg8[%dma_wait3A_275, %dma_wait3A_276] : memref<1024x32xf32, #tpu.memory_space<vmem>> -> memref<128x32xf32, #tpu.memory_space<vmem>>
      %dma_wait3A_278 = arith.constant 0 : i32
      %dma_wait3A_279 = tpu.memref_slice %arg6[%dma_wait3A_274, %dma_wait3A_278] : memref<8x128xi32, #tpu.memory_space<vmem>> -> memref<1x128xi32, #tpu.memory_space<vmem>>
      %dma_wait3A_280 = tpu.memref_squeeze %dma_wait3A_279 : memref<1x128xi32, #tpu.memory_space<vmem>> -> memref<128xi32, #tpu.memory_space<vmem>>
      %dma_wait3A_281 = arith.constant 0 : i32
      %dma_wait3A_282 = arith.constant 0 : i32
      %dma_wait3A_283 = tpu.memref_slice %arg2[%dma_wait3A_281, %dma_wait3A_282] : memref<174080x32xf32, #tpu.memory_space<hbm>> -> memref<174080x32xf32, #tpu.memory_space<hbm>>
      tpu.wait_indirect_dma semaphore(%arg10 : memref<!tpu.dma_semaphore, #tpu.memory_space<semaphore_mem>>) src(%dma_wait3A_283 : memref<174080x32xf32, #tpu.memory_space<hbm>>) dst(%dma_wait3A_277 : memref<128x32xf32, #tpu.memory_space<vmem>>)
      %dma_wait3A_284 = arith.constant 2 : i32
      %dma_wait3A_285 = arith.constant 256 : i32
      %dma_wait3A_286 = arith.constant 0 : i32
      %dma_wait3A_287 = tpu.memref_slice %arg8[%dma_wait3A_285, %dma_wait3A_286] : memref<1024x32xf32, #tpu.memory_space<vmem>> -> memref<128x32xf32, #tpu.memory_space<vmem>>
      %dma_wait3A_288 = arith.constant 0 : i32
      %dma_wait3A_289 = tpu.memref_slice %arg6[%dma_wait3A_284, %dma_wait3A_288] : memref<8x128xi32, #tpu.memory_space<vmem>> -> memref<1x128xi32, #tpu.memory_space<vmem>>
      %dma_wait3A_290 = tpu.memref_squeeze %dma_wait3A_289 : memref<1x128xi32, #tpu.memory_space<vmem>> -> memref<128xi32, #tpu.memory_space<vmem>>
      %dma_wait3A_291 = arith.constant 0 : i32
      %dma_wait3A_292 = arith.constant 0 : i32
      %dma_wait3A_293 = tpu.memref_slice %arg2[%dma_wait3A_291, %dma_wait3A_292] : memref<174080x32xf32, #tpu.memory_space<hbm>> -> memref<174080x32xf32, #tpu.memory_space<hbm>>
      tpu.wait_indirect_dma semaphore(%arg10 : memref<!tpu.dma_semaphore, #tpu.memory_space<semaphore_mem>>) src(%dma_wait3A_293 : memref<174080x32xf32, #tpu.memory_space<hbm>>) dst(%dma_wait3A_287 : memref<128x32xf32, #tpu.memory_space<vmem>>)
      %dma_wait3A_294 = arith.constant 3 : i32
      %dma_wait3A_295 = arith.constant 384 : i32
      %dma_wait3A_296 = arith.constant 0 : i32
      %dma_wait3A_297 = tpu.memref_slice %arg8[%dma_wait3A_295, %dma_wait3A_296] : memref<1024x32xf32, #tpu.memory_space<vmem>> -> memref<128x32xf32, #tpu.memory_space<vmem>>
      %dma_wait3A_298 = arith.constant 0 : i32
      %dma_wait3A_299 = tpu.memref_slice %arg6[%dma_wait3A_294, %dma_wait3A_298] : memref<8x128xi32, #tpu.memory_space<vmem>> -> memref<1x128xi32, #tpu.memory_space<vmem>>
      %dma_wait3A_300 = tpu.memref_squeeze %dma_wait3A_299 : memref<1x128xi32, #tpu.memory_space<vmem>> -> memref<128xi32, #tpu.memory_space<vmem>>
      %dma_wait3A_301 = arith.constant 0 : i32
      %dma_wait3A_302 = arith.constant 0 : i32
      %dma_wait3A_303 = tpu.memref_slice %arg2[%dma_wait3A_301, %dma_wait3A_302] : memref<174080x32xf32, #tpu.memory_space<hbm>> -> memref<174080x32xf32, #tpu.memory_space<hbm>>
      tpu.wait_indirect_dma semaphore(%arg10 : memref<!tpu.dma_semaphore, #tpu.memory_space<semaphore_mem>>) src(%dma_wait3A_303 : memref<174080x32xf32, #tpu.memory_space<hbm>>) dst(%dma_wait3A_297 : memref<128x32xf32, #tpu.memory_space<vmem>>)
      %dma_wait3A_304 = arith.constant 4 : i32
      %dma_wait3A_305 = arith.constant 512 : i32
      %dma_wait3A_306 = arith.constant 0 : i32
      %dma_wait3A_307 = tpu.memref_slice %arg8[%dma_wait3A_305, %dma_wait3A_306] : memref<1024x32xf32, #tpu.memory_space<vmem>> -> memref<128x32xf32, #tpu.memory_space<vmem>>
      %dma_wait3A_308 = arith.constant 0 : i32
      %dma_wait3A_309 = tpu.memref_slice %arg6[%dma_wait3A_304, %dma_wait3A_308] : memref<8x128xi32, #tpu.memory_space<vmem>> -> memref<1x128xi32, #tpu.memory_space<vmem>>
      %dma_wait3A_310 = tpu.memref_squeeze %dma_wait3A_309 : memref<1x128xi32, #tpu.memory_space<vmem>> -> memref<128xi32, #tpu.memory_space<vmem>>
      %dma_wait3A_311 = arith.constant 0 : i32
      %dma_wait3A_312 = arith.constant 0 : i32
      %dma_wait3A_313 = tpu.memref_slice %arg2[%dma_wait3A_311, %dma_wait3A_312] : memref<174080x32xf32, #tpu.memory_space<hbm>> -> memref<174080x32xf32, #tpu.memory_space<hbm>>
      tpu.wait_indirect_dma semaphore(%arg10 : memref<!tpu.dma_semaphore, #tpu.memory_space<semaphore_mem>>) src(%dma_wait3A_313 : memref<174080x32xf32, #tpu.memory_space<hbm>>) dst(%dma_wait3A_307 : memref<128x32xf32, #tpu.memory_space<vmem>>)
      %dma_wait3A_314 = arith.constant 5 : i32
      %dma_wait3A_315 = arith.constant 640 : i32
      %dma_wait3A_316 = arith.constant 0 : i32
      %dma_wait3A_317 = tpu.memref_slice %arg8[%dma_wait3A_315, %dma_wait3A_316] : memref<1024x32xf32, #tpu.memory_space<vmem>> -> memref<128x32xf32, #tpu.memory_space<vmem>>
      %dma_wait3A_318 = arith.constant 0 : i32
      %dma_wait3A_319 = tpu.memref_slice %arg6[%dma_wait3A_314, %dma_wait3A_318] : memref<8x128xi32, #tpu.memory_space<vmem>> -> memref<1x128xi32, #tpu.memory_space<vmem>>
      %dma_wait3A_320 = tpu.memref_squeeze %dma_wait3A_319 : memref<1x128xi32, #tpu.memory_space<vmem>> -> memref<128xi32, #tpu.memory_space<vmem>>
      %dma_wait3A_321 = arith.constant 0 : i32
      %dma_wait3A_322 = arith.constant 0 : i32
      %dma_wait3A_323 = tpu.memref_slice %arg2[%dma_wait3A_321, %dma_wait3A_322] : memref<174080x32xf32, #tpu.memory_space<hbm>> -> memref<174080x32xf32, #tpu.memory_space<hbm>>
      tpu.wait_indirect_dma semaphore(%arg10 : memref<!tpu.dma_semaphore, #tpu.memory_space<semaphore_mem>>) src(%dma_wait3A_323 : memref<174080x32xf32, #tpu.memory_space<hbm>>) dst(%dma_wait3A_317 : memref<128x32xf32, #tpu.memory_space<vmem>>)
      %dma_wait3A_324 = arith.constant 6 : i32
      %dma_wait3A_325 = arith.constant 768 : i32
      %dma_wait3A_326 = arith.constant 0 : i32
      %dma_wait3A_327 = tpu.memref_slice %arg8[%dma_wait3A_325, %dma_wait3A_326] : memref<1024x32xf32, #tpu.memory_space<vmem>> -> memref<128x32xf32, #tpu.memory_space<vmem>>
      %dma_wait3A_328 = arith.constant 0 : i32
      %dma_wait3A_329 = tpu.memref_slice %arg6[%dma_wait3A_324, %dma_wait3A_328] : memref<8x128xi32, #tpu.memory_space<vmem>> -> memref<1x128xi32, #tpu.memory_space<vmem>>
      %dma_wait3A_330 = tpu.memref_squeeze %dma_wait3A_329 : memref<1x128xi32, #tpu.memory_space<vmem>> -> memref<128xi32, #tpu.memory_space<vmem>>
      %dma_wait3A_331 = arith.constant 0 : i32
      %dma_wait3A_332 = arith.constant 0 : i32
      %dma_wait3A_333 = tpu.memref_slice %arg2[%dma_wait3A_331, %dma_wait3A_332] : memref<174080x32xf32, #tpu.memory_space<hbm>> -> memref<174080x32xf32, #tpu.memory_space<hbm>>
      tpu.wait_indirect_dma semaphore(%arg10 : memref<!tpu.dma_semaphore, #tpu.memory_space<semaphore_mem>>) src(%dma_wait3A_333 : memref<174080x32xf32, #tpu.memory_space<hbm>>) dst(%dma_wait3A_327 : memref<128x32xf32, #tpu.memory_space<vmem>>)
      %dma_wait3A_334 = arith.constant 7 : i32
      %dma_wait3A_335 = arith.constant 896 : i32
      %dma_wait3A_336 = arith.constant 0 : i32
      %dma_wait3A_337 = tpu.memref_slice %arg8[%dma_wait3A_335, %dma_wait3A_336] : memref<1024x32xf32, #tpu.memory_space<vmem>> -> memref<128x32xf32, #tpu.memory_space<vmem>>
      %dma_wait3A_338 = arith.constant 0 : i32
      %dma_wait3A_339 = tpu.memref_slice %arg6[%dma_wait3A_334, %dma_wait3A_338] : memref<8x128xi32, #tpu.memory_space<vmem>> -> memref<1x128xi32, #tpu.memory_space<vmem>>
      %dma_wait3A_340 = tpu.memref_squeeze %dma_wait3A_339 : memref<1x128xi32, #tpu.memory_space<vmem>> -> memref<128xi32, #tpu.memory_space<vmem>>
      %dma_wait3A_341 = arith.constant 0 : i32
      %dma_wait3A_342 = arith.constant 0 : i32
      %dma_wait3A_343 = tpu.memref_slice %arg2[%dma_wait3A_341, %dma_wait3A_342] : memref<174080x32xf32, #tpu.memory_space<hbm>> -> memref<174080x32xf32, #tpu.memory_space<hbm>>
      tpu.wait_indirect_dma semaphore(%arg10 : memref<!tpu.dma_semaphore, #tpu.memory_space<semaphore_mem>>) src(%dma_wait3A_343 : memref<174080x32xf32, #tpu.memory_space<hbm>>) dst(%dma_wait3A_337 : memref<128x32xf32, #tpu.memory_space<vmem>>)
      %mul3A_344 = arith.constant 8 : i32
      %mul3A_345 = arith.muli %add3A_263, %mul3A_344 : i32
      %add3A_346 = arith.addi %mul3A_2, %mul3A_345 : i32
      %mul3A_347 = arith.constant 128 : i32
      %mul3A_348 = arith.muli %add3A_346, %mul3A_347 : i32
      "tpu.region"() ({
        %run_scoped3A = tpu.sem_alloc : memref<!tpu.dma_semaphore, #tpu.memory_space<semaphore_mem>>
        %dma_start3A_349 = arith.constant 0 : i32
        %dma_start3A_350 = tpu.memref_slice %arg4[%mul3A_348, %dma_start3A_349] : memref<11141120x32xf32, #tpu.memory_space<hbm>> -> memref<1024x32xf32, #tpu.memory_space<hbm>>
        %dma_start3A_351 = arith.constant 0 : i32
        %dma_start3A_352 = tpu.memref_slice %arg4[%mul3A_348, %dma_start3A_351] : memref<11141120x32xf32, #tpu.memory_space<hbm>> -> memref<1024x32xf32, #tpu.memory_space<hbm>>
        tpu.enqueue_dma source(%arg8 : memref<1024x32xf32, #tpu.memory_space<vmem>>) target(%dma_start3A_352 : memref<1024x32xf32, #tpu.memory_space<hbm>>) target_semaphore(%run_scoped3A : memref<!tpu.dma_semaphore, #tpu.memory_space<semaphore_mem>>)
        %dma_wait3A_353 = arith.constant 0 : i32
        %dma_wait3A_354 = tpu.memref_slice %arg4[%mul3A_348, %dma_wait3A_353] : memref<11141120x32xf32, #tpu.memory_space<hbm>> -> memref<1024x32xf32, #tpu.memory_space<hbm>>
        %dma_wait3A_355 = arith.constant 0 : i32
        %dma_wait3A_356 = tpu.memref_slice %arg4[%mul3A_348, %dma_wait3A_355] : memref<11141120x32xf32, #tpu.memory_space<hbm>> -> memref<1024x32xf32, #tpu.memory_space<hbm>>
        tpu.wait_dma2 semaphore(%run_scoped3A : memref<!tpu.dma_semaphore, #tpu.memory_space<semaphore_mem>>) src(%arg8 : memref<1024x32xf32, #tpu.memory_space<vmem>>) dst(%dma_wait3A_356 : memref<1024x32xf32, #tpu.memory_space<hbm>>)
        tpu.yield
      }) : () -> ()
    }
    %scan3A_7 = arith.constant 170 : i32
    return
  }
}

module attributes {stable_mosaic.version = 14 : i64} {
  func.func @_proj_body(%arg0: i32, %arg1: memref<256x256xf32, #tpu.memory_space<vmem>>, %arg2: memref<256x256xf32, #tpu.memory_space<vmem>>, %arg3: memref<256x256xf32, #tpu.memory_space<vmem>>, %arg4: memref<1x256xf32, #tpu.memory_space<vmem>>, %arg5: memref<256x384xf32, #tpu.memory_space<vmem>>, %arg6: memref<1x384xf32, #tpu.memory_space<vmem>>, %arg7: memref<256x256xf32, #tpu.memory_space<vmem>>, %arg8: memref<256x256xf32, #tpu.memory_space<vmem>>, %arg9: memref<256x128xf32, #tpu.memory_space<vmem>>) attributes {dimension_semantics = [#tpu.dimension_semantics<arbitrary>], iteration_bounds = array<i64: 85>, scalar_prefetch = 0 : i64, scratch_operands = 0 : i64, tpu.core_type = #tpu.core_type<tc>, window_params = [{transform_indices = @transform_0, window_bounds = array<i64: 256, 256>}, {transform_indices = @transform_1, window_bounds = array<i64: 256, 256>}, {pipeline_mode = #tpu.pipeline_mode<synchronous>, transform_indices = @transform_2, window_bounds = array<i64: 256, 256>}, {pipeline_mode = #tpu.pipeline_mode<synchronous>, transform_indices = @transform_3, window_bounds = array<i64: 1, 256>}, {pipeline_mode = #tpu.pipeline_mode<synchronous>, transform_indices = @transform_4, window_bounds = array<i64: 256, 384>}, {pipeline_mode = #tpu.pipeline_mode<synchronous>, transform_indices = @transform_5, window_bounds = array<i64: 1, 384>}, {transform_indices = @transform_6, window_bounds = array<i64: 256, 256>}, {transform_indices = @transform_7, window_bounds = array<i64: 256, 256>}, {transform_indices = @transform_8, window_bounds = array<i64: 256, 128>}]} {
    %get3A = arith.constant 0 : index
    %get3A_0 = arith.constant 0 : index
    %get3A_1 = vector.load %arg1[%get3A, %get3A_0] : memref<256x256xf32, #tpu.memory_space<vmem>>, vector<256x256xf32>
    %get3A_2 = arith.constant 0 : index
    %get3A_3 = arith.constant 0 : index
    %get3A_4 = vector.load %arg3[%get3A_2, %get3A_3] : memref<256x256xf32, #tpu.memory_space<vmem>>, vector<256x256xf32>
    %dot_general3A = arith.constant dense<0.000000e+00> : vector<256x256xf32>
    %dot_general3A_5 = tpu.matmul %get3A_1, %get3A_4, %dot_general3A {dimension_numbers = #tpu.dot_dimension_numbers<[1], [0], [0], [1], [0, 0, 1, 1], [], []>, transpose_lhs_hint = false} : vector<256x256xf32>, vector<256x256xf32>, vector<256x256xf32> -> vector<256x256xf32>
    %get3A_6 = arith.constant 0 : index
    %get3A_7 = arith.constant 0 : index
    %get3A_8 = vector.load %arg4[%get3A_6, %get3A_7] : memref<1x256xf32, #tpu.memory_space<vmem>>, vector<1x256xf32>
    %add3A = vector.broadcast %get3A_8 : vector<1x256xf32> to vector<256x256xf32>
    %add3A_9 = arith.addf %dot_general3A_5, %add3A : vector<256x256xf32>
    %swap3A = arith.constant 0 : index
    %swap3A_10 = arith.constant 0 : index
    %swap3A_11 = vector.load %arg7[%swap3A, %swap3A_10] : memref<256x256xf32, #tpu.memory_space<vmem>>, vector<256x256xf32>
    tpu.vector_store %arg7[%swap3A, %swap3A_10], %add3A_9 {strides = array<i32>} : memref<256x256xf32, #tpu.memory_space<vmem>>, vector<256x256xf32>,
    %get3A_12 = arith.constant 0 : index
    %get3A_13 = arith.constant 0 : index
    %get3A_14 = vector.load %arg2[%get3A_12, %get3A_13] : memref<256x256xf32, #tpu.memory_space<vmem>>, vector<256x256xf32>
    %get3A_15 = arith.constant 0 : index
    %get3A_16 = arith.constant 0 : index
    %get3A_17 = vector.load %arg5[%get3A_15, %get3A_16] : memref<256x384xf32, #tpu.memory_space<vmem>>, vector<256x384xf32>
    %dot_general3A_18 = arith.constant dense<0.000000e+00> : vector<256x384xf32>
    %dot_general3A_19 = tpu.matmul %get3A_14, %get3A_17, %dot_general3A_18 {dimension_numbers = #tpu.dot_dimension_numbers<[1], [0], [0], [1], [0, 0, 1, 1], [], []>, transpose_lhs_hint = false} : vector<256x256xf32>, vector<256x384xf32>, vector<256x384xf32> -> vector<256x384xf32>
    %get3A_20 = arith.constant 0 : index
    %get3A_21 = arith.constant 0 : index
    %get3A_22 = vector.load %arg6[%get3A_20, %get3A_21] : memref<1x384xf32, #tpu.memory_space<vmem>>, vector<1x384xf32>
    %add3A_23 = vector.broadcast %get3A_22 : vector<1x384xf32> to vector<256x384xf32>
    %add3A_24 = arith.addf %dot_general3A_19, %add3A_23 : vector<256x384xf32>
    %slice3A = vector.extract_strided_slice %add3A_24 {offsets = [0, 0], sizes = [256, 256], strides = [1, 1]} : vector<256x384xf32> to vector<256x256xf32>
    %swap3A_25 = arith.constant 0 : index
    %swap3A_26 = arith.constant 0 : index
    %swap3A_27 = vector.load %arg8[%swap3A_25, %swap3A_26] : memref<256x256xf32, #tpu.memory_space<vmem>>, vector<256x256xf32>
    tpu.vector_store %arg8[%swap3A_25, %swap3A_26], %slice3A {strides = array<i32>} : memref<256x256xf32, #tpu.memory_space<vmem>>, vector<256x256xf32>,
    %slice3A_28 = vector.extract_strided_slice %add3A_24 {offsets = [0, 256], sizes = [256, 16], strides = [1, 1]} : vector<256x384xf32> to vector<256x16xf32>
    %reduce_max3A = arith.constant dense<0xFF800000> : vector<256xf32>
    %reduce_max3A_29 = vector.multi_reduction <maximumf>, %slice3A_28, %reduce_max3A [1] : vector<256x16xf32> to vector<256xf32>
    %broadcast_in_dim3A = vector.shape_cast %reduce_max3A_29 : vector<256xf32> to vector<256x1xf32>
    %sub3A = vector.broadcast %broadcast_in_dim3A : vector<256x1xf32> to vector<256x16xf32>
    %sub3A_30 = arith.subf %slice3A_28, %sub3A : vector<256x16xf32>
    %exp3A = math.exp %sub3A_30 : vector<256x16xf32>
    %reduce_sum3A = arith.constant dense<0.000000e+00> : vector<256xf32>
    %reduce_sum3A_31 = vector.multi_reduction <add>, %exp3A, %reduce_sum3A [1] : vector<256x16xf32> to vector<256xf32>
    %broadcast_in_dim3A_32 = vector.shape_cast %reduce_sum3A_31 : vector<256xf32> to vector<256x1xf32>
    %div3A = vector.broadcast %broadcast_in_dim3A_32 : vector<256x1xf32> to vector<256x16xf32>
    %div3A_33 = arith.divf %exp3A, %div3A : vector<256x16xf32>
    %swap3A_34 = arith.constant 0 : index
    %swap3A_35 = arith.constant 0 : index
    %swap3A_36 = vector.load %arg9[%swap3A_34, %swap3A_35] : memref<256x128xf32, #tpu.memory_space<vmem>>, vector<256x16xf32>
    tpu.vector_store %arg9[%swap3A_34, %swap3A_35], %div3A_33 {strides = array<i32>} : memref<256x128xf32, #tpu.memory_space<vmem>>, vector<256x16xf32>,
    %slice3A_37 = vector.extract_strided_slice %add3A_24 {offsets = [0, 272], sizes = [256, 16], strides = [1, 1]} : vector<256x384xf32> to vector<256x16xf32>
    %reduce_max3A_38 = arith.constant dense<0xFF800000> : vector<256xf32>
    %reduce_max3A_39 = vector.multi_reduction <maximumf>, %slice3A_37, %reduce_max3A_38 [1] : vector<256x16xf32> to vector<256xf32>
    %broadcast_in_dim3A_40 = vector.shape_cast %reduce_max3A_39 : vector<256xf32> to vector<256x1xf32>
    %sub3A_41 = vector.broadcast %broadcast_in_dim3A_40 : vector<256x1xf32> to vector<256x16xf32>
    %sub3A_42 = arith.subf %slice3A_37, %sub3A_41 : vector<256x16xf32>
    %exp3A_43 = math.exp %sub3A_42 : vector<256x16xf32>
    %reduce_sum3A_44 = arith.constant dense<0.000000e+00> : vector<256xf32>
    %reduce_sum3A_45 = vector.multi_reduction <add>, %exp3A_43, %reduce_sum3A_44 [1] : vector<256x16xf32> to vector<256xf32>
    %broadcast_in_dim3A_46 = vector.shape_cast %reduce_sum3A_45 : vector<256xf32> to vector<256x1xf32>
    %div3A_47 = vector.broadcast %broadcast_in_dim3A_46 : vector<256x1xf32> to vector<256x16xf32>
    %div3A_48 = arith.divf %exp3A_43, %div3A_47 : vector<256x16xf32>
    %swap3A_49 = arith.constant 0 : index
    %swap3A_50 = arith.constant 16 : index
    %swap3A_51 = vector.load %arg9[%swap3A_49, %swap3A_50] : memref<256x128xf32, #tpu.memory_space<vmem>>, vector<256x16xf32>
    tpu.vector_store %arg9[%swap3A_49, %swap3A_50], %div3A_48 {strides = array<i32>} : memref<256x128xf32, #tpu.memory_space<vmem>>, vector<256x16xf32>,
    %slice3A_52 = vector.extract_strided_slice %add3A_24 {offsets = [0, 288], sizes = [256, 16], strides = [1, 1]} : vector<256x384xf32> to vector<256x16xf32>
    %reduce_max3A_53 = arith.constant dense<0xFF800000> : vector<256xf32>
    %reduce_max3A_54 = vector.multi_reduction <maximumf>, %slice3A_52, %reduce_max3A_53 [1] : vector<256x16xf32> to vector<256xf32>
    %broadcast_in_dim3A_55 = vector.shape_cast %reduce_max3A_54 : vector<256xf32> to vector<256x1xf32>
    %sub3A_56 = vector.broadcast %broadcast_in_dim3A_55 : vector<256x1xf32> to vector<256x16xf32>
    %sub3A_57 = arith.subf %slice3A_52, %sub3A_56 : vector<256x16xf32>
    %exp3A_58 = math.exp %sub3A_57 : vector<256x16xf32>
    %reduce_sum3A_59 = arith.constant dense<0.000000e+00> : vector<256xf32>
    %reduce_sum3A_60 = vector.multi_reduction <add>, %exp3A_58, %reduce_sum3A_59 [1] : vector<256x16xf32> to vector<256xf32>
    %broadcast_in_dim3A_61 = vector.shape_cast %reduce_sum3A_60 : vector<256xf32> to vector<256x1xf32>
    %div3A_62 = vector.broadcast %broadcast_in_dim3A_61 : vector<256x1xf32> to vector<256x16xf32>
    %div3A_63 = arith.divf %exp3A_58, %div3A_62 : vector<256x16xf32>
    %swap3A_64 = arith.constant 0 : index
    %swap3A_65 = arith.constant 32 : index
    %swap3A_66 = vector.load %arg9[%swap3A_64, %swap3A_65] : memref<256x128xf32, #tpu.memory_space<vmem>>, vector<256x16xf32>
    tpu.vector_store %arg9[%swap3A_64, %swap3A_65], %div3A_63 {strides = array<i32>} : memref<256x128xf32, #tpu.memory_space<vmem>>, vector<256x16xf32>,
    %slice3A_67 = vector.extract_strided_slice %add3A_24 {offsets = [0, 304], sizes = [256, 16], strides = [1, 1]} : vector<256x384xf32> to vector<256x16xf32>
    %reduce_max3A_68 = arith.constant dense<0xFF800000> : vector<256xf32>
    %reduce_max3A_69 = vector.multi_reduction <maximumf>, %slice3A_67, %reduce_max3A_68 [1] : vector<256x16xf32> to vector<256xf32>
    %broadcast_in_dim3A_70 = vector.shape_cast %reduce_max3A_69 : vector<256xf32> to vector<256x1xf32>
    %sub3A_71 = vector.broadcast %broadcast_in_dim3A_70 : vector<256x1xf32> to vector<256x16xf32>
    %sub3A_72 = arith.subf %slice3A_67, %sub3A_71 : vector<256x16xf32>
    %exp3A_73 = math.exp %sub3A_72 : vector<256x16xf32>
    %reduce_sum3A_74 = arith.constant dense<0.000000e+00> : vector<256xf32>
    %reduce_sum3A_75 = vector.multi_reduction <add>, %exp3A_73, %reduce_sum3A_74 [1] : vector<256x16xf32> to vector<256xf32>
    %broadcast_in_dim3A_76 = vector.shape_cast %reduce_sum3A_75 : vector<256xf32> to vector<256x1xf32>
    %div3A_77 = vector.broadcast %broadcast_in_dim3A_76 : vector<256x1xf32> to vector<256x16xf32>
    %div3A_78 = arith.divf %exp3A_73, %div3A_77 : vector<256x16xf32>
    %swap3A_79 = arith.constant 0 : index
    %swap3A_80 = arith.constant 48 : index
    %swap3A_81 = vector.load %arg9[%swap3A_79, %swap3A_80] : memref<256x128xf32, #tpu.memory_space<vmem>>, vector<256x16xf32>
    tpu.vector_store %arg9[%swap3A_79, %swap3A_80], %div3A_78 {strides = array<i32>} : memref<256x128xf32, #tpu.memory_space<vmem>>, vector<256x16xf32>,
    %slice3A_82 = vector.extract_strided_slice %add3A_24 {offsets = [0, 320], sizes = [256, 16], strides = [1, 1]} : vector<256x384xf32> to vector<256x16xf32>
    %reduce_max3A_83 = arith.constant dense<0xFF800000> : vector<256xf32>
    %reduce_max3A_84 = vector.multi_reduction <maximumf>, %slice3A_82, %reduce_max3A_83 [1] : vector<256x16xf32> to vector<256xf32>
    %broadcast_in_dim3A_85 = vector.shape_cast %reduce_max3A_84 : vector<256xf32> to vector<256x1xf32>
    %sub3A_86 = vector.broadcast %broadcast_in_dim3A_85 : vector<256x1xf32> to vector<256x16xf32>
    %sub3A_87 = arith.subf %slice3A_82, %sub3A_86 : vector<256x16xf32>
    %exp3A_88 = math.exp %sub3A_87 : vector<256x16xf32>
    %reduce_sum3A_89 = arith.constant dense<0.000000e+00> : vector<256xf32>
    %reduce_sum3A_90 = vector.multi_reduction <add>, %exp3A_88, %reduce_sum3A_89 [1] : vector<256x16xf32> to vector<256xf32>
    %broadcast_in_dim3A_91 = vector.shape_cast %reduce_sum3A_90 : vector<256xf32> to vector<256x1xf32>
    %div3A_92 = vector.broadcast %broadcast_in_dim3A_91 : vector<256x1xf32> to vector<256x16xf32>
    %div3A_93 = arith.divf %exp3A_88, %div3A_92 : vector<256x16xf32>
    %swap3A_94 = arith.constant 0 : index
    %swap3A_95 = arith.constant 64 : index
    %swap3A_96 = vector.load %arg9[%swap3A_94, %swap3A_95] : memref<256x128xf32, #tpu.memory_space<vmem>>, vector<256x16xf32>
    tpu.vector_store %arg9[%swap3A_94, %swap3A_95], %div3A_93 {strides = array<i32>} : memref<256x128xf32, #tpu.memory_space<vmem>>, vector<256x16xf32>,
    %slice3A_97 = vector.extract_strided_slice %add3A_24 {offsets = [0, 336], sizes = [256, 16], strides = [1, 1]} : vector<256x384xf32> to vector<256x16xf32>
    %reduce_max3A_98 = arith.constant dense<0xFF800000> : vector<256xf32>
    %reduce_max3A_99 = vector.multi_reduction <maximumf>, %slice3A_97, %reduce_max3A_98 [1] : vector<256x16xf32> to vector<256xf32>
    %broadcast_in_dim3A_100 = vector.shape_cast %reduce_max3A_99 : vector<256xf32> to vector<256x1xf32>
    %sub3A_101 = vector.broadcast %broadcast_in_dim3A_100 : vector<256x1xf32> to vector<256x16xf32>
    %sub3A_102 = arith.subf %slice3A_97, %sub3A_101 : vector<256x16xf32>
    %exp3A_103 = math.exp %sub3A_102 : vector<256x16xf32>
    %reduce_sum3A_104 = arith.constant dense<0.000000e+00> : vector<256xf32>
    %reduce_sum3A_105 = vector.multi_reduction <add>, %exp3A_103, %reduce_sum3A_104 [1] : vector<256x16xf32> to vector<256xf32>
    %broadcast_in_dim3A_106 = vector.shape_cast %reduce_sum3A_105 : vector<256xf32> to vector<256x1xf32>
    %div3A_107 = vector.broadcast %broadcast_in_dim3A_106 : vector<256x1xf32> to vector<256x16xf32>
    %div3A_108 = arith.divf %exp3A_103, %div3A_107 : vector<256x16xf32>
    %swap3A_109 = arith.constant 0 : index
    %swap3A_110 = arith.constant 80 : index
    %swap3A_111 = vector.load %arg9[%swap3A_109, %swap3A_110] : memref<256x128xf32, #tpu.memory_space<vmem>>, vector<256x16xf32>
    tpu.vector_store %arg9[%swap3A_109, %swap3A_110], %div3A_108 {strides = array<i32>} : memref<256x128xf32, #tpu.memory_space<vmem>>, vector<256x16xf32>,
    %slice3A_112 = vector.extract_strided_slice %add3A_24 {offsets = [0, 352], sizes = [256, 16], strides = [1, 1]} : vector<256x384xf32> to vector<256x16xf32>
    %reduce_max3A_113 = arith.constant dense<0xFF800000> : vector<256xf32>
    %reduce_max3A_114 = vector.multi_reduction <maximumf>, %slice3A_112, %reduce_max3A_113 [1] : vector<256x16xf32> to vector<256xf32>
    %broadcast_in_dim3A_115 = vector.shape_cast %reduce_max3A_114 : vector<256xf32> to vector<256x1xf32>
    %sub3A_116 = vector.broadcast %broadcast_in_dim3A_115 : vector<256x1xf32> to vector<256x16xf32>
    %sub3A_117 = arith.subf %slice3A_112, %sub3A_116 : vector<256x16xf32>
    %exp3A_118 = math.exp %sub3A_117 : vector<256x16xf32>
    %reduce_sum3A_119 = arith.constant dense<0.000000e+00> : vector<256xf32>
    %reduce_sum3A_120 = vector.multi_reduction <add>, %exp3A_118, %reduce_sum3A_119 [1] : vector<256x16xf32> to vector<256xf32>
    %broadcast_in_dim3A_121 = vector.shape_cast %reduce_sum3A_120 : vector<256xf32> to vector<256x1xf32>
    %div3A_122 = vector.broadcast %broadcast_in_dim3A_121 : vector<256x1xf32> to vector<256x16xf32>
    %div3A_123 = arith.divf %exp3A_118, %div3A_122 : vector<256x16xf32>
    %swap3A_124 = arith.constant 0 : index
    %swap3A_125 = arith.constant 96 : index
    %swap3A_126 = vector.load %arg9[%swap3A_124, %swap3A_125] : memref<256x128xf32, #tpu.memory_space<vmem>>, vector<256x16xf32>
    tpu.vector_store %arg9[%swap3A_124, %swap3A_125], %div3A_123 {strides = array<i32>} : memref<256x128xf32, #tpu.memory_space<vmem>>, vector<256x16xf32>,
    %slice3A_127 = vector.extract_strided_slice %add3A_24 {offsets = [0, 368], sizes = [256, 16], strides = [1, 1]} : vector<256x384xf32> to vector<256x16xf32>
    %reduce_max3A_128 = arith.constant dense<0xFF800000> : vector<256xf32>
    %reduce_max3A_129 = vector.multi_reduction <maximumf>, %slice3A_127, %reduce_max3A_128 [1] : vector<256x16xf32> to vector<256xf32>
    %broadcast_in_dim3A_130 = vector.shape_cast %reduce_max3A_129 : vector<256xf32> to vector<256x1xf32>
    %sub3A_131 = vector.broadcast %broadcast_in_dim3A_130 : vector<256x1xf32> to vector<256x16xf32>
    %sub3A_132 = arith.subf %slice3A_127, %sub3A_131 : vector<256x16xf32>
    %exp3A_133 = math.exp %sub3A_132 : vector<256x16xf32>
    %reduce_sum3A_134 = arith.constant dense<0.000000e+00> : vector<256xf32>
    %reduce_sum3A_135 = vector.multi_reduction <add>, %exp3A_133, %reduce_sum3A_134 [1] : vector<256x16xf32> to vector<256xf32>
    %broadcast_in_dim3A_136 = vector.shape_cast %reduce_sum3A_135 : vector<256xf32> to vector<256x1xf32>
    %div3A_137 = vector.broadcast %broadcast_in_dim3A_136 : vector<256x1xf32> to vector<256x16xf32>
    %div3A_138 = arith.divf %exp3A_133, %div3A_137 : vector<256x16xf32>
    %swap3A_139 = arith.constant 0 : index
    %swap3A_140 = arith.constant 112 : index
    %swap3A_141 = vector.load %arg9[%swap3A_139, %swap3A_140] : memref<256x128xf32, #tpu.memory_space<vmem>>, vector<256x16xf32>
    tpu.vector_store %arg9[%swap3A_139, %swap3A_140], %div3A_138 {strides = array<i32>} : memref<256x128xf32, #tpu.memory_space<vmem>>, vector<256x16xf32>,
    return
  }
  func.func @transform_0(%arg0: i32) -> (i32, i32) {
    %c0_i32 = arith.constant 0 : i32
    %c0_i32_0 = arith.constant 0 : i32
    return %arg0, %c0_i32 : i32, i32
  }
  func.func @transform_1(%arg0: i32) -> (i32, i32) {
    %c0_i32 = arith.constant 0 : i32
    %c0_i32_0 = arith.constant 0 : i32
    return %arg0, %c0_i32 : i32, i32
  }
  func.func @transform_2(%arg0: i32) -> (i32, i32) {
    %c0_i32 = arith.constant 0 : i32
    %c0_i32_0 = arith.constant 0 : i32
    %c0_i32_1 = arith.constant 0 : i32
    return %c0_i32, %c0_i32_0 : i32, i32
  }
  func.func @transform_3(%arg0: i32) -> (i32, i32) {
    %c0_i32 = arith.constant 0 : i32
    %c0_i32_0 = arith.constant 0 : i32
    %c0_i32_1 = arith.constant 0 : i32
    return %c0_i32, %c0_i32_0 : i32, i32
  }
  func.func @transform_4(%arg0: i32) -> (i32, i32) {
    %c0_i32 = arith.constant 0 : i32
    %c0_i32_0 = arith.constant 0 : i32
    %c0_i32_1 = arith.constant 0 : i32
    return %c0_i32, %c0_i32_0 : i32, i32
  }
  func.func @transform_5(%arg0: i32) -> (i32, i32) {
    %c0_i32 = arith.constant 0 : i32
    %c0_i32_0 = arith.constant 0 : i32
    %c0_i32_1 = arith.constant 0 : i32
    return %c0_i32, %c0_i32_0 : i32, i32
  }
  func.func @transform_6(%arg0: i32) -> (i32, i32) {
    %c0_i32 = arith.constant 0 : i32
    %c0_i32_0 = arith.constant 0 : i32
    return %arg0, %c0_i32 : i32, i32
  }
  func.func @transform_7(%arg0: i32) -> (i32, i32) {
    %c0_i32 = arith.constant 0 : i32
    %c0_i32_0 = arith.constant 0 : i32
    return %arg0, %c0_i32 : i32, i32
  }
  func.func @transform_8(%arg0: i32) -> (i32, i32) {
    %c0_i32 = arith.constant 0 : i32
    %c0_i32_0 = arith.constant 0 : i32
    return %arg0, %c0_i32 : i32, i32
  }
}

module attributes {stable_mosaic.version = 14 : i64} {
  func.func @_reduce_body(%arg0: i32, %arg1: memref<8192x32xf32, #tpu.memory_space<vmem>>, %arg2: memref<16x512xf32, #tpu.memory_space<vmem>>, %arg3: memref<256x256xf32, #tpu.memory_space<vmem>>, %arg4: memref<1x256xf32, #tpu.memory_space<vmem>>, %arg5: memref<16x256xf32, #tpu.memory_space<vmem>>) attributes {dimension_semantics = [#tpu.dimension_semantics<arbitrary>], iteration_bounds = array<i64: 1360>, scalar_prefetch = 0 : i64, scratch_operands = 0 : i64, tpu.core_type = #tpu.core_type<tc>, window_params = [{transform_indices = @transform_0, window_bounds = array<i64: 8192, 32>}, {transform_indices = @transform_1, window_bounds = array<i64: 16, 512>}, {pipeline_mode = #tpu.pipeline_mode<synchronous>, transform_indices = @transform_2, window_bounds = array<i64: 256, 256>}, {pipeline_mode = #tpu.pipeline_mode<synchronous>, transform_indices = @transform_3, window_bounds = array<i64: 1, 256>}, {transform_indices = @transform_4, window_bounds = array<i64: 16, 256>}]} {
    %get3A = arith.constant 0 : index
    %get3A_0 = arith.constant 0 : index
    %get3A_1 = vector.load %arg1[%get3A, %get3A_0] : memref<8192x32xf32, #tpu.memory_space<vmem>>, vector<8192x32xf32>
    %reshape3A = vector.shape_cast %get3A_1 : vector<8192x32xf32> to vector<16x8x64x32xf32>
    %get3A_2 = arith.constant 0 : index
    %get3A_3 = arith.constant 0 : index
    %get3A_4 = vector.load %arg2[%get3A_2, %get3A_3] : memref<16x512xf32, #tpu.memory_space<vmem>>, vector<16x64xf32>
    %slice3A = vector.extract_strided_slice %reshape3A {offsets = [0, 0, 0, 0], sizes = [16, 1, 64, 32], strides = [1, 1, 1, 1]} : vector<16x8x64x32xf32> to vector<16x1x64x32xf32>
    %squeeze3A = vector.shape_cast %slice3A : vector<16x1x64x32xf32> to vector<16x64x32xf32>
    %broadcast_in_dim3A = vector.shape_cast %get3A_4 : vector<16x64xf32> to vector<16x64x1xf32>
    %mul3A = vector.broadcast %broadcast_in_dim3A : vector<16x64x1xf32> to vector<16x64x32xf32>
    %mul3A_5 = arith.mulf %squeeze3A, %mul3A : vector<16x64x32xf32>
    %reduce_sum3A = arith.constant dense<0.000000e+00> : vector<16x32xf32>
    %reduce_sum3A_6 = vector.multi_reduction <add>, %mul3A_5, %reduce_sum3A [1] : vector<16x64x32xf32> to vector<16x32xf32>
    %get3A_7 = arith.constant 0 : index
    %get3A_8 = arith.constant 64 : index
    %get3A_9 = vector.load %arg2[%get3A_7, %get3A_8] : memref<16x512xf32, #tpu.memory_space<vmem>>, vector<16x64xf32>
    %slice3A_10 = vector.extract_strided_slice %reshape3A {offsets = [0, 1, 0, 0], sizes = [16, 1, 64, 32], strides = [1, 1, 1, 1]} : vector<16x8x64x32xf32> to vector<16x1x64x32xf32>
    %squeeze3A_11 = vector.shape_cast %slice3A_10 : vector<16x1x64x32xf32> to vector<16x64x32xf32>
    %broadcast_in_dim3A_12 = vector.shape_cast %get3A_9 : vector<16x64xf32> to vector<16x64x1xf32>
    %mul3A_13 = vector.broadcast %broadcast_in_dim3A_12 : vector<16x64x1xf32> to vector<16x64x32xf32>
    %mul3A_14 = arith.mulf %squeeze3A_11, %mul3A_13 : vector<16x64x32xf32>
    %reduce_sum3A_15 = arith.constant dense<0.000000e+00> : vector<16x32xf32>
    %reduce_sum3A_16 = vector.multi_reduction <add>, %mul3A_14, %reduce_sum3A_15 [1] : vector<16x64x32xf32> to vector<16x32xf32>
    %get3A_17 = arith.constant 0 : index
    %get3A_18 = arith.constant 128 : index
    %get3A_19 = vector.load %arg2[%get3A_17, %get3A_18] : memref<16x512xf32, #tpu.memory_space<vmem>>, vector<16x64xf32>
    %slice3A_20 = vector.extract_strided_slice %reshape3A {offsets = [0, 2, 0, 0], sizes = [16, 1, 64, 32], strides = [1, 1, 1, 1]} : vector<16x8x64x32xf32> to vector<16x1x64x32xf32>
    %squeeze3A_21 = vector.shape_cast %slice3A_20 : vector<16x1x64x32xf32> to vector<16x64x32xf32>
    %broadcast_in_dim3A_22 = vector.shape_cast %get3A_19 : vector<16x64xf32> to vector<16x64x1xf32>
    %mul3A_23 = vector.broadcast %broadcast_in_dim3A_22 : vector<16x64x1xf32> to vector<16x64x32xf32>
    %mul3A_24 = arith.mulf %squeeze3A_21, %mul3A_23 : vector<16x64x32xf32>
    %reduce_sum3A_25 = arith.constant dense<0.000000e+00> : vector<16x32xf32>
    %reduce_sum3A_26 = vector.multi_reduction <add>, %mul3A_24, %reduce_sum3A_25 [1] : vector<16x64x32xf32> to vector<16x32xf32>
    %get3A_27 = arith.constant 0 : index
    %get3A_28 = arith.constant 192 : index
    %get3A_29 = vector.load %arg2[%get3A_27, %get3A_28] : memref<16x512xf32, #tpu.memory_space<vmem>>, vector<16x64xf32>
    %slice3A_30 = vector.extract_strided_slice %reshape3A {offsets = [0, 3, 0, 0], sizes = [16, 1, 64, 32], strides = [1, 1, 1, 1]} : vector<16x8x64x32xf32> to vector<16x1x64x32xf32>
    %squeeze3A_31 = vector.shape_cast %slice3A_30 : vector<16x1x64x32xf32> to vector<16x64x32xf32>
    %broadcast_in_dim3A_32 = vector.shape_cast %get3A_29 : vector<16x64xf32> to vector<16x64x1xf32>
    %mul3A_33 = vector.broadcast %broadcast_in_dim3A_32 : vector<16x64x1xf32> to vector<16x64x32xf32>
    %mul3A_34 = arith.mulf %squeeze3A_31, %mul3A_33 : vector<16x64x32xf32>
    %reduce_sum3A_35 = arith.constant dense<0.000000e+00> : vector<16x32xf32>
    %reduce_sum3A_36 = vector.multi_reduction <add>, %mul3A_34, %reduce_sum3A_35 [1] : vector<16x64x32xf32> to vector<16x32xf32>
    %get3A_37 = arith.constant 0 : index
    %get3A_38 = arith.constant 256 : index
    %get3A_39 = vector.load %arg2[%get3A_37, %get3A_38] : memref<16x512xf32, #tpu.memory_space<vmem>>, vector<16x64xf32>
    %slice3A_40 = vector.extract_strided_slice %reshape3A {offsets = [0, 4, 0, 0], sizes = [16, 1, 64, 32], strides = [1, 1, 1, 1]} : vector<16x8x64x32xf32> to vector<16x1x64x32xf32>
    %squeeze3A_41 = vector.shape_cast %slice3A_40 : vector<16x1x64x32xf32> to vector<16x64x32xf32>
    %broadcast_in_dim3A_42 = vector.shape_cast %get3A_39 : vector<16x64xf32> to vector<16x64x1xf32>
    %mul3A_43 = vector.broadcast %broadcast_in_dim3A_42 : vector<16x64x1xf32> to vector<16x64x32xf32>
    %mul3A_44 = arith.mulf %squeeze3A_41, %mul3A_43 : vector<16x64x32xf32>
    %reduce_sum3A_45 = arith.constant dense<0.000000e+00> : vector<16x32xf32>
    %reduce_sum3A_46 = vector.multi_reduction <add>, %mul3A_44, %reduce_sum3A_45 [1] : vector<16x64x32xf32> to vector<16x32xf32>
    %get3A_47 = arith.constant 0 : index
    %get3A_48 = arith.constant 320 : index
    %get3A_49 = vector.load %arg2[%get3A_47, %get3A_48] : memref<16x512xf32, #tpu.memory_space<vmem>>, vector<16x64xf32>
    %slice3A_50 = vector.extract_strided_slice %reshape3A {offsets = [0, 5, 0, 0], sizes = [16, 1, 64, 32], strides = [1, 1, 1, 1]} : vector<16x8x64x32xf32> to vector<16x1x64x32xf32>
    %squeeze3A_51 = vector.shape_cast %slice3A_50 : vector<16x1x64x32xf32> to vector<16x64x32xf32>
    %broadcast_in_dim3A_52 = vector.shape_cast %get3A_49 : vector<16x64xf32> to vector<16x64x1xf32>
    %mul3A_53 = vector.broadcast %broadcast_in_dim3A_52 : vector<16x64x1xf32> to vector<16x64x32xf32>
    %mul3A_54 = arith.mulf %squeeze3A_51, %mul3A_53 : vector<16x64x32xf32>
    %reduce_sum3A_55 = arith.constant dense<0.000000e+00> : vector<16x32xf32>
    %reduce_sum3A_56 = vector.multi_reduction <add>, %mul3A_54, %reduce_sum3A_55 [1] : vector<16x64x32xf32> to vector<16x32xf32>
    %get3A_57 = arith.constant 0 : index
    %get3A_58 = arith.constant 384 : index
    %get3A_59 = vector.load %arg2[%get3A_57, %get3A_58] : memref<16x512xf32, #tpu.memory_space<vmem>>, vector<16x64xf32>
    %slice3A_60 = vector.extract_strided_slice %reshape3A {offsets = [0, 6, 0, 0], sizes = [16, 1, 64, 32], strides = [1, 1, 1, 1]} : vector<16x8x64x32xf32> to vector<16x1x64x32xf32>
    %squeeze3A_61 = vector.shape_cast %slice3A_60 : vector<16x1x64x32xf32> to vector<16x64x32xf32>
    %broadcast_in_dim3A_62 = vector.shape_cast %get3A_59 : vector<16x64xf32> to vector<16x64x1xf32>
    %mul3A_63 = vector.broadcast %broadcast_in_dim3A_62 : vector<16x64x1xf32> to vector<16x64x32xf32>
    %mul3A_64 = arith.mulf %squeeze3A_61, %mul3A_63 : vector<16x64x32xf32>
    %reduce_sum3A_65 = arith.constant dense<0.000000e+00> : vector<16x32xf32>
    %reduce_sum3A_66 = vector.multi_reduction <add>, %mul3A_64, %reduce_sum3A_65 [1] : vector<16x64x32xf32> to vector<16x32xf32>
    %get3A_67 = arith.constant 0 : index
    %get3A_68 = arith.constant 448 : index
    %get3A_69 = vector.load %arg2[%get3A_67, %get3A_68] : memref<16x512xf32, #tpu.memory_space<vmem>>, vector<16x64xf32>
    %slice3A_70 = vector.extract_strided_slice %reshape3A {offsets = [0, 7, 0, 0], sizes = [16, 1, 64, 32], strides = [1, 1, 1, 1]} : vector<16x8x64x32xf32> to vector<16x1x64x32xf32>
    %squeeze3A_71 = vector.shape_cast %slice3A_70 : vector<16x1x64x32xf32> to vector<16x64x32xf32>
    %broadcast_in_dim3A_72 = vector.shape_cast %get3A_69 : vector<16x64xf32> to vector<16x64x1xf32>
    %mul3A_73 = vector.broadcast %broadcast_in_dim3A_72 : vector<16x64x1xf32> to vector<16x64x32xf32>
    %mul3A_74 = arith.mulf %squeeze3A_71, %mul3A_73 : vector<16x64x32xf32>
    %reduce_sum3A_75 = arith.constant dense<0.000000e+00> : vector<16x32xf32>
    %reduce_sum3A_76 = vector.multi_reduction <add>, %mul3A_74, %reduce_sum3A_75 [1] : vector<16x64x32xf32> to vector<16x32xf32>
    %concatenate3A = tpu.concatenate %reduce_sum3A_6, %reduce_sum3A_16, %reduce_sum3A_26, %reduce_sum3A_36, %reduce_sum3A_46, %reduce_sum3A_56, %reduce_sum3A_66, %reduce_sum3A_76 in 1 : vector<16x32xf32>, vector<16x32xf32>, vector<16x32xf32>, vector<16x32xf32>, vector<16x32xf32>, vector<16x32xf32>, vector<16x32xf32>, vector<16x32xf32> -> vector<16x256xf32>
    %get3A_77 = arith.constant 0 : index
    %get3A_78 = arith.constant 0 : index
    %get3A_79 = vector.load %arg3[%get3A_77, %get3A_78] : memref<256x256xf32, #tpu.memory_space<vmem>>, vector<256x256xf32>
    %dot_general3A = arith.constant dense<0.000000e+00> : vector<16x256xf32>
    %dot_general3A_80 = tpu.matmul %concatenate3A, %get3A_79, %dot_general3A {dimension_numbers = #tpu.dot_dimension_numbers<[1], [0], [0], [1], [0, 0, 1, 1], [], []>, transpose_lhs_hint = false} : vector<16x256xf32>, vector<256x256xf32>, vector<16x256xf32> -> vector<16x256xf32>
    %get3A_81 = arith.constant 0 : index
    %get3A_82 = arith.constant 0 : index
    %get3A_83 = vector.load %arg4[%get3A_81, %get3A_82] : memref<1x256xf32, #tpu.memory_space<vmem>>, vector<1x256xf32>
    %add3A = vector.broadcast %get3A_83 : vector<1x256xf32> to vector<16x256xf32>
    %add3A_84 = arith.addf %dot_general3A_80, %add3A : vector<16x256xf32>
    %swap3A = arith.constant 0 : index
    %swap3A_85 = arith.constant 0 : index
    %swap3A_86 = vector.load %arg5[%swap3A, %swap3A_85] : memref<16x256xf32, #tpu.memory_space<vmem>>, vector<16x256xf32>
    tpu.vector_store %arg5[%swap3A, %swap3A_85], %add3A_84 {strides = array<i32>} : memref<16x256xf32, #tpu.memory_space<vmem>>, vector<16x256xf32>,
    return
  }
  func.func @transform_0(%arg0: i32) -> (i32, i32) {
    %c0_i32 = arith.constant 0 : i32
    %c0_i32_0 = arith.constant 0 : i32
    return %arg0, %c0_i32 : i32, i32
  }
  func.func @transform_1(%arg0: i32) -> (i32, i32) {
    %c0_i32 = arith.constant 0 : i32
    %c0_i32_0 = arith.constant 0 : i32
    return %arg0, %c0_i32 : i32, i32
  }
  func.func @transform_2(%arg0: i32) -> (i32, i32) {
    %c0_i32 = arith.constant 0 : i32
    %c0_i32_0 = arith.constant 0 : i32
    %c0_i32_1 = arith.constant 0 : i32
    return %c0_i32, %c0_i32_0 : i32, i32
  }
  func.func @transform_3(%arg0: i32) -> (i32, i32) {
    %c0_i32 = arith.constant 0 : i32
    %c0_i32_0 = arith.constant 0 : i32
    %c0_i32_1 = arith.constant 0 : i32
    return %c0_i32, %c0_i32_0 : i32, i32
  }
  func.func @transform_4(%arg0: i32) -> (i32, i32) {
    %c0_i32 = arith.constant 0 : i32
    %c0_i32_0 = arith.constant 0 : i32
    return %arg0, %c0_i32 : i32, i32
  }
}

</mosaic_0001>

<sc_bundles>
// kernel: kernel.5.cloned.1.call-start
scs
__scs_entry_jumppad:
0x0: {  	(pc) =	sbr.rel $0x88, $3  }
0x1: {  	(tag) =	ssettag $0x0;
	lr =	simm.s32 $0x1  }
0x2: {  	[smem:$0x3F96] =	sst lr;
	_ =	strace $0xD0000000  }
0x3: {  	_ = 	snop  }
0x4: {  	_ = 	snop  }
0x5: {  	_ = 	snop  }
0x6: {  	_ = 	snop  }
0x7: {  	_ = 	snop  }
__scs_overlays_trampoline_lowered:
0x8: {  	[smem:$0x3FA5] =	sst s0  }
0x9: {  	[smem:$0x3FA6] =	sst s1  }
0xa: {  	[smem:$0x3FA7] =	sst s2  }
0xb: {  	[smem:$0x3FA8] =	sst s3  }
0xc: {  	[smem:$0x3FA9] =	sst s4  }
0xd: {  	[smem:$0x3FAA] =	sst s5  }
0xe: {  	[smem:$0x3FAB] =	sst s6  }
0xf: {  	[smem:$0x3FAC] =	sst s7  }
0x10: {  	[smem:$0x3FAD] =	sst s8  }
0x11: {  	[smem:$0x3FAE] =	sst s9;
	s0 =	simm.s32 @!p0 $0x0  }
0x12: {  	s1 =	sld [smem:$0x3F94];
	s0 =	simm.s32 @p0 $0x1  }
0x13: {  	[smem:$0x3FAF] =	sst s0;
	s0 =	simm.s32 @!p1 $0x0  }
0x14: {  	s2 =	sld [smem:$0x3F93];
	s0 =	simm.s32 @p1 $0x1  }
0x15: {  	[smem:$0x3FB0] =	sst s0;
	s0 =	simm.s32 @!p2 $0x0  }
0x16: {  	s3 =	sld [smem:$0x3FDB];
	s0 =	simm.s32 @p2 $0x1  }
0x17: {  	s4 =	simm.s32 $0x1BF5;
	[smem:$0x3FB2] =	sst s0  }
0x18: {  	s0 =	sld [smem:$0x3F95];
	_ =	swait.ge [sflag:s4], $0x0  }
0x19: {  	s7 =	sld [smem:$0x3F96]  }
0x1a: {  	s8 =	sadd.s32 $0xFFFFE003, lr  }
0x1b: {  	s9 =	sadd.s32 $0xFFFFFEF7, lr;
	s5 =	simm.s32 $0xFFFFFFFF;
	p2 =	slt.u32 s8, $0xFFFFF086  }
0x1c: {  	p1 =	slt.u32 s9, $0xF7A;
	s5 =	simm.s32 @!p2 $0x0  }
0x1d: {  	s5 =	simm.s32 @p1 $0x1;
	p0 =	seq.s32 s7, s2  }
0x1e: {  	s7 =	smul.u32 @!p0 $0xF7A, s2;
	p2 =	seq.s32 @!p0 s5, $0x0  }
0x1f: {  	s9 =	smul.u32 $0xF7A, s1;
	s8 =	simm.s32 @!p0 $0x1BF5;
	p2 =	por !p2, p0  }
0x20: {  	[sflag:s8] =	ssyncset.s32 @!p0 $0xFFFFF086;
	s6 =	sadd.s32 @!p0 s3, s7;
	s7 =	simm.s32 @!p0 $0x108  }
0x21: {  	s3 =	sadd.s32 s3, s9;
	s6 =	sadd.s32 @!p0 $0x88, s6;
	s7 =	simm.s32 @p2 $0x1082  }
0x22: {  	[simem:s7], [sflag:s8] =	dma.local @!p0 [hbm:s6], $0xF7A  }
0x23: {  	s9 =	sor.u32 $0xD0000000, s2;
	s6 =	simm.s32 $0x108;
	_ =	swait.ge @!p0 [sflag:s8], $0x0  }
0x24: {  	s3 =	sadd.s32 $0x88, s3;
	s6 =	simm.s32 @!p1 $0x1082;
	[sflag:s4] =	ssyncset.s32 $0xFFFFF086  }
0x25: {  	[simem:s6], [sflag:s4] =	dma.local [hbm:s3], $0xF7A  }
0x26: {  	[smem:$0x3F96] =	sst s1;
	(tag) =	ssettag s2;
	_ =	strace s9  }
0x27: {  	s1 =	sld [smem:$0x3FA6]  }
0x28: {  	s2 =	sld [smem:$0x3FA7]  }
0x29: {  	s4 =	sld [smem:$0x3FA9]  }
0x2a: {  	p0 =	seq.s32 s5, $0x0;
	s5 =	sld [smem:$0x3FAA]  }
0x2b: {  	s6 =	sld [smem:$0x3FAB]  }
0x2c: {  	s7 =	sld [smem:$0x3FAC]  }
0x2d: {  	s3 =	simm.s32 $0x108;
	s8 =	sld [smem:$0x3FAD]  }
0x2e: {  	s3 =	simm.s32 @!p0 $0x1082;
	s9 =	sld [smem:$0x3FAE]  }
0x2f: {  	lr =	sadd.s32 s0, s3;
	s0 =	sld [smem:$0x3FA5]  }
0x30: {  	s3 =	sld [smem:$0x3FA8]  }
0x31: {  	[smem:$0x3FB1] =	sst s10  }
0x32: {  	s10 =	sld [smem:$0x3FAF];
	_ =	sdelay $0x3  }
0x33: {  	p0 =	seq.s32 s10, $0x1;
	s10 =	sld [smem:$0x3FB1];
	_ =	sdelay $0x3  }
0x34: {  	[smem:$0x3FB1] =	sst s10  }
0x35: {  	s10 =	sld [smem:$0x3FB0];
	_ =	sdelay $0x3  }
0x36: {  	p1 =	seq.s32 s10, $0x1;
	s10 =	sld [smem:$0x3FB1];
	_ =	sdelay $0x3  }
0x37: {  	[smem:$0x3FB1] =	sst s10  }
0x38: {  	s10 =	sld [smem:$0x3FB2]  }
0x39: {  	_ = 	snop;
	(pc) =	sbr.ind lr, $3  }
0x3a: {  	_ = 	snop  }
0x3b: {  	_ = 	snop  }
0x3c: {  	p2 =	seq.s32 s10, $0x1;
	s10 =	sld [smem:$0x3FB1]  }
0x3d: {  	_ =	shalt  }
0x3e: {  	_ =	shalt  }
0x3f: {  	_ =	shalt  }
0x40: {  	_ =	shalt  }
0x41: {  	_ =	shalt  }
0x42: {  	_ =	shalt  }
0x43: {  	_ =	shalt  }
0x44: {  	_ =	shalt  }
0x45: {  	_ =	shalt  }
0x46: {  	_ =	shalt  }
0x47: {  	_ =	shalt  }
0x48: {  	_ =	shalt  }
0x49: {  	_ =	shalt  }
0x4a: {  	_ =	shalt  }
0x4b: {  	_ =	shalt  }
0x4c: {  	_ =	shalt  }
0x4d: {  	_ =	shalt  }
0x4e: {  	_ =	shalt  }
0x4f: {  	_ =	shalt  }
0x50: {  	_ =	shalt  }
0x51: {  	_ =	shalt  }
0x52: {  	_ =	shalt  }
0x53: {  	_ =	shalt  }
0x54: {  	_ =	shalt  }
0x55: {  	_ =	shalt  }
0x56: {  	_ =	shalt  }
0x57: {  	_ =	shalt  }
0x58: {  	_ =	shalt  }
0x59: {  	_ =	shalt  }
0x5a: {  	_ =	shalt  }
0x5b: {  	_ =	shalt  }
0x5c: {  	_ =	shalt  }
0x5d: {  	_ =	shalt  }
0x5e: {  	_ =	shalt  }
0x5f: {  	_ =	shalt  }
0x60: {  	_ =	shalt  }
0x61: {  	_ =	shalt  }
0x62: {  	_ =	shalt  }
0x63: {  	_ =	shalt  }
0x64: {  	_ =	shalt  }
0x65: {  	_ =	shalt  }
0x66: {  	_ =	shalt  }
0x67: {  	_ =	shalt  }
0x68: {  	_ =	shalt  }
0x69: {  	_ =	shalt  }
0x6a: {  	_ =	shalt  }
0x6b: {  	_ =	shalt  }
0x6c: {  	_ =	shalt  }
0x6d: {  	_ =	shalt  }
0x6e: {  	_ =	shalt  }
0x6f: {  	_ =	shalt  }
0x70: {  	_ =	shalt  }
0x71: {  	_ =	shalt  }
0x72: {  	_ =	shalt  }
0x73: {  	_ =	shalt  }
0x74: {  	_ =	shalt  }
0x75: {  	_ =	shalt  }
0x76: {  	_ =	shalt  }
0x77: {  	_ =	shalt  }
0x78: {  	_ =	shalt  }
0x79: {  	_ =	shalt  }
0x7a: {  	_ =	shalt  }
0x7b: {  	_ =	shalt  }
0x7c: {  	_ =	shalt  }
0x7d: {  	_ =	shalt  }
0x7e: {  	_ =	shalt  }
0x7f: {  	_ =	shalt  }
0x80: {  	_ =	shalt  }
0x81: {  	_ =	shalt  }
0x82: {  	_ =	shalt  }
0x83: {  	_ =	shalt  }
0x84: {  	_ =	shalt  }
0x85: {  	_ =	shalt  }
0x86: {  	_ =	shalt  }
0x87: {  	_ =	shalt  }
.Lfunc_end0:
.L_simem_size_0:
called_computation.7_lowered:
.L_overlay_start_0:
0x88: {  	s2 =	sld [smem:$0x3FD9]  }
0x89: {  	s3 =	sld [smem:$0x3FFE];
	_ =	sdelay $0x1  }
0x8a: {  	s1 =	srdreg.scid  }
0x8b: {  	s0 =	sand.u32 $0x1, s1  }
0x8c: {  	s17 =	sshll.u32 s0, $0xA;
	s2 =	sadd.s32 s3, s2  }
0x8d: {  	s2 =	sadd.s32 s2, s17  }
0x8e: {  	[smem:$0x3FBD] =	sst s2  }
0x8f: {  	_ = 	snop  }
0x90: {  	s18 =	sld [smem:$0x3FD0];
	(tm) =	ssettm $0x1  }
0x91: {  	s19 =	sld [smem:$0x3FFB];
	_ =	sdelay $0x3  }
0x92: {  	_ =	strace s19  }
0x93: {  	s2 =	sld [smem:$0x3FFC];
	_ =	sdelay $0x3  }
0x94: {  	_ =	strace s2  }
0x95: {  	s2 =	sld [smem:$0x3FFD];
	_ =	sdelay $0x3  }
0x96: {  	_ =	strace s2  }
0x97: {  	_ =	strace $0x8FFFFFFF  }
0x98: {  	s20 =	sld [smem:$0x3FDB];
	_ =	sdelay $0x1  }
0x99: {  	s4 =	simm.s32 $_scs_section_size  }
0x9a: {  	s5 =	simm.s32 $_size__tile_overlayer_lowered;
	s6 =	simm.s32 $_tile_overlayer_lowered  }
0x9b: {  	s7 =	simm.s32 $0x1BFF;
	s21 =	sshll.u32 s6, $0x1;
	s4 =	sadd.s32 s4, s20  }
0x9c: {  	s22 =	simm.s32 $0x0;
	s5 =	sshll.u32 s5, $0x1;
	s6 =	sadd.s32 s21, s4  }
0x9d: {  	[timem:s22], [sflag:s7] =	dma.local [hbm:s6], s5  }
0x9e: {  	_ =	swait.ge [sflag:s7], s5  }
0x9f: {  	s5 =	ssub.s32 $0x0, s5;
	[sflag:s7] =	ssyncset.done $0x0  }
0xa0: {  	[sflag:s7] =	ssyncadd.s32 s5;
	_ =	sdelay $0x1  }
0xa1: {  	s23 =	simm.s32 $0x1B8B  }
0xa2: {  	_ =	swait.ge [sflag:s23], $0x1  }
0xa3: {  	[sflag:s23] =	ssyncset.done $0x0  }
0xa4: {  	[sflag:s23] =	ssyncadd.s32 $0xFFFFFFFF  }
0xa5: {  	s5 =	sld [smem:$0x0]  }
0xa6: {  	s6 =	sand.u32 $0xFFFFFFFE, s1  }
0xa7: {  	p0 =	sne.s32 s1, s6  }
0xa8: {  	s6 =	sshll.u32 @p0 s6, $0xE  }
0xa9: {  	s6 =	sadd.s32 @p0 $0x11B8D, s6;
	s7 =	sshll.u32 @p0 s5, $0x11  }
0xaa: {  	s6 =	sor.u32 @p0 s7, s6  }
0xab: {  	[sflag:s6] =	ssyncadd.remote.s32 @p0 $0x1;
	_ =	sdelay $0x1  }
0xac: {  	s6 =	simm.s32 @p0 $0x1B8D  }
0xad: {  	_ =	swait.eq @p0 [sflag:s6], $0x1  }
0xae: {  	[sflag:s6] =	ssyncadd.s32 @p0 $0xFFFFFFFF  }
0xaf: {  	s7 =	sshll.u32 @!p0 s1, $0xE  }
0xb0: {  	s7 =	sor.u32 @!p0 $0x4000, s7;
	s6 =	simm.s32 @!p0 $0x1B8D  }
0xb1: {  	s5 =	sshll.u32 @!p0 s5, $0x11;
	s7 =	sadd.s32 @!p0 $0x11B8D, s7;
	_ =	swait.eq @!p0 [sflag:s6], $0x1  }
0xb2: {  	s5 =	sor.u32 @!p0 s5, s7;
	[sflag:s6] =	ssyncadd.s32 @!p0 $0xFFFFFFFF  }
0xb3: {  	s25 =	simm.s32 $0x1B8E;
	s24 =	sld [smem:$0x3FFE];
	[sflag:s5] =	ssyncadd.remote.s32 @!p0 $0x1  }
0xb4: {  	s26 =	simm.s32 $execute0_lowered;
	[smem:$0x3FD2] =	sst s25  }
0xb5: {  	s6 =	sshll.u32 s26, $0x1;
	_ =	strace $0x8000005B;
	[dreg:$0x1] =	wrdreg $0xFFFFFFFF  }
0xb6: {  	s28 =	simm.s32 $_size_execute0_lowered;
	s4 =	sadd.s32 s4, s6;
	[dreg:$0x0] =	wrdreg $0x0  }
0xb7: {  	s6 =	sshll.u32 s28, $0x1;
	[dreg:$0x2] =	wrdreg s4  }
0xb8: {  	[dreg:$0x3] =	wrdreg s6  }
0xb9: {  	[dreg:$0x4] =	wrdreg $0xC0  }
0xba: {  	_ =	task [dreg:s22], $0x5FFFF  }
0xbb: {  	[dreg:$0x1] =	wrdreg $0xFFFFFFFF  }
0xbc: {  	[dreg:$0x0] =	wrdreg $0x60  }
0xbd: {  	[dreg:$0x2] =	wrdreg s18  }
0xbe: {  	[dreg:$0x3] =	wrdreg s24  }
0xbf: {  	[dreg:$0x4] =	wrdreg $0xA  }
0xc0: {  	_ =	task.clear_ibuf [dreg:s22], $0x5FFFF;
	_ =	strace $0x9000005B  }
0xc1: {  	s29 =	simm.s32 $0xA;
	_ =	strace $0x8000005D  }
0xc2: {  	_ =	swait.ge [sflag:s29], $0x1  }
0xc3: {  	[sflag:s29] =	ssyncadd.s32 $0xFFFFFFFF  }
0xc4: {  	_ =	strace $0x9000005D  }
0xc5: {  	_ =	sfence  }
0xc6: {  	s30 =	sld [smem:$0x0];
	_ =	sdelay $0x2  }
0xc7: {  	s31 =	sshll.u32 s1, $0xD;
	s1 =	sshrl.u32 s1, $0x2  }
0xc8: {  	s4 =	sand.u32 $0x4000, s31;
	s1 =	sadd.s32 s1, s30  }
0xc9: {  	s0 =	sor.u32 s4, s0;
	s1 =	sshll.u32 s1, $0x11  }
0xca: {  	s0 =	sor.u32 s1, s0  }
0xcb: {  	s0 =	sadd.s32 $0x8F2B, s0  }
0xcc: {  	[sflag:s0] =	ssyncadd.remote.s32 $0x1  }
0xcd: {  	_ =	sfence.sel $0xFFFF  }
0xce: {  	[dreg:$0x0] =	wrdreg $0xFFFFFFFF;
	(pc) =	sbr.abs _section_cstart, $3  }
0xcf: {  	[dreg:$0x1] =	wrdreg $0xFFFFFFFF  }
0xd0: {  	_ =	task.clear_ibuf [dreg:s22], $0x2FFFF;
	_ =	strace $0x9FFFFFFF  }
0xd1: {  	(tm) =	ssettm $0x7FFFFFFF  }
tec
execute0_lowered:
.L_overlay_start_1:
0x0: {  	(tag) =	ssettag $0x1  }
0x1: {  	s2 =	rddreg [dreg:$0x0]  }
0x2: {  	s8 =	stileid.u32;
	s6 =	rddreg [dreg:$0x1];
	s3 =	simm.s32 $0x0  }
0x3: {  	s0 =	srdreg.scid;
	s12 =	simm.s32 $0x1800;
	[smem:$0x7FF] =	sst s3  }
0x4: {  	s14 =	simm.s32 $0x100;
	_ =	strace $0x8000005C;
	[dreg:$0x5] =	wrdreg s12  }
0x5: {  	s16 =	simm.s32 $0x2800;
	s17 =	simm.s32 $0x180;
	[dreg:$0x6] =	wrdreg s14  }
0x6: {  	s18 =	simm.s32 $0x3800;
	s20 =	simm.s32 $0x200;
	[dreg:$0x7] =	wrdreg s16  }
0x7: {  	s21 =	simm.s32 $0x4800;
	s22 =	simm.s32 $0x280;
	[dreg:$0x8] =	wrdreg s17  }
0x8: {  	s23 =	simm.s32 $0x5800;
	s25 =	simm.s32 $0x300;
	[dreg:$0x9] =	wrdreg s18  }
0x9: {  	s29 =	simm.s32 $0x6800;
	s30 =	simm.s32 $0x380;
	[dreg:$0xa] =	wrdreg s20  }
0xa: {  	s31 =	simm.s32 $0x7800;
	s28 =	simm.s32 $0x2;
	[dreg:$0xb] =	wrdreg s21  }
0xb: {  	s1 =	smul.u32 $0xAA000, s8;
	s0 =	sand.u32 $0x1, s0;
	[dreg:$0xc] =	wrdreg s22  }
0xc: {  	s4 =	smul.u32 $0x1540, s8;
	s9 =	sadd.s32 $0x8A9E00, s6;
	[dreg:$0xd] =	wrdreg s23  }
0xd: {  	s6 =	sadd.s32 $0x9FDE00, s6;
	s19 =	smul.u32 $0x2A8000, s8;
	[dreg:$0xe] =	wrdreg s25  }
0xe: {  	s8 =	simm.s32 $0x80;
	s5 =	smul.u32 $0xAA0, s0;
	[dreg:$0xf] =	wrdreg s29  }
0xf: {  	s7 =	smul.u32 $0x55000, s0;
	s13 =	ssub.s32 $0x2, s0;
	[dreg:$0x10] =	wrdreg s30  }
0x10: {  	s0 =	smul.u32 $0x154000, s0;
	[dreg:$0x11] =	wrdreg s31;
	s12 =	simm.s32 $0x9800  }
0x11: {  	s14 =	simm.s32 $0xA800;
	s16 =	simm.s32 $0xB800;
	s18 =	simm.s32 $0x600  }
0x12: {  	s20 =	simm.s32 $0x680;
	s21 =	simm.s32 $0xD800;
	s22 =	simm.s32 $0x700  }
0x13: {  	s23 =	simm.s32 $0xE800;
	s25 =	simm.s32 $0xF800;
	s15 =	sshrl.u32 s13, $0x1  }
0x14: {  	s4 =	sadd.s32 s5, s4;
	s1 =	sadd.s32 s7, s1;
	s5 =	ssub.s32 s13, s15  }
0x15: {  	s7 =	simm.s32 $0x3;
	s13 =	simm.s32 $0x500;
	s15 =	simm.s32 $0x580  }
0x16: {  	s4 =	sor.u32 $0x8, s4;
	s1 =	sshrl.u32 s1, $0x3;
	s5 =	smax.u32 s5, $0x1  }
0x17: {  	s4 =	sshrl.u32 s4, $0x3;
	s1 =	sadd.s32 s1, s9;
	[dreg:$0x12] =	wrdreg s5  }
0x18: {  	s5 =	sadd.s32 s19, s6;
	s19 =	simm.s32 $0xC800;
	s10 =	sshll.u32 s4, $0x7  }
0x19: {  	[dreg:$0x3] =	wrdreg s1;
	s0 =	sadd.s32 s0, s5;
	s24 =	sshll.u32 s4, $0xC  }
0x1a: {  	s5 =	simm.s32 $0x480;
	s1 =	simm.s32 $0x0;
	s11 =	sadd.s32 s10, s9  }
0x1b: {  	[dreg:$0x13] =	wrdreg s0;
	s26 =	sadd.s32 s24, s6;
	s9 =	simm.s32 $0x800  }
0x1c: {  	s10 =	simm.s32 $0x400;
	s24 =	simm.s32 $0x780;
	[dreg:$0x4] =	wrdreg s11  }
0x1d: {  	[dreg:$0x14] =	wrdreg s26;
	s11 =	simm.s32 $0x8800;
	s26 =	simm.s32 $0x1  }
.LBB2_1:
0x1e: {  	s29 =	rddreg [dreg:$0x3]  }
0x1f: {  	[dreg:$0x15] =	wrdreg s1;
	s1 =	sadd.s32 $0x0, s29  }
0x20: {  	[tilespmem:s3], [sflag:$0x3] =	stream.linear.gather [hbm4b:s1+s3], $0x400, $0x38;
	[tilespmem:$0x10800] =	vst v63  }
0x21: {  	_ =	swait.ge [sflag:s7], $0x400  }
0x22: {  	s0 =	rddreg [dreg:$0x6]  }
0x23: {  	s4 =	rddreg [dreg:$0x5]  }
0x24: {  	[sflag:s7] =	ssyncset.done $0x0;
	s6 =	rddreg [dreg:$0x7]  }
0x25: {  	s30 =	rddreg [dreg:$0x9];
	[sflag:s7] =	ssyncadd.s32 $0xFFFFFC00  }
0x26: {  	[tilespmem:s9], [sflag:$0x1] =	stream.indirect.gather [hbm4b:s2+s8], $0x20, s3, s8, $0xb8;
	[tilespmem:$0x10800] =	vst v63  }
0x27: {  	s17 =	rddreg [dreg:$0x8]  }
0x28: {  	[tilespmem:s4], [sflag:$0x1] =	stream.indirect.gather [hbm4b:s2+s8], $0x20, s8, s8, $0xb8;
	[tilespmem:$0x10800] =	vst v63  }
0x29: {  	s29 =	rddreg [dreg:$0xb]  }
0x2a: {  	[tilespmem:s6], [sflag:$0x1] =	stream.indirect.gather [hbm4b:s2+s8], $0x20, s0, s8, $0xb8;
	[tilespmem:$0x10800] =	vst v63  }
0x2b: {  	s0 =	rddreg [dreg:$0xa]  }
0x2c: {  	[tilespmem:s30], [sflag:$0x1] =	stream.indirect.gather [hbm4b:s2+s8], $0x20, s17, s8, $0xb8;
	[tilespmem:$0x10800] =	vst v63  }
0x2d: {  	s17 =	rddreg [dreg:$0xd]  }
0x2e: {  	s30 =	rddreg [dreg:$0xc]  }
0x2f: {  	[tilespmem:s29], [sflag:$0x1] =	stream.indirect.gather [hbm4b:s2+s8], $0x20, s0, s8, $0xb8;
	[tilespmem:$0x10800] =	vst v63  }
0x30: {  	s29 =	rddreg [dreg:$0xf]  }
0x31: {  	s0 =	rddreg [dreg:$0xe]  }
0x32: {  	[tilespmem:s17], [sflag:$0x1] =	stream.indirect.gather [hbm4b:s2+s8], $0x20, s30, s8, $0xb8;
	[tilespmem:$0x10800] =	vst v63  }
0x33: {  	s17 =	rddreg [dreg:$0x11]  }
0x34: {  	s30 =	rddreg [dreg:$0x10]  }
0x35: {  	[tilespmem:s29], [sflag:$0x1] =	stream.indirect.gather [hbm4b:s2+s8], $0x20, s0, s8, $0xb8;
	[tilespmem:$0x10800] =	vst v63  }
0x36: {  	s29 =	rddreg [dreg:$0x4]  }
0x37: {  	[tilespmem:s17], [sflag:$0x1] =	stream.indirect.gather [hbm4b:s2+s8], $0x20, s30, s8, $0xb8;
	[tilespmem:$0x10800] =	vst v63  }
0x38: {  	s1 =	sadd.s32 $0x0, s29  }
0x39: {  	[tilespmem:s10], [sflag:$0x3] =	stream.linear.gather [hbm4b:s1+s3], $0x400, $0x38;
	[tilespmem:$0x10800] =	vst v63  }
0x3a: {  	_ =	swait.ge [sflag:s7], $0x400  }
0x3b: {  	[sflag:s7] =	ssyncset.done $0x0  }
0x3c: {  	[sflag:s7] =	ssyncadd.s32 $0xFFFFFC00  }
0x3d: {  	[tilespmem:s11], [sflag:$0x2] =	stream.indirect.gather [hbm4b:s2+s8], $0x20, s10, s8, $0xb8;
	[tilespmem:$0x10800] =	vst v63  }
0x3e: {  	_ = 	snop  }
0x3f: {  	[tilespmem:s12], [sflag:$0x2] =	stream.indirect.gather [hbm4b:s2+s8], $0x20, s5, s8, $0xb8;
	[tilespmem:$0x10800] =	vst v63  }
0x40: {  	_ = 	snop  }
0x41: {  	[tilespmem:s14], [sflag:$0x2] =	stream.indirect.gather [hbm4b:s2+s8], $0x20, s13, s8, $0xb8;
	[tilespmem:$0x10800] =	vst v63  }
0x42: {  	_ = 	snop  }
0x43: {  	[tilespmem:s16], [sflag:$0x2] =	stream.indirect.gather [hbm4b:s2+s8], $0x20, s15, s8, $0xb8;
	[tilespmem:$0x10800] =	vst v63  }
0x44: {  	_ = 	snop  }
0x45: {  	[tilespmem:s19], [sflag:$0x2] =	stream.indirect.gather [hbm4b:s2+s8], $0x20, s18, s8, $0xb8;
	[tilespmem:$0x10800] =	vst v63  }
0x46: {  	_ = 	snop  }
0x47: {  	[tilespmem:s21], [sflag:$0x2] =	stream.indirect.gather [hbm4b:s2+s8], $0x20, s20, s8, $0xb8;
	[tilespmem:$0x10800] =	vst v63  }
0x48: {  	_ = 	snop  }
0x49: {  	[tilespmem:s23], [sflag:$0x2] =	stream.indirect.gather [hbm4b:s2+s8], $0x20, s22, s8, $0xb8;
	[tilespmem:$0x10800] =	vst v63  }
0x4a: {  	_ = 	snop  }
0x4b: {  	[tilespmem:s25], [sflag:$0x2] =	stream.indirect.gather [hbm4b:s2+s8], $0x20, s24, s8, $0xb8;
	[tilespmem:$0x10800] =	vst v63  }
0x4c: {  	_ =	swait.ge [sflag:s26], $0x1000  }
0x4d: {  	[sflag:s26] =	ssyncset.done $0x0  }
0x4e: {  	[sflag:s26] =	ssyncadd.s32 $0xFFFFF000  }
0x4f: {  	_ =	swait.ge [sflag:s26], $0x1000  }
0x50: {  	[sflag:s26] =	ssyncset.done $0x0  }
0x51: {  	[sflag:s26] =	ssyncadd.s32 $0xFFFFF000  }
0x52: {  	_ =	swait.ge [sflag:s26], $0x1000  }
0x53: {  	[sflag:s26] =	ssyncset.done $0x0  }
0x54: {  	[sflag:s26] =	ssyncadd.s32 $0xFFFFF000  }
0x55: {  	_ =	swait.ge [sflag:s26], $0x1000  }
0x56: {  	[sflag:s26] =	ssyncset.done $0x0  }
0x57: {  	[sflag:s26] =	ssyncadd.s32 $0xFFFFF000  }
0x58: {  	_ =	swait.ge [sflag:s26], $0x1000  }
0x59: {  	[sflag:s26] =	ssyncset.done $0x0  }
0x5a: {  	[sflag:s26] =	ssyncadd.s32 $0xFFFFF000  }
0x5b: {  	_ =	swait.ge [sflag:s26], $0x1000  }
0x5c: {  	[sflag:s26] =	ssyncset.done $0x0  }
0x5d: {  	[sflag:s26] =	ssyncadd.s32 $0xFFFFF000  }
0x5e: {  	_ =	swait.ge [sflag:s26], $0x1000  }
0x5f: {  	[sflag:s26] =	ssyncset.done $0x0  }
0x60: {  	[sflag:s26] =	ssyncadd.s32 $0xFFFFF000  }
0x61: {  	_ =	swait.ge [sflag:s26], $0x1000  }
0x62: {  	[sflag:s26] =	ssyncset.done $0x0  }
0x63: {  	s31 =	rddreg [dreg:$0x13];
	[sflag:s26] =	ssyncadd.s32 $0xFFFFF000  }
0x64: {  	[hbm4b:s31+s3] =	stream.linear.scatter [tilespmem:s9], [sflag:$0x3], $0x8000, $0x38;
	[tilespmem:$0x10800] =	vst v63  }
0x65: {  	_ =	swait.ge [sflag:s7], $0x8000  }
0x66: {  	[sflag:s7] =	ssyncset.done $0x0  }
0x67: {  	[sflag:s7] =	ssyncadd.s32 $0xFFFF8000  }
0x68: {  	_ =	swait.ge [sflag:s28], $0x1000  }
0x69: {  	[sflag:s28] =	ssyncset.done $0x0  }
0x6a: {  	[sflag:s28] =	ssyncadd.s32 $0xFFFFF000  }
0x6b: {  	_ =	swait.ge [sflag:s28], $0x1000  }
0x6c: {  	[sflag:s28] =	ssyncset.done $0x0  }
0x6d: {  	[sflag:s28] =	ssyncadd.s32 $0xFFFFF000  }
0x6e: {  	_ =	swait.ge [sflag:s28], $0x1000  }
0x6f: {  	[sflag:s28] =	ssyncset.done $0x0  }
0x70: {  	[sflag:s28] =	ssyncadd.s32 $0xFFFFF000  }
0x71: {  	_ =	swait.ge [sflag:s28], $0x1000  }
0x72: {  	[sflag:s28] =	ssyncset.done $0x0  }
0x73: {  	[sflag:s28] =	ssyncadd.s32 $0xFFFFF000  }
0x74: {  	_ =	swait.ge [sflag:s28], $0x1000  }
0x75: {  	[sflag:s28] =	ssyncset.done $0x0  }
0x76: {  	[sflag:s28] =	ssyncadd.s32 $0xFFFFF000  }
0x77: {  	_ =	swait.ge [sflag:s28], $0x1000  }
0x78: {  	[sflag:s28] =	ssyncset.done $0x0  }
0x79: {  	[sflag:s28] =	ssyncadd.s32 $0xFFFFF000  }
0x7a: {  	_ =	swait.ge [sflag:s28], $0x1000  }
0x7b: {  	[sflag:s28] =	ssyncset.done $0x0;
	s6 =	rddreg [dreg:$0x14]  }
0x7c: {  	s30 =	simm.s32 $0x100;
	[sflag:s28] =	ssyncadd.s32 $0xFFFFF000;
	s1 =	smov.u32 s6  }
.LBB2_2:
0x7d: {  	_ =	swait.ge [sflag:s28], $0x1000  }
0x7e: {  	[sflag:s28] =	ssyncset.done $0x0  }
0x7f: {  	[sflag:s28] =	ssyncadd.s32 $0xFFFFF000  }
0x80: {  	[hbm4b:s6+s3] =	stream.linear.scatter [tilespmem:s11], [sflag:$0x3], $0x8000, $0x38;
	[tilespmem:$0x10800] =	vst v63  }
0x81: {  	_ =	swait.ge [sflag:s7], $0x8000  }
0x82: {  	s4 =	smov.u32 s30;
	s5 =	rddreg [dreg:$0x3];
	[sflag:s7] =	ssyncset.done $0x0  }
0x83: {  	[sflag:s7] =	ssyncadd.s32 $0xFFFF8000;
	s5 =	sadd.s32 s4, s5  }
0x84: {  	[tilespmem:s3], [sflag:$0x3] =	stream.linear.gather [hbm4b:s5+s3], $0x400, $0x38;
	[tilespmem:$0x10800] =	vst v63  }
0x85: {  	_ =	swait.ge [sflag:s7], $0x400  }
0x86: {  	s5 =	rddreg [dreg:$0x4]  }
0x87: {  	s0 =	rddreg [dreg:$0x11]  }
0x88: {  	s29 =	rddreg [dreg:$0xf]  }
0x89: {  	s12 =	rddreg [dreg:$0xd]  }
0x8a: {  	s13 =	rddreg [dreg:$0xb]  }
0x8b: {  	[sflag:s7] =	ssyncset.done $0x0;
	s14 =	rddreg [dreg:$0x6]  }
0x8c: {  	s15 =	rddreg [dreg:$0x5];
	[sflag:s7] =	ssyncadd.s32 $0xFFFFFC00  }
0x8d: {  	[tilespmem:s9], [sflag:$0x1] =	stream.indirect.gather [hbm4b:s2+s8], $0x20, s3, s8, $0xb8;
	[tilespmem:$0x10800] =	vst v63  }
0x8e: {  	s16 =	rddreg [dreg:$0x7]  }
0x8f: {  	[tilespmem:s15], [sflag:$0x1] =	stream.indirect.gather [hbm4b:s2+s8], $0x20, s8, s8, $0xb8;
	[tilespmem:$0x10800] =	vst v63  }
0x90: {  	s17 =	rddreg [dreg:$0x9]  }
0x91: {  	[tilespmem:s16], [sflag:$0x1] =	stream.indirect.gather [hbm4b:s2+s8], $0x20, s14, s8, $0xb8;
	[tilespmem:$0x10800] =	vst v63  }
0x92: {  	s15 =	rddreg [dreg:$0x8]  }
0x93: {  	[tilespmem:s17], [sflag:$0x1] =	stream.indirect.gather [hbm4b:s2+s8], $0x20, s15, s8, $0xb8;
	[tilespmem:$0x10800] =	vst v63  }
0x94: {  	s14 =	rddreg [dreg:$0xa]  }
0x95: {  	[tilespmem:s13], [sflag:$0x1] =	stream.indirect.gather [hbm4b:s2+s8], $0x20, s14, s8, $0xb8;
	[tilespmem:$0x10800] =	vst v63  }
0x96: {  	s17 =	rddreg [dreg:$0xc]  }
0x97: {  	[tilespmem:s12], [sflag:$0x1] =	stream.indirect.gather [hbm4b:s2+s8], $0x20, s17, s8, $0xb8;
	[tilespmem:$0x10800] =	vst v63  }
0x98: {  	s13 =	rddreg [dreg:$0xe]  }
0x99: {  	[tilespmem:s29], [sflag:$0x1] =	stream.indirect.gather [hbm4b:s2+s8], $0x20, s13, s8, $0xb8;
	[tilespmem:$0x10800] =	vst v63  }
0x9a: {  	s17 =	rddreg [dreg:$0x10]  }
0x9b: {  	[tilespmem:s0], [sflag:$0x1] =	stream.indirect.gather [hbm4b:s2+s8], $0x20, s17, s8, $0xb8;
	[tilespmem:$0x10800] =	vst v63  }
0x9c: {  	s4 =	sadd.s32 s4, s5  }
0x9d: {  	[tilespmem:s10], [sflag:$0x3] =	stream.linear.gather [hbm4b:s4+s3], $0x400, $0x38;
	[tilespmem:$0x10800] =	vst v63  }
0x9e: {  	_ =	swait.ge [sflag:s7], $0x400  }
0x9f: {  	[sflag:s7] =	ssyncset.done $0x0  }
0xa0: {  	[sflag:s7] =	ssyncadd.s32 $0xFFFFFC00  }
0xa1: {  	[tilespmem:s11], [sflag:$0x2] =	stream.indirect.gather [hbm4b:s2+s8], $0x20, s10, s8, $0xb8;
	[tilespmem:$0x10800] =	vst v63  }
0xa2: {  	s5 =	simm.s32 $0x480;
	s12 =	simm.s32 $0x9800  }
0xa3: {  	[tilespmem:s12], [sflag:$0x2] =	stream.indirect.gather [hbm4b:s2+s8], $0x20, s5, s8, $0xb8;
	[tilespmem:$0x10800] =	vst v63  }
0xa4: {  	s14 =	simm.s32 $0xA800;
	s13 =	simm.s32 $0x500  }
0xa5: {  	[tilespmem:s14], [sflag:$0x2] =	stream.indirect.gather [hbm4b:s2+s8], $0x20, s13, s8, $0xb8;
	[tilespmem:$0x10800] =	vst v63  }
0xa6: {  	s16 =	simm.s32 $0xB800;
	s15 =	simm.s32 $0x580  }
0xa7: {  	[tilespmem:s16], [sflag:$0x2] =	stream.indirect.gather [hbm4b:s2+s8], $0x20, s15, s8, $0xb8;
	[tilespmem:$0x10800] =	vst v63  }
0xa8: {  	_ = 	snop  }
0xa9: {  	[tilespmem:s19], [sflag:$0x2] =	stream.indirect.gather [hbm4b:s2+s8], $0x20, s18, s8, $0xb8;
	[tilespmem:$0x10800] =	vst v63  }
0xaa: {  	_ = 	snop  }
0xab: {  	[tilespmem:s21], [sflag:$0x2] =	stream.indirect.gather [hbm4b:s2+s8], $0x20, s20, s8, $0xb8;
	[tilespmem:$0x10800] =	vst v63  }
0xac: {  	_ = 	snop  }
0xad: {  	[tilespmem:s23], [sflag:$0x2] =	stream.indirect.gather [hbm4b:s2+s8], $0x20, s22, s8, $0xb8;
	[tilespmem:$0x10800] =	vst v63  }
0xae: {  	_ = 	snop  }
0xaf: {  	[tilespmem:s25], [sflag:$0x2] =	stream.indirect.gather [hbm4b:s2+s8], $0x20, s24, s8, $0xb8;
	[tilespmem:$0x10800] =	vst v63  }
0xb0: {  	_ =	swait.ge [sflag:s26], $0x1000  }
0xb1: {  	[sflag:s26] =	ssyncset.done $0x0  }
0xb2: {  	[sflag:s26] =	ssyncadd.s32 $0xFFFFF000  }
0xb3: {  	_ =	swait.ge [sflag:s26], $0x1000  }
0xb4: {  	[sflag:s26] =	ssyncset.done $0x0  }
0xb5: {  	[sflag:s26] =	ssyncadd.s32 $0xFFFFF000  }
0xb6: {  	_ =	swait.ge [sflag:s26], $0x1000  }
0xb7: {  	[sflag:s26] =	ssyncset.done $0x0  }
0xb8: {  	[sflag:s26] =	ssyncadd.s32 $0xFFFFF000  }
0xb9: {  	_ =	swait.ge [sflag:s26], $0x1000  }
0xba: {  	[sflag:s26] =	ssyncset.done $0x0  }
0xbb: {  	[sflag:s26] =	ssyncadd.s32 $0xFFFFF000  }
0xbc: {  	_ =	swait.ge [sflag:s26], $0x1000  }
0xbd: {  	[sflag:s26] =	ssyncset.done $0x0  }
0xbe: {  	[sflag:s26] =	ssyncadd.s32 $0xFFFFF000  }
0xbf: {  	_ =	swait.ge [sflag:s26], $0x1000  }
0xc0: {  	[sflag:s26] =	ssyncset.done $0x0  }
0xc1: {  	[sflag:s26] =	ssyncadd.s32 $0xFFFFF000  }
0xc2: {  	_ =	swait.ge [sflag:s26], $0x1000  }
0xc3: {  	[sflag:s26] =	ssyncset.done $0x0  }
0xc4: {  	[sflag:s26] =	ssyncadd.s32 $0xFFFFF000  }
0xc5: {  	_ =	swait.ge [sflag:s26], $0x1000  }
0xc6: {  	[sflag:s26] =	ssyncset.done $0x0  }
0xc7: {  	s31 =	sadd.s32 $0x2000, s31;
	[sflag:s26] =	ssyncadd.s32 $0xFFFFF000  }
0xc8: {  	[hbm4b:s31+s3] =	stream.linear.scatter [tilespmem:s9], [sflag:$0x3], $0x8000, $0x38;
	[tilespmem:$0x10800] =	vst v63  }
0xc9: {  	_ =	swait.ge [sflag:s7], $0x8000  }
0xca: {  	[sflag:s7] =	ssyncset.done $0x0  }
0xcb: {  	[sflag:s7] =	ssyncadd.s32 $0xFFFF8000  }
0xcc: {  	_ =	swait.ge [sflag:s28], $0x1000  }
0xcd: {  	[sflag:s28] =	ssyncset.done $0x0  }
0xce: {  	[sflag:s28] =	ssyncadd.s32 $0xFFFFF000  }
0xcf: {  	_ =	swait.ge [sflag:s28], $0x1000  }
0xd0: {  	[sflag:s28] =	ssyncset.done $0x0  }
0xd1: {  	[sflag:s28] =	ssyncadd.s32 $0xFFFFF000  }
0xd2: {  	_ =	swait.ge [sflag:s28], $0x1000  }
0xd3: {  	[sflag:s28] =	ssyncset.done $0x0  }
0xd4: {  	[sflag:s28] =	ssyncadd.s32 $0xFFFFF000  }
0xd5: {  	_ =	swait.ge [sflag:s28], $0x1000  }
0xd6: {  	[sflag:s28] =	ssyncset.done $0x0  }
0xd7: {  	[sflag:s28] =	ssyncadd.s32 $0xFFFFF000  }
0xd8: {  	_ =	swait.ge [sflag:s28], $0x1000  }
0xd9: {  	[sflag:s28] =	ssyncset.done $0x0  }
0xda: {  	[sflag:s28] =	ssyncadd.s32 $0xFFFFF000  }
0xdb: {  	p0 =	sne.s32 s30, $0xA900;
	_ =	swait.ge [sflag:s28], $0x1000  }
.Ltmp0:
0xdc: {  	[sflag:s28] =	ssyncset.done $0x0;
	(pc) =	sbr.rel @p0 .LBB2_2-.Ltmp0, $4  }
0xdd: {  	[sflag:s28] =	ssyncadd.s32 $0xFFFFF000  }
0xde: {  	_ =	swait.ge [sflag:s28], $0x1000  }
0xdf: {  	s1 =	sadd.s32 $0x2000, s1;
	[sflag:s28] =	ssyncset.done $0x0  }
0xe0: {  	s30 =	sadd.s32 $0x100, s30;
	s6 =	smov.u32 s1;
	[sflag:s28] =	ssyncadd.s32 $0xFFFFF000  }
0xe1: {  	_ =	swait.ge [sflag:s28], $0x1000  }
0xe2: {  	[sflag:s28] =	ssyncset.done $0x0  }
0xe3: {  	[sflag:s28] =	ssyncadd.s32 $0xFFFFF000  }
0xe4: {  	[hbm4b:s6+s3] =	stream.linear.scatter [tilespmem:s11], [sflag:$0x3], $0x8000, $0x38;
	[tilespmem:$0x10800] =	vst v63  }
0xe5: {  	_ =	swait.ge [sflag:s7], $0x8000  }
0xe6: {  	s1 =	rddreg [dreg:$0x15]  }
0xe7: {  	s0 =	rddreg [dreg:$0x12];
	s1 =	sadd.s32 $0x1, s1  }
0xe8: {  	p0 =	sne.s32 s1, s0  }
.Ltmp1:
0xe9: {  	_ = 	snop;
	(pc) =	sbr.rel @p0 .LBB2_1-.Ltmp1, $3  }
0xea: {  	_ =	sdelay $0x1  }
0xeb: {  	[sflag:s7] =	ssyncset.done $0x0  }
0xec: {  	[sflag:s7] =	ssyncadd.s32 $0xFFFF8000  }
0xed: {  	_ =	sfence.sel $0x180000  }
0xee: {  	[bflag:$0x0] =	sbarrier.arrive $0xFFFF  }
0xef: {  	_ =	strace $0x9000005C  }
0xf0: {  	s0 =	stileid.u32;
	[bflag:$0x2] =	sbarrier.arrive $0xFFFF  }
0xf1: {  	p0 =	sne.s32 s0, $0x0;
	s0 =	rddreg [dreg:$0x2]  }
0xf2: {  	s0 =	sadd.s32 @!p0 $0x100000, s0  }
0xf3: {  	[sflag:s0] =	ssyncadd.tile.s32 @!p0 $0x1;
	_ =	shalt  }
.Lfunc_end2:
_tile_overlayer_lowered:
.L_overlay_start_2:
0xf4: {  	(tag) =	ssettag $0x2  }
0xf5: {  	s0 =	rddreg [dreg:$0x0];
	s2 =	stileid.u32  }
0xf6: {  	s1 =	rddreg [dreg:$0x1];
	p0 =	sne.s32 s2, $0x0  }
0xf7: {  	s3 =	rddreg [dreg:$0x2];
	[bflag:$0x3] =	sbarrier.arrive $0xFFFF;
	s2 =	simm.s32 @!p0 $0x1C03  }
0xf8: {  	[timem:s3], [sflag:s2] =	dma.local @!p0 [hbm:s0], s1  }
0xf9: {  	s0 =	simm.s32 @!p0 $0x3  }
0xfa: {  	_ =	swait.ge @!p0 [sflag:s0], s1  }
0xfb: {  	s1 =	ssub.s32 @!p0 $0x0, s1;
	[sflag:s0] =	ssyncset.done @!p0 $0x0  }
0xfc: {  	[sflag:s0] =	ssyncadd.s32 @!p0 s1  }
0xfd: {  	[bflag:$0x3] =	sbarrier.arrive $0xFFFF  }
0xfe: {  	_ =	shalt  }

// kernel: sparse-core-data-format-call.1.cloned.1.call-start
scs
called_computation.1_lowered:
.L_overlay_start_0:
0x0: {  	s2 =	sld [smem:$0x3FD9]  }
0x1: {  	s3 =	sld [smem:$0x3FFE];
	_ =	sdelay $0x1  }
0x2: {  	s1 =	srdreg.scid  }
0x3: {  	s0 =	sand.u32 $0x1, s1  }
0x4: {  	s18 =	sshll.u32 s0, $0xA;
	s2 =	sadd.s32 s3, s2  }
0x5: {  	s2 =	sadd.s32 s2, s18  }
0x6: {  	[smem:$0x3FBD] =	sst s2  }
0x7: {  	_ = 	snop  }
0x8: {  	(tm) =	ssettm $0x1  }
0x9: {  	s19 =	sld [smem:$0x3FFB];
	_ =	sdelay $0x3  }
0xa: {  	_ =	strace s19  }
0xb: {  	s2 =	sld [smem:$0x3FFC];
	_ =	sdelay $0x3  }
0xc: {  	_ =	strace s2  }
0xd: {  	s2 =	sld [smem:$0x3FFD];
	_ =	sdelay $0x3  }
0xe: {  	_ =	strace s2  }
0xf: {  	_ =	strace $0x8FFFFFFF  }
0x10: {  	s20 =	sld [smem:$0x3FDB];
	_ =	sdelay $0x1  }
0x11: {  	s21 =	simm.s32 $_scs_section_size  }
0x12: {  	s4 =	simm.s32 $_size__tile_overlayer_lowered;
	s5 =	simm.s32 $_tile_overlayer_lowered  }
0x13: {  	s6 =	simm.s32 $0x1BFF;
	s22 =	sshll.u32 s5, $0x1;
	s3 =	sadd.s32 s21, s20  }
0x14: {  	s23 =	simm.s32 $0x0;
	s4 =	sshll.u32 s4, $0x1;
	s5 =	sadd.s32 s22, s3  }
0x15: {  	[timem:s23], [sflag:s6] =	dma.local [hbm:s5], s4  }
0x16: {  	_ =	swait.ge [sflag:s6], s4  }
0x17: {  	s4 =	ssub.s32 $0x0, s4;
	[sflag:s6] =	ssyncset.done $0x0  }
0x18: {  	[sflag:s6] =	ssyncadd.s32 s4;
	_ =	sdelay $0x1  }
0x19: {  	s24 =	simm.s32 $0x1B8B  }
0x1a: {  	_ =	swait.ge [sflag:s24], $0x1  }
0x1b: {  	[sflag:s24] =	ssyncset.done $0x0  }
0x1c: {  	[sflag:s24] =	ssyncadd.s32 $0xFFFFFFFF  }
0x1d: {  	s4 =	sld [smem:$0x0]  }
0x1e: {  	s5 =	sand.u32 $0xFFFFFFFE, s1  }
0x1f: {  	p0 =	sne.s32 s1, s5  }
0x20: {  	s5 =	sshll.u32 @p0 s5, $0xE  }
0x21: {  	s5 =	sadd.s32 @p0 $0x11B8D, s5;
	s6 =	sshll.u32 @p0 s4, $0x11  }
0x22: {  	s5 =	sor.u32 @p0 s6, s5  }
0x23: {  	[sflag:s5] =	ssyncadd.remote.s32 @p0 $0x1;
	_ =	sdelay $0x1  }
0x24: {  	s5 =	simm.s32 @p0 $0x1B8D  }
0x25: {  	_ =	swait.eq @p0 [sflag:s5], $0x1  }
0x26: {  	[sflag:s5] =	ssyncadd.s32 @p0 $0xFFFFFFFF  }
0x27: {  	s6 =	sshll.u32 @!p0 s1, $0xE  }
0x28: {  	s6 =	sor.u32 @!p0 $0x4000, s6;
	s5 =	simm.s32 @!p0 $0x1B8D  }
0x29: {  	s4 =	sshll.u32 @!p0 s4, $0x11;
	s6 =	sadd.s32 @!p0 $0x11B8D, s6;
	_ =	swait.eq @!p0 [sflag:s5], $0x1  }
0x2a: {  	s4 =	sor.u32 @!p0 s4, s6;
	[sflag:s5] =	ssyncadd.s32 @!p0 $0xFFFFFFFF  }
0x2b: {  	s26 =	simm.s32 $0x1B8E;
	s25 =	sld [smem:$0x3FFE];
	[sflag:s4] =	ssyncadd.remote.s32 @!p0 $0x1  }
0x2c: {  	s27 =	simm.s32 $execute0_lowered;
	[smem:$0x3FD2] =	sst s26  }
0x2d: {  	s5 =	sshll.u32 s27, $0x1;
	_ =	strace $0x8000004C;
	[dreg:$0x1] =	wrdreg $0xFFFFFFFF  }
0x2e: {  	s28 =	simm.s32 $_size_execute0_lowered;
	s3 =	sadd.s32 s3, s5;
	[dreg:$0x0] =	wrdreg $0x0  }
0x2f: {  	s5 =	sshll.u32 s28, $0x1;
	[dreg:$0x2] =	wrdreg s3  }
0x30: {  	[dreg:$0x3] =	wrdreg s5  }
0x31: {  	[dreg:$0x4] =	wrdreg $0xC0  }
0x32: {  	_ =	task [dreg:s23], $0x5FFFF  }
0x33: {  	[dreg:$0x1] =	wrdreg $0xFFFFFFFF  }
0x34: {  	[dreg:$0x0] =	wrdreg $0x60  }
0x35: {  	[dreg:$0x2] =	wrdreg s25  }
0x36: {  	[dreg:$0x3] =	wrdreg $0xB  }
0x37: {  	_ =	task.clear_ibuf [dreg:s23], $0x4FFFF;
	_ =	strace $0x9000004C  }
0x38: {  	s29 =	simm.s32 $0xB;
	_ =	strace $0x8000004E  }
0x39: {  	_ =	swait.ge [sflag:s29], $0x1  }
0x3a: {  	[sflag:s29] =	ssyncadd.s32 $0xFFFFFFFF  }
0x3b: {  	_ =	strace $0x9000004E  }
0x3c: {  	_ =	sfence  }
0x3d: {  	s30 =	sld [smem:$0x0];
	_ =	sdelay $0x2  }
0x3e: {  	s31 =	sshll.u32 s1, $0xD;
	s1 =	sshrl.u32 s1, $0x2  }
0x3f: {  	s4 =	sand.u32 $0x4000, s31;
	s1 =	sadd.s32 s1, s30  }
0x40: {  	s0 =	sor.u32 s4, s0;
	s1 =	sshll.u32 s1, $0x11  }
0x41: {  	s0 =	sor.u32 s1, s0  }
0x42: {  	s0 =	sadd.s32 $0x8F2B, s0  }
0x43: {  	[sflag:s0] =	ssyncadd.remote.s32 $0x1  }
0x44: {  	_ =	sfence.sel $0xFFFF  }
0x45: {  	[dreg:$0x0] =	wrdreg $0xFFFFFFFF;
	(pc) =	sbr.abs _section_cstart, $3  }
0x46: {  	[dreg:$0x1] =	wrdreg $0xFFFFFFFF  }
0x47: {  	_ =	task.clear_ibuf [dreg:s23], $0x2FFFF;
	_ =	strace $0x9FFFFFFF  }
0x48: {  	(tm) =	ssettm $0x7FFFFFFF  }
0x49: {  	_ =	shalt  }
tec
execute0_lowered:
.L_overlay_start_1:
0x0: {  	(tag) =	ssettag $0x1  }
0x1: {  	s0 =	stileid.u32;
	s1 =	srdreg.scid  }
0x2: {  	s4 =	rddreg [dreg:$0x0];
	s5 =	simm.s32 $0x1;
	s8 =	simm.s32 $0x2  }
0x3: {  	s19 =	simm.s32 $0x0;
	s10 =	simm.s32 $0x0;
	s17 =	simm.s32 $0x0  }
0x4: {  	s21 =	simm.s32 $0x0;
	s18 =	simm.s32 $0x0;
	s20 =	simm.s32 $0x0  }
0x5: {  	s11 =	simm.s32 $0x0;
	s2 =	sshll.u32 s0, $0x5;
	s3 =	sshll.u32 s1, $0x9  }
0x6: {  	s14 =	simm.s32 $0x0;
	s15 =	simm.s32 $0x0;
	s2 =	sor.u32 s2, s3  }
0x7: {  	s1 =	rddreg [dreg:$0x1];
	_ =	strace $0x8000004D;
	s2 =	sand.u32 $0x380, s2  }
0x8: {  	s16 =	simm.s32 $0x0;
	s3 =	sadd.s32 $0x700E00, s4;
	s6 =	ssub.s32 $0x5500, s2  }
.Ltmp0:
0x9: {  	s4 =	sadd.s32 $0x854E00, s4;
	s7 =	sand.u32 $0x380, s6;
	(pc) =	sbr.rel .LBB1_1-.Ltmp0, $4  }
0xa: {  	[sflag:s5] =	ssyncpa.u1 $0x0;
	p0 =	sne.s32 s7, $0x0;
	s7 =	simm.s32 $0x1  }
0xb: {  	[sflag:s8] =	ssyncpa.u1 $0x0;
	s9 =	sshrl.u32 s6, $0xA;
	s7 =	simm.s32 @!p0 $0x0  }
0xc: {  	s12 =	smov.u32 s2;
	s6 =	sand.u32 $0x3, s0;
	s7 =	sadd.s32 s7, s9  }
0xd: {  	s13 =	smov.u32 s6;
	s9 =	simm.s32 $0x15400;
	s8 =	sadd.s32 $0x1, s7  }
.LBB1_9:
0xe: {  	s22 =	sadd.s32 $0x400, s12  }
0xf: {  	s17 =	sadd.s32 $0x8, s11;
	s23 =	smov.u32 s11;
	p1 =	sgt.s32 s22, $0x54FF  }
0x10: {  	s23 =	smov.u32 @p1 s17  }
0x11: {  	s24 =	smov.u32 s13;
	s17 =	sadd.s32 $0x4, s13;
	p2 =	sgt.s32 s23, $0x7  }
0x12: {  	s24 =	smov.u32 @p2 s17  }
0x13: {  	s25 =	smov.u32 s14;
	s17 =	sadd.s32 $0x4, s14;
	p3 =	sgt.s32 s24, $0x3  }
0x14: {  	p0 =	slt.u32 s16, $0x2;
	s26 =	smov.u32 s15;
	s25 =	smov.u32 @p3 s17  }
0x15: {  	s19 =	smov.u32 s12;
	s17 =	sadd.s32 $0x4, s15;
	p4 =	sgt.s32 s25, $0x3  }
0x16: {  	s21 =	smov.u32 s13;
	s18 =	smov.u32 s14;
	s26 =	smov.u32 @p4 s17  }
0x17: {  	s20 =	smov.u32 s15;
	s22 =	smov.u32 @p1 s2;
	p1 =	sgt.s32 s26, $0x3  }
0x18: {  	s27 =	simm.s32 @!p0 $0x2;
	s26 =	simm.s32 @p1 $0x0;
	p1 =	sne.s32 s16, s8  }
.Ltmp1:
0x19: {  	s10 =	sadd.s32 $0x4000, s10;
	_ =	swait.ge @!p0 [sflag:s27], $0x4000;
	(pc) =	sbr.rel @!p1 .LBB1_10-.Ltmp1, $4  }
0x1a: {  	[sflag:s27] =	ssyncset.done @!p0 $0x0;
	s12 =	smov.u32 s22;
	s24 =	smov.u32 @p3 s6  }
0x1b: {  	s23 =	simm.s32 @p2 $0x0;
	[sflag:s27] =	ssyncadd.s32 @!p0 $0xFFFFC000;
	s13 =	smov.u32 s24  }
0x1c: {  	s25 =	simm.s32 @p4 $0x0;
	s17 =	smov.u32 s11;
	s11 =	smov.u32 s23  }
0x1d: {  	s14 =	smov.u32 s25;
	s16 =	sadd.s32 $0x1, s16;
	s15 =	smov.u32 s26  }
.LBB1_1:
0x1e: {  	p0 =	sge.u32 s16, s7  }
0x1f: {  	s22 =	sshrl.u32 @!p0 s11, $0x3  }
0x20: {  	s23 =	sshll.u32 @!p0 s12, $0x3;
	s22 =	smul.u32 @!p0 $0x2A800, s22  }
0x21: {  	s24 =	sshll.u32 @!p0 s11, $0x7;
	s23 =	sand.u32 @!p0 $0xFFFFFC00, s23  }
0x22: {  	s22 =	sadd.s32 @!p0 s22, s23;
	s23 =	sand.u32 @!p0 $0x380, s24  }
0x23: {  	s26 =	smul.u32 @!p0 $0x55000, s15;
	s24 =	sand.u32 @!p0 $0x7F, s12;
	s22 =	sor.u32 @!p0 s23, s22  }
0x24: {  	s27 =	smul.u32 @!p0 $0x15400, s14;
	s23 =	sor.u32 @!p0 s24, s22  }
0x25: {  	s24 =	smulhi.u32 @!p0 $0xC0C0C0C1, s23  }
0x26: {  	s22 =	smulhi.u32 @!p0 $0xC0C0C0C1, s22  }
0x27: {  	s31 =	sadd.s32 $0xFFFFFFFF, s16;
	s28 =	smul.u32 @!p0 $0x5500, s13;
	s24 =	sshrl.u32 @!p0 s24, $0xE  }
0x28: {  	s25 =	sxor.u32 @!p0 $0xFFFFFFFF, s16;
	s22 =	sshrl.u32 @!p0 s22, $0xE;
	s24 =	smul.u32 @!p0 $0x5500, s24  }
0x29: {  	s25 =	sshll.u32 @!p0 s25, $0xE;
	s26 =	sadd.s32 @!p0 s3, s26;
	s22 =	sand.u32 @!p0 $0x7, s22  }
0x2a: {  	s22 =	smul.u32 @!p0 $0xAA0, s22;
	s23 =	ssub.s32 @!p0 s23, s24;
	s24 =	sadd.s32 @!p0 s27, s26  }
0x2b: {  	s25 =	sand.u32 @!p0 $0x4000, s25;
	s24 =	sadd.s32 @!p0 s28, s24;
	s26 =	sand.u32 @!p0 $0x7, s23  }
0x2c: {  	s23 =	sshrl.u32 @!p0 s23, $0x3;
	s22 =	sadd.s32 @!p0 s22, s24;
	s24 =	sshll.u32 @!p0 s26, $0x12  }
0x2d: {  	s22 =	sadd.s32 @!p0 s23, s22;
	s23 =	sor.u32 @!p0 $0x400, s24;
	s24 =	simm.s32 @!p0 $0xAA000  }
0x2e: {  	[tilespmem:s25], [sflag:$0x1] =	stream.strided.gather @!p0 [hbm4b:s22+s23], $0x4000, s24, s23, $0x38;
	[tilespmem:$0x10000] =	vst v63  }
0x2f: {  	p0 =	sge.u32 s31, s7  }
.Ltmp2:
0x30: {  	_ = 	snop;
	(pc) =	sbr.rel @p0 .LBB1_9-.Ltmp2, $1  }
0x31: {  	_ =	sdelay $0x3  }
0x32: {  	s22 =	sand.u32 $0x4000, s10  }
0x33: {  	_ =	swait.ge [sflag:s5], $0x4000;
	s25 =	sshll.u32 s16, $0xE;
	s23 =	sor.u32 $0x8040, s22  }
0x34: {  	s24 =	sor.u32 $0x40, s22;
	[sflag:s5] =	ssyncset.done $0x0;
	s31 =	sand.u32 $0x4000, s25  }
0x35: {  	s25 =	simm.s32 $0x0;
	[sflag:s5] =	ssyncadd.s32 $0xFFFFC000;
	s22 =	sor.u32 $0x8000, s31  }
.LBB1_3:
0x36: {  	s26 =	smov.u32 s24;
	s27 =	smov.u32 s23;
	s28 =	simm.s32 $0x0  }
.LBB1_4:
0x37: {  	v0 =	vmov s26;
	_ =	sdelay $0x3  }
0x38: {  	s30 =	simm.s32 $0x0  }
0x39: {  	v6 =	vld.idx.msk [tilespmem:v0+s30+$0x30 ss:$0x1], $0xffff  }
0x3a: {  	v7 =	vld.idx.msk [tilespmem:v0+s30+$0xFFFFFFC0 ss:$0x1], $0xffff  }
0x3b: {  	v5 =	vld.idx.msk [tilespmem:v0+s30+$0xFFFFFFD0 ss:$0x1], $0xffff  }
0x3c: {  	v4 =	vld.idx.msk [tilespmem:v0+s30+$0xFFFFFFE0 ss:$0x1], $0xffff  }
0x3d: {  	v3 =	vld.idx.msk [tilespmem:v0+s30+$0xFFFFFFF0 ss:$0x1], $0xffff  }
0x3e: {  	v1 =	vld.idx.msk [tilespmem:v0+s30+$0x0 ss:$0x1], $0xffff  }
0x3f: {  	v2 =	vld.idx.msk [tilespmem:v0+s30+$0x10 ss:$0x1], $0xffff;
	[tilespmem:s27+$0x30] =	vst v6  }
0x40: {  	s29 =	simm.s32 $0x80;
	s31 =	simm.s32 $0x400;
	[tilespmem:s27+$0xFFFFFFC0] =	vst v7;
	v6 =	vld.idx.msk [tilespmem:v0+s30+$0x20 ss:$0x1], $0xffff;
	s30 =	smov.u32 s27  }
.LBB1_5:
0x41: {  	p0 =	sne.s32 s31, $0xE00;
	v7 =	vld.idx.msk [tilespmem:v0+s29+$0x30 ss:$0x1], $0xffff;
	[tilespmem:s30+$0xFFFFFFD0] =	vst v5  }
0x42: {  	v8 =	vld.idx.msk [tilespmem:v0+s29+$0xFFFFFFC0 ss:$0x1], $0xffff;
	[tilespmem:s30+$0xFFFFFFE0] =	vst v4  }
0x43: {  	v5 =	vld.idx.msk [tilespmem:v0+s29+$0xFFFFFFD0 ss:$0x1], $0xffff;
	[tilespmem:s30+$0xFFFFFFF0] =	vst v3  }
.Ltmp3:
0x44: {  	v4 =	vld.idx.msk [tilespmem:v0+s29+$0xFFFFFFE0 ss:$0x1], $0xffff;
	[tilespmem:s30+$0x0] =	vst v1;
	(pc) =	sbr.rel @p0 .LBB1_5-.Ltmp3, $4  }
0x45: {  	v3 =	vld.idx.msk [tilespmem:v0+s29+$0xFFFFFFF0 ss:$0x1], $0xffff;
	[tilespmem:s30+$0x10] =	vst v2  }
0x46: {  	v1 =	vld.idx.msk [tilespmem:v0+s29+$0x0 ss:$0x1], $0xffff;
	[tilespmem:s30+$0x20] =	vst v6;
	s30 =	sadd.s32 $0x800, s30  }
0x47: {  	v2 =	vld.idx.msk [tilespmem:v0+s29+$0x10 ss:$0x1], $0xffff;
	[tilespmem:s30+$0x30] =	vst v7  }
0x48: {  	[tilespmem:s30+$0xFFFFFFC0] =	vst v8;
	v6 =	vld.idx.msk [tilespmem:v0+s29+$0x20 ss:$0x1], $0xffff;
	s29 =	sshra.s32 s31, $0x2;
	s31 =	sadd.s32 $0x200, s31  }
0x49: {  	_ =	sdelay $0x2  }
0x4a: {  	[tilespmem:s30+$0xFFFFFFD0] =	vst v5  }
0x4b: {  	v56 =	vld.idx.msk [tilespmem:v0+s29+$0x30 ss:$0x1], $0xffff;
	[tilespmem:s30+$0xFFFFFFE0] =	vst v4  }
0x4c: {  	v57 =	vld.idx.msk [tilespmem:v0+s29+$0xFFFFFFC0 ss:$0x1], $0xffff;
	[tilespmem:s30+$0xFFFFFFF0] =	vst v3  }
0x4d: {  	v58 =	vld.idx.msk [tilespmem:v0+s29+$0xFFFFFFD0 ss:$0x1], $0xffff;
	[tilespmem:s30+$0x0] =	vst v1  }
0x4e: {  	v59 =	vld.idx.msk [tilespmem:v0+s29+$0xFFFFFFE0 ss:$0x1], $0xffff;
	[tilespmem:s30+$0x10] =	vst v2  }
0x4f: {  	v60 =	vld.idx.msk [tilespmem:v0+s29+$0xFFFFFFF0 ss:$0x1], $0xffff;
	s31 =	sadd.s32 $0x800, s30;
	[tilespmem:s30+$0x20] =	vst v6  }
0x50: {  	v61 =	vld.idx.msk [tilespmem:v0+s29+$0x0 ss:$0x1], $0xffff;
	[tilespmem:s31+$0x30] =	vst v56  }
0x51: {  	v62 =	vld.idx.msk [tilespmem:v0+s29+$0x10 ss:$0x1], $0xffff;
	s28 =	sadd.s32 $0x1, s28;
	[tilespmem:s31+$0xFFFFFFC0] =	vst v57  }
0x52: {  	v63 =	vld.idx.msk [tilespmem:v0+s29+$0x20 ss:$0x1], $0xffff;
	p0 =	sne.s32 s28, $0x4;
	[tilespmem:s31+$0xFFFFFFD0] =	vst v58  }
.Ltmp4:
0x53: {  	[tilespmem:s31+$0xFFFFFFE0] =	vst v59;
	(pc) =	sbr.rel @p0 .LBB1_4-.Ltmp4, $4  }
0x54: {  	[tilespmem:s31+$0xFFFFFFF0] =	vst v60  }
0x55: {  	[tilespmem:s31+$0x0] =	vst v61  }
0x56: {  	[tilespmem:s31+$0x10] =	vst v62  }
0x57: {  	s27 =	sadd.s32 $0x80, s27;
	s26 =	sadd.s32 $0x400, s26;
	[tilespmem:s31+$0x20] =	vst v63  }
0x58: {  	s25 =	sadd.s32 $0x1, s25  }
0x59: {  	p0 =	sne.s32 s25, $0x4  }
.Ltmp5:
0x5a: {  	_ = 	snop;
	(pc) =	sbr.rel @p0 .LBB1_3-.Ltmp5, $2  }
0x5b: {  	_ =	sdelay $0x2  }
0x5c: {  	s23 =	sadd.s32 $0x200, s23;
	s24 =	sadd.s32 $0x1000, s24  }
0x5d: {  	s23 =	sshrl.u32 s21, $0x2  }
0x5e: {  	s24 =	sshll.u32 s19, $0x2;
	s23 =	smul.u32 $0x15400, s23  }
0x5f: {  	s28 =	sshll.u32 s21, $0x7;
	s24 =	sand.u32 $0xFFFFFE00, s24  }
0x60: {  	s21 =	sand.u32 $0x180, s28;
	s23 =	sadd.s32 s23, s24  }
0x61: {  	s29 =	sand.u32 $0x7F, s19;
	s20 =	smul.u32 $0xAA00, s20;
	s21 =	sor.u32 s21, s23  }
0x62: {  	s19 =	sor.u32 s29, s21;
	s21 =	smulhi.u32 $0xC0C0C0C1, s21  }
0x63: {  	s30 =	smulhi.u32 $0xC0C0C0C1, s19  }
0x64: {  	s18 =	smul.u32 $0x2A80, s18  }
0x65: {  	s17 =	smul.u32 $0x2A800, s17;
	s21 =	sshrl.u32 s21, $0xE;
	s23 =	sshrl.u32 s30, $0xE  }
0x66: {  	s21 =	sand.u32 $0x3, s21;
	s23 =	smul.u32 $0x5500, s23  }
0x67: {  	s20 =	sadd.s32 s4, s20;
	s21 =	smul.u32 $0xAA0, s21  }
.Ltmp6:
0x68: {  	s18 =	sadd.s32 s18, s20;
	s19 =	ssub.s32 s19, s23;
	(pc) =	sbr.rel .LBB1_9-.Ltmp6, $4  }
0x69: {  	s17 =	sadd.s32 s17, s18;
	s31 =	sand.u32 $0x7, s19  }
0x6a: {  	s17 =	sadd.s32 s21, s17;
	s19 =	sshrl.u32 s19, $0x3;
	s18 =	sshll.u32 s31, $0x12  }
0x6b: {  	s17 =	sadd.s32 s19, s17;
	s18 =	sor.u32 $0x80, s18  }
0x6c: {  	[hbm4b:s17+s18] =	stream.strided.scatter [tilespmem:s22], [sflag:$0x2], $0x4000, s9, s18, $0x38;
	[tilespmem:$0x10000] =	vst v63  }
.LBB1_10:
0x6d: {  	_ =	sfence.sel $0x180000  }
0x6e: {  	s2 =	simm.s32 $0x1;
	[bflag:$0x0] =	sbarrier.arrive $0xFFFF  }
0x6f: {  	s31 =	simm.s32 $0x2;
	[sflag:s2] =	ssyncpa.u1 $0x1  }
0x70: {  	[sflag:s31] =	ssyncpa.u1 $0x1  }
0x71: {  	p0 =	sne.s32 s0, $0x0;
	_ =	strace $0x9000004D  }
0x72: {  	s0 =	sadd.s32 @!p0 $0x100000, s1;
	[bflag:$0x2] =	sbarrier.arrive $0xFFFF  }
0x73: {  	[sflag:s0] =	ssyncadd.tile.s32 @!p0 $0x1;
	_ =	shalt  }
.Lfunc_end1:
_tile_overlayer_lowered:
.L_overlay_start_2:
0x74: {  	(tag) =	ssettag $0x2  }
0x75: {  	s0 =	rddreg [dreg:$0x0];
	s2 =	stileid.u32  }
0x76: {  	s1 =	rddreg [dreg:$0x1];
	p0 =	sne.s32 s2, $0x0  }
0x77: {  	s3 =	rddreg [dreg:$0x2];
	[bflag:$0x3] =	sbarrier.arrive $0xFFFF;
	s2 =	simm.s32 @!p0 $0x1C01  }
0x78: {  	[timem:s3], [sflag:s2] =	dma.local @!p0 [hbm:s0], s1  }
0x79: {  	s0 =	simm.s32 @!p0 $0x1  }
0x7a: {  	_ =	swait.ge @!p0 [sflag:s0], s1  }
0x7b: {  	s1 =	ssub.s32 @!p0 $0x0, s1;
	[sflag:s0] =	ssyncset.done @!p0 $0x0  }
0x7c: {  	[sflag:s0] =	ssyncadd.s32 @!p0 s1  }
0x7d: {  	[bflag:$0x3] =	sbarrier.arrive $0xFFFF  }
0x7e: {  	_ =	shalt  }

// kernel: sparse-core-data-format-call.2.cloned.1.call-start
scs
called_computation.2_lowered:
.L_overlay_start_0:
0x0: {  	s2 =	sld [smem:$0x3FD9]  }
0x1: {  	s3 =	sld [smem:$0x3FFE];
	_ =	sdelay $0x1  }
0x2: {  	s1 =	srdreg.scid  }
0x3: {  	s0 =	sand.u32 $0x1, s1  }
0x4: {  	s18 =	sshll.u32 s0, $0xA;
	s2 =	sadd.s32 s3, s2  }
0x5: {  	s2 =	sadd.s32 s2, s18  }
0x6: {  	[smem:$0x3FBD] =	sst s2  }
0x7: {  	_ = 	snop  }
0x8: {  	(tm) =	ssettm $0x1  }
0x9: {  	s19 =	sld [smem:$0x3FFB];
	_ =	sdelay $0x3  }
0xa: {  	_ =	strace s19  }
0xb: {  	s2 =	sld [smem:$0x3FFC];
	_ =	sdelay $0x3  }
0xc: {  	_ =	strace s2  }
0xd: {  	s2 =	sld [smem:$0x3FFD];
	_ =	sdelay $0x3  }
0xe: {  	_ =	strace s2  }
0xf: {  	_ =	strace $0x8FFFFFFF  }
0x10: {  	s20 =	sld [smem:$0x3FDB];
	_ =	sdelay $0x1  }
0x11: {  	s21 =	simm.s32 $_scs_section_size  }
0x12: {  	s4 =	simm.s32 $_size__tile_overlayer_lowered;
	s5 =	simm.s32 $_tile_overlayer_lowered  }
0x13: {  	s6 =	simm.s32 $0x1BFF;
	s22 =	sshll.u32 s5, $0x1;
	s3 =	sadd.s32 s21, s20  }
0x14: {  	s23 =	simm.s32 $0x0;
	s4 =	sshll.u32 s4, $0x1;
	s5 =	sadd.s32 s22, s3  }
0x15: {  	[timem:s23], [sflag:s6] =	dma.local [hbm:s5], s4  }
0x16: {  	_ =	swait.ge [sflag:s6], s4  }
0x17: {  	s4 =	ssub.s32 $0x0, s4;
	[sflag:s6] =	ssyncset.done $0x0  }
0x18: {  	[sflag:s6] =	ssyncadd.s32 s4;
	_ =	sdelay $0x1  }
0x19: {  	s24 =	simm.s32 $0x1B8B  }
0x1a: {  	_ =	swait.ge [sflag:s24], $0x1  }
0x1b: {  	[sflag:s24] =	ssyncset.done $0x0  }
0x1c: {  	[sflag:s24] =	ssyncadd.s32 $0xFFFFFFFF  }
0x1d: {  	s4 =	sld [smem:$0x0]  }
0x1e: {  	s5 =	sand.u32 $0xFFFFFFFE, s1  }
0x1f: {  	p0 =	sne.s32 s1, s5  }
0x20: {  	s5 =	sshll.u32 @p0 s5, $0xE  }
0x21: {  	s5 =	sadd.s32 @p0 $0x11B8D, s5;
	s6 =	sshll.u32 @p0 s4, $0x11  }
0x22: {  	s5 =	sor.u32 @p0 s6, s5  }
0x23: {  	[sflag:s5] =	ssyncadd.remote.s32 @p0 $0x1;
	_ =	sdelay $0x1  }
0x24: {  	s5 =	simm.s32 @p0 $0x1B8D  }
0x25: {  	_ =	swait.eq @p0 [sflag:s5], $0x1  }
0x26: {  	[sflag:s5] =	ssyncadd.s32 @p0 $0xFFFFFFFF  }
0x27: {  	s6 =	sshll.u32 @!p0 s1, $0xE  }
0x28: {  	s6 =	sor.u32 @!p0 $0x4000, s6;
	s5 =	simm.s32 @!p0 $0x1B8D  }
0x29: {  	s4 =	sshll.u32 @!p0 s4, $0x11;
	s6 =	sadd.s32 @!p0 $0x11B8D, s6;
	_ =	swait.eq @!p0 [sflag:s5], $0x1  }
0x2a: {  	s4 =	sor.u32 @!p0 s4, s6;
	[sflag:s5] =	ssyncadd.s32 @!p0 $0xFFFFFFFF  }
0x2b: {  	s26 =	simm.s32 $0x1B8E;
	s25 =	sld [smem:$0x3FFE];
	[sflag:s4] =	ssyncadd.remote.s32 @!p0 $0x1  }
0x2c: {  	s27 =	simm.s32 $execute0_lowered;
	[smem:$0x3FD2] =	sst s26  }
0x2d: {  	s5 =	sshll.u32 s27, $0x1;
	_ =	strace $0x80000055;
	[dreg:$0x1] =	wrdreg $0xFFFFFFFF  }
0x2e: {  	s28 =	simm.s32 $_size_execute0_lowered;
	s3 =	sadd.s32 s3, s5;
	[dreg:$0x0] =	wrdreg $0x0  }
0x2f: {  	s5 =	sshll.u32 s28, $0x1;
	[dreg:$0x2] =	wrdreg s3  }
0x30: {  	[dreg:$0x3] =	wrdreg s5  }
0x31: {  	[dreg:$0x4] =	wrdreg $0xC0  }
0x32: {  	_ =	task [dreg:s23], $0x5FFFF  }
0x33: {  	[dreg:$0x1] =	wrdreg $0xFFFFFFFF  }
0x34: {  	[dreg:$0x0] =	wrdreg $0x60  }
0x35: {  	[dreg:$0x2] =	wrdreg s25  }
0x36: {  	[dreg:$0x3] =	wrdreg $0xC  }
0x37: {  	_ =	task.clear_ibuf [dreg:s23], $0x4FFFF;
	_ =	strace $0x90000055  }
0x38: {  	s29 =	simm.s32 $0xC;
	_ =	strace $0x80000057  }
0x39: {  	_ =	swait.ge [sflag:s29], $0x1  }
0x3a: {  	[sflag:s29] =	ssyncadd.s32 $0xFFFFFFFF  }
0x3b: {  	_ =	strace $0x90000057  }
0x3c: {  	_ =	sfence  }
0x3d: {  	s30 =	sld [smem:$0x0];
	_ =	sdelay $0x2  }
0x3e: {  	s31 =	sshll.u32 s1, $0xD;
	s1 =	sshrl.u32 s1, $0x2  }
0x3f: {  	s4 =	sand.u32 $0x4000, s31;
	s1 =	sadd.s32 s1, s30  }
0x40: {  	s0 =	sor.u32 s4, s0;
	s1 =	sshll.u32 s1, $0x11  }
0x41: {  	s0 =	sor.u32 s1, s0  }
0x42: {  	s0 =	sadd.s32 $0x8F2B, s0  }
0x43: {  	[sflag:s0] =	ssyncadd.remote.s32 $0x1  }
0x44: {  	_ =	sfence.sel $0xFFFF  }
0x45: {  	[dreg:$0x0] =	wrdreg $0xFFFFFFFF;
	(pc) =	sbr.abs _section_cstart, $3  }
0x46: {  	[dreg:$0x1] =	wrdreg $0xFFFFFFFF  }
0x47: {  	_ =	task.clear_ibuf [dreg:s23], $0x2FFFF;
	_ =	strace $0x9FFFFFFF  }
0x48: {  	(tm) =	ssettm $0x7FFFFFFF  }
0x49: {  	_ =	shalt  }
tec
execute0_lowered:
.L_overlay_start_1:
0x0: {  	(tag) =	ssettag $0x1  }
0x1: {  	s0 =	stileid.u32;
	s1 =	srdreg.scid  }
0x2: {  	s7 =	rddreg [dreg:$0x0];
	s31 =	simm.s32 $0x2;
	s14 =	simm.s32 $0x0  }
0x3: {  	s13 =	simm.s32 $0x0;
	s12 =	simm.s32 $0x0;
	s2 =	sshll.u32 s0, $0x7  }
0x4: {  	s3 =	sshll.u32 s0, $0x5;
	s1 =	sshll.u32 s1, $0x9;
	s2 =	sand.u32 $0x180, s2  }
0x5: {  	s3 =	sor.u32 s3, s1;
	s1 =	rddreg [dreg:$0x1];
	_ =	strace $0x80000056  }
0x6: {  	s3 =	sand.u32 $0x380, s3;
	s4 =	ssub.s32 $0x200, s2;
	s11 =	smov.u32 s2  }
0x7: {  	s5 =	sand.u32 $0x180, s4;
	s6 =	ssub.s32 $0x5500, s3;
	s9 =	sshrl.u32 s4, $0x9  }
0x8: {  	p0 =	sne.s32 s5, $0x0;
	s5 =	simm.s32 $0x1;
	s8 =	sand.u32 $0x380, s6  }
0x9: {  	s5 =	simm.s32 @!p0 $0x0;
	p0 =	sne.s32 s8, $0x0;
	s8 =	simm.s32 $0x1  }
.Ltmp0:
0xa: {  	s6 =	sshrl.u32 s6, $0xA;
	s8 =	simm.s32 @!p0 $0x0;
	(pc) =	sbr.rel .LBB1_1-.Ltmp0, $4  }
0xb: {  	s4 =	simm.s32 $0x1;
	s5 =	sadd.s32 s5, s9;
	s6 =	sadd.s32 s8, s6  }
0xc: {  	s10 =	smov.u32 s3;
	[sflag:s4] =	ssyncpa.u1 $0x0;
	s5 =	smul.u32 s5, s6  }
0xd: {  	[sflag:s31] =	ssyncpa.u1 $0x0;
	p0 =	por $0x0, $0x0;
	s9 =	simm.s32 $0x1000  }
0xe: {  	s6 =	sadd.s32 $0x359E00, s7;
	s7 =	sadd.s32 $0x4ADE00, s7;
	s8 =	sadd.s32 $0x1, s5  }
.LBB1_4:
0xf: {  	s20 =	sshll.u32 s14, $0x9;
	s21 =	sshll.u32 s13, $0x3  }
0x10: {  	v5 =	vld [tilespmem:s18+$0xFFFFFFD0];
	[tilespmem:s17+$0x2040 ss:$0x81] =	vst.msk $0xffff, v4;
	s25 =	sshll.u32 s14, $0x7;
	s20 =	sand.u32 $0xFFFFF000, s20;
	s21 =	sand.u32 $0xFFFFFC00, s21  }
0x11: {  	v58 =	vld [tilespmem:s18+$0xFFFFFFE0];
	[tilespmem:s17+$0x2850 ss:$0x81] =	vst.msk $0xffff, v3;
	s26 =	sand.u32 $0x200, s25;
	s20 =	sadd.s32 s21, s20  }
0x12: {  	s19 =	sshra.s32 s19, $0x2;
	v59 =	vld [tilespmem:s18+$0xFFFFFFF0];
	[tilespmem:s17+$0x3060 ss:$0x81] =	vst.msk $0xffff, v2;
	s20 =	sor.u32 s26, s20  }
0x13: {  	v60 =	vld [tilespmem:s18+$0x0];
	[tilespmem:s17+$0x0 ss:$0x81] =	vst.msk $0xffff, v0;
	s16 =	sadd.s32 s19, s16;
	s27 =	sshrl.u32 s20, $0x9  }
0x14: {  	v61 =	vld [tilespmem:s18+$0x10];
	[tilespmem:s16+$0x3870 ss:$0x81] =	vst.msk $0xffff, v1;
	s28 =	smulhi.u32 $0x606061, s27  }
0x15: {  	v62 =	vld [tilespmem:s18+$0x20];
	[tilespmem:s16+$0x810 ss:$0x81] =	vst.msk $0xffff, v5  }
0x16: {  	v63 =	vld [tilespmem:s18+$0xFFFFFFC0];
	[tilespmem:s16+$0x1020 ss:$0x81] =	vst.msk $0xffff, v58;
	s29 =	sshrl.u32 s28, $0x5  }
0x17: {  	s30 =	sand.u32 $0x78, s13;
	s14 =	sand.u32 $0x180, s25;
	[tilespmem:s16+$0x1830 ss:$0x81] =	vst.msk $0xffff, v59;
	s18 =	smul.u32 $0x5500, s29  }
0x18: {  	s14 =	sor.u32 s30, s14;
	[tilespmem:s16+$0x2040 ss:$0x81] =	vst.msk $0xffff, v60  }
0x19: {  	s31 =	sand.u32 $0x7, s13;
	s14 =	sshrl.u32 s14, $0x3;
	[tilespmem:s16+$0x2850 ss:$0x81] =	vst.msk $0xffff, v61;
	s17 =	ssub.s32 s27, s18  }
0x1a: {  	s13 =	sshll.u32 s31, $0x12;
	s14 =	sadd.s32 s7, s14;
	[tilespmem:s16+$0x3060 ss:$0x81] =	vst.msk $0xffff, v62;
	s17 =	sshll.u32 s17, $0x6  }
0x1b: {  	s13 =	sor.u32 $0x400, s13;
	[tilespmem:s16+$0x0 ss:$0x81] =	vst.msk $0xffff, v63;
	s14 =	sadd.s32 s17, s14  }
0x1c: {  	[hbm4b:s14+s13] =	stream.strided.scatter [tilespmem:s15], [sflag:$0x2], $0x4000, s9, s13, $0x20;
	[tilespmem:$0x10100] =	vst v63  }
.LBB1_5:
0x1d: {  	s15 =	sadd.s32 $0x400, s10  }
0x1e: {  	s13 =	sadd.s32 $0x200, s11;
	s17 =	smov.u32 s11;
	p2 =	sgt.s32 s15, $0x54FF  }
0x1f: {  	s17 =	smov.u32 @p2 s13  }
0x20: {  	s15 =	smov.u32 @p2 s3;
	p2 =	sgt.s32 s17, $0x1FF  }
0x21: {  	s17 =	smov.u32 @p2 s2;
	p2 =	sne.s32 s12, s8  }
.Ltmp1:
0x22: {  	p1 =	slt.u32 s12, $0x2;
	(pc) =	sbr.rel @!p2 .LBB1_6-.Ltmp1, $4  }
0x23: {  	s16 =	simm.s32 @!p1 $0x2  }
0x24: {  	s14 =	smov.u32 s10;
	p0 =	por !p0, !p0;
	_ =	swait.ge @!p1 [sflag:s16], $0x4000  }
0x25: {  	s13 =	smov.u32 s11;
	[sflag:s16] =	ssyncset.done @!p1 $0x0;
	s10 =	smov.u32 s15  }
0x26: {  	s12 =	sadd.s32 $0x1, s12;
	[sflag:s16] =	ssyncadd.s32 @!p1 $0xFFFFC000;
	s11 =	smov.u32 s17  }
.LBB1_1:
0x27: {  	p1 =	sge.u32 s12, s5  }
0x28: {  	s15 =	sshrl.u32 @!p1 s11, $0x3  }
0x29: {  	s16 =	sshll.u32 @!p1 s10, $0x3;
	s15 =	smul.u32 @!p1 $0x2A800, s15  }
0x2a: {  	s17 =	sshll.u32 @!p1 s11, $0x7;
	s16 =	sand.u32 @!p1 $0xFFFFFC00, s16  }
0x2b: {  	s15 =	sadd.s32 @!p1 s15, s16;
	s16 =	sand.u32 @!p1 $0x380, s17  }
0x2c: {  	s17 =	sand.u32 @!p1 $0x7F, s10;
	s15 =	sor.u32 @!p1 s16, s15  }
0x2d: {  	s16 =	sor.u32 @!p1 s17, s15  }
0x2e: {  	s17 =	smulhi.u32 @!p1 $0xC0C0C0C1, s16;
	_ =	sdelay $0x1  }
0x2f: {  	s15 =	smulhi.u32 @!p1 $0xC0C0C0C1, s15;
	s17 =	sshrl.u32 @!p1 s17, $0xE  }
0x30: {  	s17 =	smul.u32 @!p1 $0x5500, s17  }
0x31: {  	s31 =	sadd.s32 $0xFFFFFFFF, s12;
	s18 =	sxor.u32 @!p1 $0xFFFFFFFF, s12;
	s15 =	sshrl.u32 @!p1 s15, $0xE  }
0x32: {  	s18 =	sshll.u32 @!p1 s18, $0xE;
	s15 =	sand.u32 @!p1 $0x1FF, s15;
	s16 =	ssub.s32 @!p1 s16, s17  }
0x33: {  	s15 =	smul.u32 @!p1 $0xAA0, s15;
	s17 =	sshrl.u32 @!p1 s16, $0x3;
	s16 =	sand.u32 @!p1 $0x7, s16  }
0x34: {  	s18 =	sand.u32 @!p1 $0x4000, s18;
	s17 =	sadd.s32 @!p1 s6, s17;
	s16 =	sshll.u32 @!p1 s16, $0x12  }
0x35: {  	s15 =	sadd.s32 @!p1 s15, s17;
	s16 =	sor.u32 @!p1 $0x400, s16;
	s17 =	simm.s32 @!p1 $0x2A800  }
0x36: {  	[tilespmem:s18], [sflag:$0x1] =	stream.strided.gather @!p1 [hbm4b:s15+s16], $0x4000, s17, s16, $0x38;
	[tilespmem:$0x10100] =	vst v63  }
0x37: {  	p1 =	sge.u32 s31, s5  }
.Ltmp2:
0x38: {  	_ = 	snop;
	(pc) =	sbr.rel @p1 .LBB1_5-.Ltmp2, $1  }
0x39: {  	_ =	sdelay $0x3  }
0x3a: {  	s15 =	simm.s32 $0x1  }
0x3b: {  	_ =	swait.ge [sflag:s4], $0x4000;
	s15 =	simm.s32 @!p0 $0x0  }
0x3c: {  	[sflag:s4] =	ssyncset.done $0x0;
	s16 =	sshll.u32 s15, $0xE  }
0x3d: {  	[sflag:s4] =	ssyncadd.s32 $0xFFFFC000;
	s18 =	sor.u32 $0x40, s16  }
0x3e: {  	s15 =	smul.u32 $0x10200, s15;
	v0 =	vld [tilespmem:s18+$0x30]  }
0x3f: {  	v1 =	vld [tilespmem:s18+$0xFFFFFFD0]  }
0x40: {  	s15 =	sshrl.u32 s15, $0x2;
	v5 =	vld [tilespmem:s18+$0xFFFFFFE0]  }
0x41: {  	v6 =	vld [tilespmem:s18+$0xFFFFFFF0];
	s16 =	sor.u32 $0x8000, s15  }
0x42: {  	s31 =	sand.u32 $0x1, s12;
	v4 =	vld [tilespmem:s18+$0x0];
	s17 =	sadd.s32 $0x0, s16  }
0x43: {  	v3 =	vld [tilespmem:s18+$0x10];
	s15 =	smul.u32 $0x10200, s31;
	[tilespmem:s17+$0x3870 ss:$0x81] =	vst.msk $0xffff, v0  }
0x44: {  	v2 =	vld [tilespmem:s18+$0x20];
	[tilespmem:s17+$0x810 ss:$0x81] =	vst.msk $0xffff, v1  }
0x45: {  	s15 =	sshrl.u32 s15, $0x2;
	v0 =	vld [tilespmem:s18+$0xFFFFFFC0];
	[tilespmem:s17+$0x1020 ss:$0x81] =	vst.msk $0xffff, v5;
	s18 =	sadd.s32 $0x80, s18  }
0x46: {  	s19 =	simm.s32 $0x4;
	s20 =	simm.s32 $0x8;
	s15 =	sor.u32 $0x8000, s15;
	[tilespmem:s17+$0x1830 ss:$0x81] =	vst.msk $0xffff, v6;
	v1 =	vld [tilespmem:s18+$0x30]  }
.LBB1_3:
0x47: {  	p1 =	sne.s32 s20, $0x1FC;
	v5 =	vld [tilespmem:s18+$0xFFFFFFD0];
	[tilespmem:s17+$0x2040 ss:$0x81] =	vst.msk $0xffff, v4  }
0x48: {  	v6 =	vld [tilespmem:s18+$0xFFFFFFE0];
	[tilespmem:s17+$0x2850 ss:$0x81] =	vst.msk $0xffff, v3  }
0x49: {  	s21 =	sshra.s32 s19, $0x2;
	s19 =	smov.u32 s20;
	v7 =	vld [tilespmem:s18+$0xFFFFFFF0];
	[tilespmem:s17+$0x3060 ss:$0x81] =	vst.msk $0xffff, v2  }
.Ltmp3:
0x4a: {  	v4 =	vld [tilespmem:s18+$0x0];
	[tilespmem:s17+$0x0 ss:$0x81] =	vst.msk $0xffff, v0;
	s17 =	sadd.s32 s21, s16;
	(pc) =	sbr.rel @p1 .LBB1_3-.Ltmp3, $4  }
0x4b: {  	v3 =	vld [tilespmem:s18+$0x10];
	[tilespmem:s17+$0x3870 ss:$0x81] =	vst.msk $0xffff, v1  }
0x4c: {  	[tilespmem:s17+$0x810 ss:$0x81] =	vst.msk $0xffff, v5;
	v2 =	vld [tilespmem:s18+$0x20]  }
0x4d: {  	v0 =	vld [tilespmem:s18+$0xFFFFFFC0];
	[tilespmem:s17+$0x1020 ss:$0x81] =	vst.msk $0xffff, v6;
	s18 =	sadd.s32 $0x80, s18  }
0x4e: {  	s20 =	sadd.s32 $0x4, s20;
	v1 =	vld [tilespmem:s18+$0x30];
	[tilespmem:s17+$0x1830 ss:$0x81] =	vst.msk $0xffff, v7  }
.Ltmp4:
0x4f: {  	_ = 	snop;
	(pc) =	sbr.rel .LBB1_4-.Ltmp4, $1  }
0x50: {  	_ =	sdelay $0x3  }
.LBB1_6:
0x51: {  	_ =	sfence.sel $0x180000  }
0x52: {  	s2 =	simm.s32 $0x1;
	[bflag:$0x0] =	sbarrier.arrive $0xFFFF  }
0x53: {  	s31 =	simm.s32 $0x2;
	[sflag:s2] =	ssyncpa.u1 $0x1  }
0x54: {  	[sflag:s31] =	ssyncpa.u1 $0x1  }
0x55: {  	p0 =	sne.s32 s0, $0x0;
	_ =	strace $0x90000056  }
0x56: {  	s0 =	sadd.s32 @!p0 $0x100000, s1;
	[bflag:$0x2] =	sbarrier.arrive $0xFFFF  }
0x57: {  	[sflag:s0] =	ssyncadd.tile.s32 @!p0 $0x1;
	_ =	shalt  }
.Lfunc_end1:
_tile_overlayer_lowered:
.L_overlay_start_2:
0x58: {  	(tag) =	ssettag $0x2  }
0x59: {  	s0 =	rddreg [dreg:$0x0];
	s2 =	stileid.u32  }
0x5a: {  	s1 =	rddreg [dreg:$0x1];
	p0 =	sne.s32 s2, $0x0  }
0x5b: {  	s3 =	rddreg [dreg:$0x2];
	[bflag:$0x3] =	sbarrier.arrive $0xFFFF;
	s2 =	simm.s32 @!p0 $0x1C01  }
0x5c: {  	[timem:s3], [sflag:s2] =	dma.local @!p0 [hbm:s0], s1  }
0x5d: {  	s0 =	simm.s32 @!p0 $0x1  }
0x5e: {  	_ =	swait.ge @!p0 [sflag:s0], s1  }
0x5f: {  	s1 =	ssub.s32 @!p0 $0x0, s1;
	[sflag:s0] =	ssyncset.done @!p0 $0x0  }
0x60: {  	[sflag:s0] =	ssyncadd.s32 @!p0 s1  }
0x61: {  	[bflag:$0x3] =	sbarrier.arrive $0xFFFF  }
0x62: {  	_ =	shalt  }

// kernel: sparse-core-data-format-call.3.cloned.1.call-start
scs
called_computation.3_lowered:
.L_overlay_start_0:
0x0: {  	s2 =	sld [smem:$0x3FD9]  }
0x1: {  	s3 =	sld [smem:$0x3FFE];
	_ =	sdelay $0x1  }
0x2: {  	s1 =	srdreg.scid  }
0x3: {  	s0 =	sand.u32 $0x1, s1  }
0x4: {  	s18 =	sshll.u32 s0, $0xA;
	s2 =	sadd.s32 s3, s2  }
0x5: {  	s2 =	sadd.s32 s2, s18  }
0x6: {  	[smem:$0x3FBD] =	sst s2  }
0x7: {  	_ = 	snop  }
0x8: {  	(tm) =	ssettm $0x1  }
0x9: {  	s19 =	sld [smem:$0x3FFB];
	_ =	sdelay $0x3  }
0xa: {  	_ =	strace s19  }
0xb: {  	s2 =	sld [smem:$0x3FFC];
	_ =	sdelay $0x3  }
0xc: {  	_ =	strace s2  }
0xd: {  	s2 =	sld [smem:$0x3FFD];
	_ =	sdelay $0x3  }
0xe: {  	_ =	strace s2  }
0xf: {  	_ =	strace $0x8FFFFFFF  }
0x10: {  	s20 =	sld [smem:$0x3FDB];
	_ =	sdelay $0x1  }
0x11: {  	s21 =	simm.s32 $_scs_section_size  }
0x12: {  	s4 =	simm.s32 $_size__tile_overlayer_lowered;
	s5 =	simm.s32 $_tile_overlayer_lowered  }
0x13: {  	s6 =	simm.s32 $0x1BFF;
	s22 =	sshll.u32 s5, $0x1;
	s3 =	sadd.s32 s21, s20  }
0x14: {  	s23 =	simm.s32 $0x0;
	s4 =	sshll.u32 s4, $0x1;
	s5 =	sadd.s32 s22, s3  }
0x15: {  	[timem:s23], [sflag:s6] =	dma.local [hbm:s5], s4  }
0x16: {  	_ =	swait.ge [sflag:s6], s4  }
0x17: {  	s4 =	ssub.s32 $0x0, s4;
	[sflag:s6] =	ssyncset.done $0x0  }
0x18: {  	[sflag:s6] =	ssyncadd.s32 s4;
	_ =	sdelay $0x1  }
0x19: {  	s24 =	simm.s32 $0x1B8B  }
0x1a: {  	_ =	swait.ge [sflag:s24], $0x1  }
0x1b: {  	[sflag:s24] =	ssyncset.done $0x0  }
0x1c: {  	[sflag:s24] =	ssyncadd.s32 $0xFFFFFFFF  }
0x1d: {  	s4 =	sld [smem:$0x0]  }
0x1e: {  	s5 =	sand.u32 $0xFFFFFFFE, s1  }
0x1f: {  	p0 =	sne.s32 s1, s5  }
0x20: {  	s5 =	sshll.u32 @p0 s5, $0xE  }
0x21: {  	s5 =	sadd.s32 @p0 $0x11B8D, s5;
	s6 =	sshll.u32 @p0 s4, $0x11  }
0x22: {  	s5 =	sor.u32 @p0 s6, s5  }
0x23: {  	[sflag:s5] =	ssyncadd.remote.s32 @p0 $0x1;
	_ =	sdelay $0x1  }
0x24: {  	s5 =	simm.s32 @p0 $0x1B8D  }
0x25: {  	_ =	swait.eq @p0 [sflag:s5], $0x1  }
0x26: {  	[sflag:s5] =	ssyncadd.s32 @p0 $0xFFFFFFFF  }
0x27: {  	s6 =	sshll.u32 @!p0 s1, $0xE  }
0x28: {  	s6 =	sor.u32 @!p0 $0x4000, s6;
	s5 =	simm.s32 @!p0 $0x1B8D  }
0x29: {  	s4 =	sshll.u32 @!p0 s4, $0x11;
	s6 =	sadd.s32 @!p0 $0x11B8D, s6;
	_ =	swait.eq @!p0 [sflag:s5], $0x1  }
0x2a: {  	s4 =	sor.u32 @!p0 s4, s6;
	[sflag:s5] =	ssyncadd.s32 @!p0 $0xFFFFFFFF  }
0x2b: {  	s26 =	simm.s32 $0x1B8E;
	s25 =	sld [smem:$0x3FFE];
	[sflag:s4] =	ssyncadd.remote.s32 @!p0 $0x1  }
0x2c: {  	s27 =	simm.s32 $execute0_lowered;
	[smem:$0x3FD2] =	sst s26  }
0x2d: {  	s5 =	sshll.u32 s27, $0x1;
	_ =	strace $0x80000049;
	[dreg:$0x1] =	wrdreg $0xFFFFFFFF  }
0x2e: {  	s28 =	simm.s32 $_size_execute0_lowered;
	s3 =	sadd.s32 s3, s5;
	[dreg:$0x0] =	wrdreg $0x0  }
0x2f: {  	s5 =	sshll.u32 s28, $0x1;
	[dreg:$0x2] =	wrdreg s3  }
0x30: {  	[dreg:$0x3] =	wrdreg s5  }
0x31: {  	[dreg:$0x4] =	wrdreg $0xC0  }
0x32: {  	_ =	task [dreg:s23], $0x5FFFF  }
0x33: {  	[dreg:$0x1] =	wrdreg $0xFFFFFFFF  }
0x34: {  	[dreg:$0x0] =	wrdreg $0x60  }
0x35: {  	[dreg:$0x2] =	wrdreg s25  }
0x36: {  	[dreg:$0x3] =	wrdreg $0xC  }
0x37: {  	_ =	task.clear_ibuf [dreg:s23], $0x4FFFF;
	_ =	strace $0x90000049  }
0x38: {  	s29 =	simm.s32 $0xC;
	_ =	strace $0x8000004B  }
0x39: {  	_ =	swait.ge [sflag:s29], $0x1  }
0x3a: {  	[sflag:s29] =	ssyncadd.s32 $0xFFFFFFFF  }
0x3b: {  	_ =	strace $0x9000004B  }
0x3c: {  	_ =	sfence  }
0x3d: {  	s30 =	sld [smem:$0x0];
	_ =	sdelay $0x2  }
0x3e: {  	s31 =	sshll.u32 s1, $0xD;
	s1 =	sshrl.u32 s1, $0x2  }
0x3f: {  	s4 =	sand.u32 $0x4000, s31;
	s1 =	sadd.s32 s1, s30  }
0x40: {  	s0 =	sor.u32 s4, s0;
	s1 =	sshll.u32 s1, $0x11  }
0x41: {  	s0 =	sor.u32 s1, s0  }
0x42: {  	s0 =	sadd.s32 $0x8F2B, s0  }
0x43: {  	[sflag:s0] =	ssyncadd.remote.s32 $0x1  }
0x44: {  	_ =	sfence.sel $0xFFFF  }
0x45: {  	[dreg:$0x0] =	wrdreg $0xFFFFFFFF;
	(pc) =	sbr.abs _section_cstart, $3  }
0x46: {  	[dreg:$0x1] =	wrdreg $0xFFFFFFFF  }
0x47: {  	_ =	task.clear_ibuf [dreg:s23], $0x2FFFF;
	_ =	strace $0x9FFFFFFF  }
0x48: {  	(tm) =	ssettm $0x7FFFFFFF  }
0x49: {  	_ =	shalt  }
tec
execute0_lowered:
.L_overlay_start_1:
0x0: {  	(tag) =	ssettag $0x1  }
0x1: {  	s0 =	stileid.u32;
	s1 =	srdreg.scid  }
0x2: {  	s4 =	rddreg [dreg:$0x0];
	s5 =	simm.s32 $0x1;
	s8 =	simm.s32 $0x2  }
0x3: {  	s19 =	simm.s32 $0x0;
	s10 =	simm.s32 $0x0;
	s17 =	simm.s32 $0x0  }
0x4: {  	s21 =	simm.s32 $0x0;
	s18 =	simm.s32 $0x0;
	s20 =	simm.s32 $0x0  }
0x5: {  	s11 =	simm.s32 $0x0;
	s2 =	sshll.u32 s0, $0x5;
	s3 =	sshll.u32 s1, $0x9  }
0x6: {  	s14 =	simm.s32 $0x0;
	s15 =	simm.s32 $0x0;
	s2 =	sor.u32 s2, s3  }
0x7: {  	s1 =	rddreg [dreg:$0x1];
	_ =	strace $0x8000004A;
	s2 =	sand.u32 $0x380, s2  }
0x8: {  	s16 =	simm.s32 $0x0;
	s3 =	sadd.s32 $0x458E00, s4;
	s6 =	ssub.s32 $0x5500, s2  }
.Ltmp0:
0x9: {  	s4 =	sadd.s32 $0x5ACE00, s4;
	s7 =	sand.u32 $0x380, s6;
	(pc) =	sbr.rel .LBB1_1-.Ltmp0, $4  }
0xa: {  	[sflag:s5] =	ssyncpa.u1 $0x0;
	p0 =	sne.s32 s7, $0x0;
	s7 =	simm.s32 $0x1  }
0xb: {  	[sflag:s8] =	ssyncpa.u1 $0x0;
	s9 =	sshrl.u32 s6, $0xA;
	s7 =	simm.s32 @!p0 $0x0  }
0xc: {  	s12 =	smov.u32 s2;
	s6 =	sand.u32 $0x3, s0;
	s7 =	sadd.s32 s7, s9  }
0xd: {  	s13 =	smov.u32 s6;
	s9 =	simm.s32 $0x15400;
	s8 =	sadd.s32 $0x1, s7  }
.LBB1_9:
0xe: {  	s22 =	sadd.s32 $0x400, s12  }
0xf: {  	s17 =	sadd.s32 $0x8, s11;
	s23 =	smov.u32 s11;
	p1 =	sgt.s32 s22, $0x54FF  }
0x10: {  	s23 =	smov.u32 @p1 s17  }
0x11: {  	s24 =	smov.u32 s13;
	s17 =	sadd.s32 $0x4, s13;
	p2 =	sgt.s32 s23, $0x7  }
0x12: {  	s24 =	smov.u32 @p2 s17  }
0x13: {  	s25 =	smov.u32 s14;
	s17 =	sadd.s32 $0x4, s14;
	p3 =	sgt.s32 s24, $0x3  }
0x14: {  	p0 =	slt.u32 s16, $0x2;
	s26 =	smov.u32 s15;
	s25 =	smov.u32 @p3 s17  }
0x15: {  	s19 =	smov.u32 s12;
	s17 =	sadd.s32 $0x4, s15;
	p4 =	sgt.s32 s25, $0x3  }
0x16: {  	s21 =	smov.u32 s13;
	s18 =	smov.u32 s14;
	s26 =	smov.u32 @p4 s17  }
0x17: {  	s20 =	smov.u32 s15;
	s22 =	smov.u32 @p1 s2;
	p1 =	sgt.s32 s26, $0x3  }
0x18: {  	s27 =	simm.s32 @!p0 $0x2;
	s26 =	simm.s32 @p1 $0x0;
	p1 =	sne.s32 s16, s8  }
.Ltmp1:
0x19: {  	s10 =	sadd.s32 $0x4000, s10;
	_ =	swait.ge @!p0 [sflag:s27], $0x4000;
	(pc) =	sbr.rel @!p1 .LBB1_10-.Ltmp1, $4  }
0x1a: {  	[sflag:s27] =	ssyncset.done @!p0 $0x0;
	s12 =	smov.u32 s22;
	s24 =	smov.u32 @p3 s6  }
0x1b: {  	s23 =	simm.s32 @p2 $0x0;
	[sflag:s27] =	ssyncadd.s32 @!p0 $0xFFFFC000;
	s13 =	smov.u32 s24  }
0x1c: {  	s25 =	simm.s32 @p4 $0x0;
	s17 =	smov.u32 s11;
	s11 =	smov.u32 s23  }
0x1d: {  	s14 =	smov.u32 s25;
	s16 =	sadd.s32 $0x1, s16;
	s15 =	smov.u32 s26  }
.LBB1_1:
0x1e: {  	p0 =	sge.u32 s16, s7  }
0x1f: {  	s22 =	sshrl.u32 @!p0 s11, $0x3  }
0x20: {  	s23 =	sshll.u32 @!p0 s12, $0x3;
	s22 =	smul.u32 @!p0 $0x2A800, s22  }
0x21: {  	s24 =	sshll.u32 @!p0 s11, $0x7;
	s23 =	sand.u32 @!p0 $0xFFFFFC00, s23  }
0x22: {  	s22 =	sadd.s32 @!p0 s22, s23;
	s23 =	sand.u32 @!p0 $0x380, s24  }
0x23: {  	s26 =	smul.u32 @!p0 $0x55000, s15;
	s24 =	sand.u32 @!p0 $0x7F, s12;
	s22 =	sor.u32 @!p0 s23, s22  }
0x24: {  	s27 =	smul.u32 @!p0 $0x15400, s14;
	s23 =	sor.u32 @!p0 s24, s22  }
0x25: {  	s24 =	smulhi.u32 @!p0 $0xC0C0C0C1, s23  }
0x26: {  	s22 =	smulhi.u32 @!p0 $0xC0C0C0C1, s22  }
0x27: {  	s31 =	sadd.s32 $0xFFFFFFFF, s16;
	s28 =	smul.u32 @!p0 $0x5500, s13;
	s24 =	sshrl.u32 @!p0 s24, $0xE  }
0x28: {  	s25 =	sxor.u32 @!p0 $0xFFFFFFFF, s16;
	s22 =	sshrl.u32 @!p0 s22, $0xE;
	s24 =	smul.u32 @!p0 $0x5500, s24  }
0x29: {  	s25 =	sshll.u32 @!p0 s25, $0xE;
	s26 =	sadd.s32 @!p0 s3, s26;
	s22 =	sand.u32 @!p0 $0x7, s22  }
0x2a: {  	s22 =	smul.u32 @!p0 $0xAA0, s22;
	s23 =	ssub.s32 @!p0 s23, s24;
	s24 =	sadd.s32 @!p0 s27, s26  }
0x2b: {  	s25 =	sand.u32 @!p0 $0x4000, s25;
	s24 =	sadd.s32 @!p0 s28, s24;
	s26 =	sand.u32 @!p0 $0x7, s23  }
0x2c: {  	s23 =	sshrl.u32 @!p0 s23, $0x3;
	s22 =	sadd.s32 @!p0 s22, s24;
	s24 =	sshll.u32 @!p0 s26, $0x12  }
0x2d: {  	s22 =	sadd.s32 @!p0 s23, s22;
	s23 =	sor.u32 @!p0 $0x400, s24;
	s24 =	simm.s32 @!p0 $0xAA000  }
0x2e: {  	[tilespmem:s25], [sflag:$0x1] =	stream.strided.gather @!p0 [hbm4b:s22+s23], $0x4000, s24, s23, $0x38;
	[tilespmem:$0x10000] =	vst v63  }
0x2f: {  	p0 =	sge.u32 s31, s7  }
.Ltmp2:
0x30: {  	_ = 	snop;
	(pc) =	sbr.rel @p0 .LBB1_9-.Ltmp2, $1  }
0x31: {  	_ =	sdelay $0x3  }
0x32: {  	s22 =	sand.u32 $0x4000, s10  }
0x33: {  	_ =	swait.ge [sflag:s5], $0x4000;
	s25 =	sshll.u32 s16, $0xE;
	s23 =	sor.u32 $0x8040, s22  }
0x34: {  	s24 =	sor.u32 $0x40, s22;
	[sflag:s5] =	ssyncset.done $0x0;
	s31 =	sand.u32 $0x4000, s25  }
0x35: {  	s25 =	simm.s32 $0x0;
	[sflag:s5] =	ssyncadd.s32 $0xFFFFC000;
	s22 =	sor.u32 $0x8000, s31  }
.LBB1_3:
0x36: {  	s26 =	smov.u32 s24;
	s27 =	smov.u32 s23;
	s28 =	simm.s32 $0x0  }
.LBB1_4:
0x37: {  	v0 =	vmov s26;
	_ =	sdelay $0x3  }
0x38: {  	s30 =	simm.s32 $0x0  }
0x39: {  	v6 =	vld.idx.msk [tilespmem:v0+s30+$0x30 ss:$0x1], $0xffff  }
0x3a: {  	v7 =	vld.idx.msk [tilespmem:v0+s30+$0xFFFFFFC0 ss:$0x1], $0xffff  }
0x3b: {  	v5 =	vld.idx.msk [tilespmem:v0+s30+$0xFFFFFFD0 ss:$0x1], $0xffff  }
0x3c: {  	v4 =	vld.idx.msk [tilespmem:v0+s30+$0xFFFFFFE0 ss:$0x1], $0xffff  }
0x3d: {  	v3 =	vld.idx.msk [tilespmem:v0+s30+$0xFFFFFFF0 ss:$0x1], $0xffff  }
0x3e: {  	v1 =	vld.idx.msk [tilespmem:v0+s30+$0x0 ss:$0x1], $0xffff  }
0x3f: {  	v2 =	vld.idx.msk [tilespmem:v0+s30+$0x10 ss:$0x1], $0xffff;
	[tilespmem:s27+$0x30] =	vst v6  }
0x40: {  	s29 =	simm.s32 $0x80;
	s31 =	simm.s32 $0x400;
	[tilespmem:s27+$0xFFFFFFC0] =	vst v7;
	v6 =	vld.idx.msk [tilespmem:v0+s30+$0x20 ss:$0x1], $0xffff;
	s30 =	smov.u32 s27  }
.LBB1_5:
0x41: {  	p0 =	sne.s32 s31, $0xE00;
	v7 =	vld.idx.msk [tilespmem:v0+s29+$0x30 ss:$0x1], $0xffff;
	[tilespmem:s30+$0xFFFFFFD0] =	vst v5  }
0x42: {  	v8 =	vld.idx.msk [tilespmem:v0+s29+$0xFFFFFFC0 ss:$0x1], $0xffff;
	[tilespmem:s30+$0xFFFFFFE0] =	vst v4  }
0x43: {  	v5 =	vld.idx.msk [tilespmem:v0+s29+$0xFFFFFFD0 ss:$0x1], $0xffff;
	[tilespmem:s30+$0xFFFFFFF0] =	vst v3  }
.Ltmp3:
0x44: {  	v4 =	vld.idx.msk [tilespmem:v0+s29+$0xFFFFFFE0 ss:$0x1], $0xffff;
	[tilespmem:s30+$0x0] =	vst v1;
	(pc) =	sbr.rel @p0 .LBB1_5-.Ltmp3, $4  }
0x45: {  	v3 =	vld.idx.msk [tilespmem:v0+s29+$0xFFFFFFF0 ss:$0x1], $0xffff;
	[tilespmem:s30+$0x10] =	vst v2  }
0x46: {  	v1 =	vld.idx.msk [tilespmem:v0+s29+$0x0 ss:$0x1], $0xffff;
	[tilespmem:s30+$0x20] =	vst v6;
	s30 =	sadd.s32 $0x800, s30  }
0x47: {  	v2 =	vld.idx.msk [tilespmem:v0+s29+$0x10 ss:$0x1], $0xffff;
	[tilespmem:s30+$0x30] =	vst v7  }
0x48: {  	[tilespmem:s30+$0xFFFFFFC0] =	vst v8;
	v6 =	vld.idx.msk [tilespmem:v0+s29+$0x20 ss:$0x1], $0xffff;
	s29 =	sshra.s32 s31, $0x2;
	s31 =	sadd.s32 $0x200, s31  }
0x49: {  	_ =	sdelay $0x2  }
0x4a: {  	[tilespmem:s30+$0xFFFFFFD0] =	vst v5  }
0x4b: {  	v56 =	vld.idx.msk [tilespmem:v0+s29+$0x30 ss:$0x1], $0xffff;
	[tilespmem:s30+$0xFFFFFFE0] =	vst v4  }
0x4c: {  	v57 =	vld.idx.msk [tilespmem:v0+s29+$0xFFFFFFC0 ss:$0x1], $0xffff;
	[tilespmem:s30+$0xFFFFFFF0] =	vst v3  }
0x4d: {  	v58 =	vld.idx.msk [tilespmem:v0+s29+$0xFFFFFFD0 ss:$0x1], $0xffff;
	[tilespmem:s30+$0x0] =	vst v1  }
0x4e: {  	v59 =	vld.idx.msk [tilespmem:v0+s29+$0xFFFFFFE0 ss:$0x1], $0xffff;
	[tilespmem:s30+$0x10] =	vst v2  }
0x4f: {  	v60 =	vld.idx.msk [tilespmem:v0+s29+$0xFFFFFFF0 ss:$0x1], $0xffff;
	s31 =	sadd.s32 $0x800, s30;
	[tilespmem:s30+$0x20] =	vst v6  }
0x50: {  	v61 =	vld.idx.msk [tilespmem:v0+s29+$0x0 ss:$0x1], $0xffff;
	[tilespmem:s31+$0x30] =	vst v56  }
0x51: {  	v62 =	vld.idx.msk [tilespmem:v0+s29+$0x10 ss:$0x1], $0xffff;
	s28 =	sadd.s32 $0x1, s28;
	[tilespmem:s31+$0xFFFFFFC0] =	vst v57  }
0x52: {  	v63 =	vld.idx.msk [tilespmem:v0+s29+$0x20 ss:$0x1], $0xffff;
	p0 =	sne.s32 s28, $0x4;
	[tilespmem:s31+$0xFFFFFFD0] =	vst v58  }
.Ltmp4:
0x53: {  	[tilespmem:s31+$0xFFFFFFE0] =	vst v59;
	(pc) =	sbr.rel @p0 .LBB1_4-.Ltmp4, $4  }
0x54: {  	[tilespmem:s31+$0xFFFFFFF0] =	vst v60  }
0x55: {  	[tilespmem:s31+$0x0] =	vst v61  }
0x56: {  	[tilespmem:s31+$0x10] =	vst v62  }
0x57: {  	s27 =	sadd.s32 $0x80, s27;
	s26 =	sadd.s32 $0x400, s26;
	[tilespmem:s31+$0x20] =	vst v63  }
0x58: {  	s25 =	sadd.s32 $0x1, s25  }
0x59: {  	p0 =	sne.s32 s25, $0x4  }
.Ltmp5:
0x5a: {  	_ = 	snop;
	(pc) =	sbr.rel @p0 .LBB1_3-.Ltmp5, $2  }
0x5b: {  	_ =	sdelay $0x2  }
0x5c: {  	s23 =	sadd.s32 $0x200, s23;
	s24 =	sadd.s32 $0x1000, s24  }
0x5d: {  	s23 =	sshrl.u32 s21, $0x2  }
0x5e: {  	s24 =	sshll.u32 s19, $0x2;
	s23 =	smul.u32 $0x15400, s23  }
0x5f: {  	s28 =	sshll.u32 s21, $0x7;
	s24 =	sand.u32 $0xFFFFFE00, s24  }
0x60: {  	s21 =	sand.u32 $0x180, s28;
	s23 =	sadd.s32 s23, s24  }
0x61: {  	s29 =	sand.u32 $0x7F, s19;
	s20 =	smul.u32 $0xAA00, s20;
	s21 =	sor.u32 s21, s23  }
0x62: {  	s19 =	sor.u32 s29, s21;
	s21 =	smulhi.u32 $0xC0C0C0C1, s21  }
0x63: {  	s30 =	smulhi.u32 $0xC0C0C0C1, s19  }
0x64: {  	s18 =	smul.u32 $0x2A80, s18  }
0x65: {  	s17 =	smul.u32 $0x2A800, s17;
	s21 =	sshrl.u32 s21, $0xE;
	s23 =	sshrl.u32 s30, $0xE  }
0x66: {  	s21 =	sand.u32 $0x3, s21;
	s23 =	smul.u32 $0x5500, s23  }
0x67: {  	s20 =	sadd.s32 s4, s20;
	s21 =	smul.u32 $0xAA0, s21  }
.Ltmp6:
0x68: {  	s18 =	sadd.s32 s18, s20;
	s19 =	ssub.s32 s19, s23;
	(pc) =	sbr.rel .LBB1_9-.Ltmp6, $4  }
0x69: {  	s17 =	sadd.s32 s17, s18;
	s31 =	sand.u32 $0x7, s19  }
0x6a: {  	s17 =	sadd.s32 s21, s17;
	s19 =	sshrl.u32 s19, $0x3;
	s18 =	sshll.u32 s31, $0x12  }
0x6b: {  	s17 =	sadd.s32 s19, s17;
	s18 =	sor.u32 $0x80, s18  }
0x6c: {  	[hbm4b:s17+s18] =	stream.strided.scatter [tilespmem:s22], [sflag:$0x2], $0x4000, s9, s18, $0x38;
	[tilespmem:$0x10000] =	vst v63  }
.LBB1_10:
0x6d: {  	_ =	sfence.sel $0x180000  }
0x6e: {  	s2 =	simm.s32 $0x1;
	[bflag:$0x0] =	sbarrier.arrive $0xFFFF  }
0x6f: {  	s31 =	simm.s32 $0x2;
	[sflag:s2] =	ssyncpa.u1 $0x1  }
0x70: {  	[sflag:s31] =	ssyncpa.u1 $0x1  }
0x71: {  	p0 =	sne.s32 s0, $0x0;
	_ =	strace $0x9000004A  }
0x72: {  	s0 =	sadd.s32 @!p0 $0x100000, s1;
	[bflag:$0x2] =	sbarrier.arrive $0xFFFF  }
0x73: {  	[sflag:s0] =	ssyncadd.tile.s32 @!p0 $0x1;
	_ =	shalt  }
.Lfunc_end1:
_tile_overlayer_lowered:
.L_overlay_start_2:
0x74: {  	(tag) =	ssettag $0x2  }
0x75: {  	s0 =	rddreg [dreg:$0x0];
	s2 =	stileid.u32  }
0x76: {  	s1 =	rddreg [dreg:$0x1];
	p0 =	sne.s32 s2, $0x0  }
0x77: {  	s3 =	rddreg [dreg:$0x2];
	[bflag:$0x3] =	sbarrier.arrive $0xFFFF;
	s2 =	simm.s32 @!p0 $0x1C01  }
0x78: {  	[timem:s3], [sflag:s2] =	dma.local @!p0 [hbm:s0], s1  }
0x79: {  	s0 =	simm.s32 @!p0 $0x1  }
0x7a: {  	_ =	swait.ge @!p0 [sflag:s0], s1  }
0x7b: {  	s1 =	ssub.s32 @!p0 $0x0, s1;
	[sflag:s0] =	ssyncset.done @!p0 $0x0  }
0x7c: {  	[sflag:s0] =	ssyncadd.s32 @!p0 s1  }
0x7d: {  	[bflag:$0x3] =	sbarrier.arrive $0xFFFF  }
0x7e: {  	_ =	shalt  }

// kernel: sparse-core-data-format-call.4.cloned.1.call-start
scs
called_computation.4_lowered:
.L_overlay_start_0:
0x0: {  	s2 =	sld [smem:$0x3FD9]  }
0x1: {  	s3 =	sld [smem:$0x3FFE];
	_ =	sdelay $0x1  }
0x2: {  	s1 =	srdreg.scid  }
0x3: {  	s0 =	sand.u32 $0x1, s1  }
0x4: {  	s18 =	sshll.u32 s0, $0xA;
	s2 =	sadd.s32 s3, s2  }
0x5: {  	s2 =	sadd.s32 s2, s18  }
0x6: {  	[smem:$0x3FBD] =	sst s2  }
0x7: {  	_ = 	snop  }
0x8: {  	(tm) =	ssettm $0x1  }
0x9: {  	s19 =	sld [smem:$0x3FFB];
	_ =	sdelay $0x3  }
0xa: {  	_ =	strace s19  }
0xb: {  	s2 =	sld [smem:$0x3FFC];
	_ =	sdelay $0x3  }
0xc: {  	_ =	strace s2  }
0xd: {  	s2 =	sld [smem:$0x3FFD];
	_ =	sdelay $0x3  }
0xe: {  	_ =	strace s2  }
0xf: {  	_ =	strace $0x8FFFFFFF  }
0x10: {  	s20 =	sld [smem:$0x3FDB];
	_ =	sdelay $0x1  }
0x11: {  	s21 =	simm.s32 $_scs_section_size  }
0x12: {  	s4 =	simm.s32 $_size__tile_overlayer_lowered;
	s5 =	simm.s32 $_tile_overlayer_lowered  }
0x13: {  	s6 =	simm.s32 $0x1BFF;
	s22 =	sshll.u32 s5, $0x1;
	s3 =	sadd.s32 s21, s20  }
0x14: {  	s23 =	simm.s32 $0x0;
	s4 =	sshll.u32 s4, $0x1;
	s5 =	sadd.s32 s22, s3  }
0x15: {  	[timem:s23], [sflag:s6] =	dma.local [hbm:s5], s4  }
0x16: {  	_ =	swait.ge [sflag:s6], s4  }
0x17: {  	s4 =	ssub.s32 $0x0, s4;
	[sflag:s6] =	ssyncset.done $0x0  }
0x18: {  	[sflag:s6] =	ssyncadd.s32 s4;
	_ =	sdelay $0x1  }
0x19: {  	s24 =	simm.s32 $0x1B8B  }
0x1a: {  	_ =	swait.ge [sflag:s24], $0x1  }
0x1b: {  	[sflag:s24] =	ssyncset.done $0x0  }
0x1c: {  	[sflag:s24] =	ssyncadd.s32 $0xFFFFFFFF  }
0x1d: {  	s4 =	sld [smem:$0x0]  }
0x1e: {  	s5 =	sand.u32 $0xFFFFFFFE, s1  }
0x1f: {  	p0 =	sne.s32 s1, s5  }
0x20: {  	s5 =	sshll.u32 @p0 s5, $0xE  }
0x21: {  	s5 =	sadd.s32 @p0 $0x11B8D, s5;
	s6 =	sshll.u32 @p0 s4, $0x11  }
0x22: {  	s5 =	sor.u32 @p0 s6, s5  }
0x23: {  	[sflag:s5] =	ssyncadd.remote.s32 @p0 $0x1;
	_ =	sdelay $0x1  }
0x24: {  	s5 =	simm.s32 @p0 $0x1B8D  }
0x25: {  	_ =	swait.eq @p0 [sflag:s5], $0x1  }
0x26: {  	[sflag:s5] =	ssyncadd.s32 @p0 $0xFFFFFFFF  }
0x27: {  	s6 =	sshll.u32 @!p0 s1, $0xE  }
0x28: {  	s6 =	sor.u32 @!p0 $0x4000, s6;
	s5 =	simm.s32 @!p0 $0x1B8D  }
0x29: {  	s4 =	sshll.u32 @!p0 s4, $0x11;
	s6 =	sadd.s32 @!p0 $0x11B8D, s6;
	_ =	swait.eq @!p0 [sflag:s5], $0x1  }
0x2a: {  	s4 =	sor.u32 @!p0 s4, s6;
	[sflag:s5] =	ssyncadd.s32 @!p0 $0xFFFFFFFF  }
0x2b: {  	s26 =	simm.s32 $0x1B8E;
	s25 =	sld [smem:$0x3FFE];
	[sflag:s4] =	ssyncadd.remote.s32 @!p0 $0x1  }
0x2c: {  	s27 =	simm.s32 $execute0_lowered;
	[smem:$0x3FD2] =	sst s26  }
0x2d: {  	s5 =	sshll.u32 s27, $0x1;
	_ =	strace $0x80000052;
	[dreg:$0x1] =	wrdreg $0xFFFFFFFF  }
0x2e: {  	s28 =	simm.s32 $_size_execute0_lowered;
	s3 =	sadd.s32 s3, s5;
	[dreg:$0x0] =	wrdreg $0x0  }
0x2f: {  	s5 =	sshll.u32 s28, $0x1;
	[dreg:$0x2] =	wrdreg s3  }
0x30: {  	[dreg:$0x3] =	wrdreg s5  }
0x31: {  	[dreg:$0x4] =	wrdreg $0xC0  }
0x32: {  	_ =	task [dreg:s23], $0x5FFFF  }
0x33: {  	[dreg:$0x1] =	wrdreg $0xFFFFFFFF  }
0x34: {  	[dreg:$0x0] =	wrdreg $0x60  }
0x35: {  	[dreg:$0x2] =	wrdreg s25  }
0x36: {  	[dreg:$0x3] =	wrdreg $0x9  }
0x37: {  	_ =	task.clear_ibuf [dreg:s23], $0x4FFFF;
	_ =	strace $0x90000052  }
0x38: {  	s29 =	simm.s32 $0x9;
	_ =	strace $0x80000054  }
0x39: {  	_ =	swait.ge [sflag:s29], $0x1  }
0x3a: {  	[sflag:s29] =	ssyncadd.s32 $0xFFFFFFFF  }
0x3b: {  	_ =	strace $0x90000054  }
0x3c: {  	_ =	sfence  }
0x3d: {  	s30 =	sld [smem:$0x0];
	_ =	sdelay $0x2  }
0x3e: {  	s31 =	sshll.u32 s1, $0xD;
	s1 =	sshrl.u32 s1, $0x2  }
0x3f: {  	s4 =	sand.u32 $0x4000, s31;
	s1 =	sadd.s32 s1, s30  }
0x40: {  	s0 =	sor.u32 s4, s0;
	s1 =	sshll.u32 s1, $0x11  }
0x41: {  	s0 =	sor.u32 s1, s0  }
0x42: {  	s0 =	sadd.s32 $0x8F2B, s0  }
0x43: {  	[sflag:s0] =	ssyncadd.remote.s32 $0x1  }
0x44: {  	_ =	sfence.sel $0xFFFF  }
0x45: {  	[dreg:$0x0] =	wrdreg $0xFFFFFFFF;
	(pc) =	sbr.abs _section_cstart, $3  }
0x46: {  	[dreg:$0x1] =	wrdreg $0xFFFFFFFF  }
0x47: {  	_ =	task.clear_ibuf [dreg:s23], $0x2FFFF;
	_ =	strace $0x9FFFFFFF  }
0x48: {  	(tm) =	ssettm $0x7FFFFFFF  }
0x49: {  	_ =	shalt  }
tec
execute0_lowered:
.L_overlay_start_1:
0x0: {  	(tag) =	ssettag $0x1  }
0x1: {  	s0 =	stileid.u32;
	s1 =	srdreg.scid  }
0x2: {  	s7 =	rddreg [dreg:$0x0];
	s31 =	simm.s32 $0x2;
	s14 =	simm.s32 $0x0  }
0x3: {  	s13 =	simm.s32 $0x0;
	s12 =	simm.s32 $0x0;
	s2 =	sshll.u32 s0, $0x7  }
0x4: {  	s3 =	sshll.u32 s0, $0x5;
	s1 =	sshll.u32 s1, $0x9;
	s2 =	sand.u32 $0x180, s2  }
0x5: {  	s3 =	sor.u32 s3, s1;
	s1 =	rddreg [dreg:$0x1];
	_ =	strace $0x80000053  }
0x6: {  	s3 =	sand.u32 $0x380, s3;
	s4 =	ssub.s32 $0x200, s2;
	s11 =	smov.u32 s2  }
0x7: {  	s5 =	sand.u32 $0x180, s4;
	s6 =	ssub.s32 $0x5500, s3;
	s9 =	sshrl.u32 s4, $0x9  }
0x8: {  	p0 =	sne.s32 s5, $0x0;
	s5 =	simm.s32 $0x1;
	s8 =	sand.u32 $0x380, s6  }
0x9: {  	s5 =	simm.s32 @!p0 $0x0;
	p0 =	sne.s32 s8, $0x0;
	s8 =	simm.s32 $0x1  }
.Ltmp0:
0xa: {  	s6 =	sshrl.u32 s6, $0xA;
	s8 =	simm.s32 @!p0 $0x0;
	(pc) =	sbr.rel .LBB1_1-.Ltmp0, $4  }
0xb: {  	s4 =	simm.s32 $0x1;
	s5 =	sadd.s32 s5, s9;
	s6 =	sadd.s32 s8, s6  }
0xc: {  	s10 =	smov.u32 s3;
	[sflag:s4] =	ssyncpa.u1 $0x0;
	s5 =	smul.u32 s5, s6  }
0xd: {  	[sflag:s31] =	ssyncpa.u1 $0x0;
	p0 =	por $0x0, $0x0;
	s9 =	simm.s32 $0x1000  }
0xe: {  	s6 =	sadd.s32 $0x205E00, s7;
	s7 =	sadd.s32 $0x7E00, s7;
	s8 =	sadd.s32 $0x1, s5  }
.LBB1_4:
0xf: {  	s20 =	sshll.u32 s14, $0x9;
	s21 =	sshll.u32 s13, $0x3  }
0x10: {  	v5 =	vld [tilespmem:s18+$0xFFFFFFD0];
	[tilespmem:s17+$0x2040 ss:$0x81] =	vst.msk $0xffff, v4;
	s25 =	sshll.u32 s14, $0x7;
	s20 =	sand.u32 $0xFFFFF000, s20;
	s21 =	sand.u32 $0xFFFFFC00, s21  }
0x11: {  	v58 =	vld [tilespmem:s18+$0xFFFFFFE0];
	[tilespmem:s17+$0x2850 ss:$0x81] =	vst.msk $0xffff, v3;
	s26 =	sand.u32 $0x200, s25;
	s20 =	sadd.s32 s21, s20  }
0x12: {  	s19 =	sshra.s32 s19, $0x2;
	v59 =	vld [tilespmem:s18+$0xFFFFFFF0];
	[tilespmem:s17+$0x3060 ss:$0x81] =	vst.msk $0xffff, v2;
	s20 =	sor.u32 s26, s20  }
0x13: {  	v60 =	vld [tilespmem:s18+$0x0];
	[tilespmem:s17+$0x0 ss:$0x81] =	vst.msk $0xffff, v0;
	s16 =	sadd.s32 s19, s16;
	s27 =	sshrl.u32 s20, $0x9  }
0x14: {  	v61 =	vld [tilespmem:s18+$0x10];
	[tilespmem:s16+$0x3870 ss:$0x81] =	vst.msk $0xffff, v1;
	s28 =	smulhi.u32 $0x606061, s27  }
0x15: {  	v62 =	vld [tilespmem:s18+$0x20];
	[tilespmem:s16+$0x810 ss:$0x81] =	vst.msk $0xffff, v5  }
0x16: {  	v63 =	vld [tilespmem:s18+$0xFFFFFFC0];
	[tilespmem:s16+$0x1020 ss:$0x81] =	vst.msk $0xffff, v58;
	s29 =	sshrl.u32 s28, $0x5  }
0x17: {  	s30 =	sand.u32 $0x78, s13;
	s14 =	sand.u32 $0x180, s25;
	[tilespmem:s16+$0x1830 ss:$0x81] =	vst.msk $0xffff, v59;
	s18 =	smul.u32 $0x5500, s29  }
0x18: {  	s14 =	sor.u32 s30, s14;
	[tilespmem:s16+$0x2040 ss:$0x81] =	vst.msk $0xffff, v60  }
0x19: {  	s31 =	sand.u32 $0x7, s13;
	s14 =	sshrl.u32 s14, $0x3;
	[tilespmem:s16+$0x2850 ss:$0x81] =	vst.msk $0xffff, v61;
	s17 =	ssub.s32 s27, s18  }
0x1a: {  	s13 =	sshll.u32 s31, $0x12;
	s14 =	sadd.s32 s7, s14;
	[tilespmem:s16+$0x3060 ss:$0x81] =	vst.msk $0xffff, v62;
	s17 =	sshll.u32 s17, $0x6  }
0x1b: {  	s13 =	sor.u32 $0x400, s13;
	[tilespmem:s16+$0x0 ss:$0x81] =	vst.msk $0xffff, v63;
	s14 =	sadd.s32 s17, s14  }
0x1c: {  	[hbm4b:s14+s13] =	stream.strided.scatter [tilespmem:s15], [sflag:$0x2], $0x4000, s9, s13, $0x20;
	[tilespmem:$0x10100] =	vst v63  }
.LBB1_5:
0x1d: {  	s15 =	sadd.s32 $0x400, s10  }
0x1e: {  	s13 =	sadd.s32 $0x200, s11;
	s17 =	smov.u32 s11;
	p2 =	sgt.s32 s15, $0x54FF  }
0x1f: {  	s17 =	smov.u32 @p2 s13  }
0x20: {  	s15 =	smov.u32 @p2 s3;
	p2 =	sgt.s32 s17, $0x1FF  }
0x21: {  	s17 =	smov.u32 @p2 s2;
	p2 =	sne.s32 s12, s8  }
.Ltmp1:
0x22: {  	p1 =	slt.u32 s12, $0x2;
	(pc) =	sbr.rel @!p2 .LBB1_6-.Ltmp1, $4  }
0x23: {  	s16 =	simm.s32 @!p1 $0x2  }
0x24: {  	s14 =	smov.u32 s10;
	p0 =	por !p0, !p0;
	_ =	swait.ge @!p1 [sflag:s16], $0x4000  }
0x25: {  	s13 =	smov.u32 s11;
	[sflag:s16] =	ssyncset.done @!p1 $0x0;
	s10 =	smov.u32 s15  }
0x26: {  	s12 =	sadd.s32 $0x1, s12;
	[sflag:s16] =	ssyncadd.s32 @!p1 $0xFFFFC000;
	s11 =	smov.u32 s17  }
.LBB1_1:
0x27: {  	p1 =	sge.u32 s12, s5  }
0x28: {  	s15 =	sshrl.u32 @!p1 s11, $0x3  }
0x29: {  	s16 =	sshll.u32 @!p1 s10, $0x3;
	s15 =	smul.u32 @!p1 $0x2A800, s15  }
0x2a: {  	s17 =	sshll.u32 @!p1 s11, $0x7;
	s16 =	sand.u32 @!p1 $0xFFFFFC00, s16  }
0x2b: {  	s15 =	sadd.s32 @!p1 s15, s16;
	s16 =	sand.u32 @!p1 $0x380, s17  }
0x2c: {  	s17 =	sand.u32 @!p1 $0x7F, s10;
	s15 =	sor.u32 @!p1 s16, s15  }
0x2d: {  	s16 =	sor.u32 @!p1 s17, s15  }
0x2e: {  	s17 =	smulhi.u32 @!p1 $0xC0C0C0C1, s16;
	_ =	sdelay $0x1  }
0x2f: {  	s15 =	smulhi.u32 @!p1 $0xC0C0C0C1, s15;
	s17 =	sshrl.u32 @!p1 s17, $0xE  }
0x30: {  	s17 =	smul.u32 @!p1 $0x5500, s17  }
0x31: {  	s31 =	sadd.s32 $0xFFFFFFFF, s12;
	s18 =	sxor.u32 @!p1 $0xFFFFFFFF, s12;
	s15 =	sshrl.u32 @!p1 s15, $0xE  }
0x32: {  	s18 =	sshll.u32 @!p1 s18, $0xE;
	s15 =	sand.u32 @!p1 $0x1FF, s15;
	s16 =	ssub.s32 @!p1 s16, s17  }
0x33: {  	s15 =	smul.u32 @!p1 $0xAA0, s15;
	s17 =	sshrl.u32 @!p1 s16, $0x3;
	s16 =	sand.u32 @!p1 $0x7, s16  }
0x34: {  	s18 =	sand.u32 @!p1 $0x4000, s18;
	s17 =	sadd.s32 @!p1 s6, s17;
	s16 =	sshll.u32 @!p1 s16, $0x12  }
0x35: {  	s15 =	sadd.s32 @!p1 s15, s17;
	s16 =	sor.u32 @!p1 $0x400, s16;
	s17 =	simm.s32 @!p1 $0x2A800  }
0x36: {  	[tilespmem:s18], [sflag:$0x1] =	stream.strided.gather @!p1 [hbm4b:s15+s16], $0x4000, s17, s16, $0x38;
	[tilespmem:$0x10100] =	vst v63  }
0x37: {  	p1 =	sge.u32 s31, s5  }
.Ltmp2:
0x38: {  	_ = 	snop;
	(pc) =	sbr.rel @p1 .LBB1_5-.Ltmp2, $1  }
0x39: {  	_ =	sdelay $0x3  }
0x3a: {  	s15 =	simm.s32 $0x1  }
0x3b: {  	_ =	swait.ge [sflag:s4], $0x4000;
	s15 =	simm.s32 @!p0 $0x0  }
0x3c: {  	[sflag:s4] =	ssyncset.done $0x0;
	s16 =	sshll.u32 s15, $0xE  }
0x3d: {  	[sflag:s4] =	ssyncadd.s32 $0xFFFFC000;
	s18 =	sor.u32 $0x40, s16  }
0x3e: {  	s15 =	smul.u32 $0x10200, s15;
	v0 =	vld [tilespmem:s18+$0x30]  }
0x3f: {  	v1 =	vld [tilespmem:s18+$0xFFFFFFD0]  }
0x40: {  	s15 =	sshrl.u32 s15, $0x2;
	v5 =	vld [tilespmem:s18+$0xFFFFFFE0]  }
0x41: {  	v6 =	vld [tilespmem:s18+$0xFFFFFFF0];
	s16 =	sor.u32 $0x8000, s15  }
0x42: {  	s31 =	sand.u32 $0x1, s12;
	v4 =	vld [tilespmem:s18+$0x0];
	s17 =	sadd.s32 $0x0, s16  }
0x43: {  	v3 =	vld [tilespmem:s18+$0x10];
	s15 =	smul.u32 $0x10200, s31;
	[tilespmem:s17+$0x3870 ss:$0x81] =	vst.msk $0xffff, v0  }
0x44: {  	v2 =	vld [tilespmem:s18+$0x20];
	[tilespmem:s17+$0x810 ss:$0x81] =	vst.msk $0xffff, v1  }
0x45: {  	s15 =	sshrl.u32 s15, $0x2;
	v0 =	vld [tilespmem:s18+$0xFFFFFFC0];
	[tilespmem:s17+$0x1020 ss:$0x81] =	vst.msk $0xffff, v5;
	s18 =	sadd.s32 $0x80, s18  }
0x46: {  	s19 =	simm.s32 $0x4;
	s20 =	simm.s32 $0x8;
	s15 =	sor.u32 $0x8000, s15;
	[tilespmem:s17+$0x1830 ss:$0x81] =	vst.msk $0xffff, v6;
	v1 =	vld [tilespmem:s18+$0x30]  }
.LBB1_3:
0x47: {  	p1 =	sne.s32 s20, $0x1FC;
	v5 =	vld [tilespmem:s18+$0xFFFFFFD0];
	[tilespmem:s17+$0x2040 ss:$0x81] =	vst.msk $0xffff, v4  }
0x48: {  	v6 =	vld [tilespmem:s18+$0xFFFFFFE0];
	[tilespmem:s17+$0x2850 ss:$0x81] =	vst.msk $0xffff, v3  }
0x49: {  	s21 =	sshra.s32 s19, $0x2;
	s19 =	smov.u32 s20;
	v7 =	vld [tilespmem:s18+$0xFFFFFFF0];
	[tilespmem:s17+$0x3060 ss:$0x81] =	vst.msk $0xffff, v2  }
.Ltmp3:
0x4a: {  	v4 =	vld [tilespmem:s18+$0x0];
	[tilespmem:s17+$0x0 ss:$0x81] =	vst.msk $0xffff, v0;
	s17 =	sadd.s32 s21, s16;
	(pc) =	sbr.rel @p1 .LBB1_3-.Ltmp3, $4  }
0x4b: {  	v3 =	vld [tilespmem:s18+$0x10];
	[tilespmem:s17+$0x3870 ss:$0x81] =	vst.msk $0xffff, v1  }
0x4c: {  	[tilespmem:s17+$0x810 ss:$0x81] =	vst.msk $0xffff, v5;
	v2 =	vld [tilespmem:s18+$0x20]  }
0x4d: {  	v0 =	vld [tilespmem:s18+$0xFFFFFFC0];
	[tilespmem:s17+$0x1020 ss:$0x81] =	vst.msk $0xffff, v6;
	s18 =	sadd.s32 $0x80, s18  }
0x4e: {  	s20 =	sadd.s32 $0x4, s20;
	v1 =	vld [tilespmem:s18+$0x30];
	[tilespmem:s17+$0x1830 ss:$0x81] =	vst.msk $0xffff, v7  }
.Ltmp4:
0x4f: {  	_ = 	snop;
	(pc) =	sbr.rel .LBB1_4-.Ltmp4, $1  }
0x50: {  	_ =	sdelay $0x3  }
.LBB1_6:
0x51: {  	_ =	sfence.sel $0x180000  }
0x52: {  	s2 =	simm.s32 $0x1;
	[bflag:$0x0] =	sbarrier.arrive $0xFFFF  }
0x53: {  	s31 =	simm.s32 $0x2;
	[sflag:s2] =	ssyncpa.u1 $0x1  }
0x54: {  	[sflag:s31] =	ssyncpa.u1 $0x1  }
0x55: {  	p0 =	sne.s32 s0, $0x0;
	_ =	strace $0x90000053  }
0x56: {  	s0 =	sadd.s32 @!p0 $0x100000, s1;
	[bflag:$0x2] =	sbarrier.arrive $0xFFFF  }
0x57: {  	[sflag:s0] =	ssyncadd.tile.s32 @!p0 $0x1;
	_ =	shalt  }
.Lfunc_end1:
_tile_overlayer_lowered:
.L_overlay_start_2:
0x58: {  	(tag) =	ssettag $0x2  }
0x59: {  	s0 =	rddreg [dreg:$0x0];
	s2 =	stileid.u32  }
0x5a: {  	s1 =	rddreg [dreg:$0x1];
	p0 =	sne.s32 s2, $0x0  }
0x5b: {  	s3 =	rddreg [dreg:$0x2];
	[bflag:$0x3] =	sbarrier.arrive $0xFFFF;
	s2 =	simm.s32 @!p0 $0x1C01  }
0x5c: {  	[timem:s3], [sflag:s2] =	dma.local @!p0 [hbm:s0], s1  }
0x5d: {  	s0 =	simm.s32 @!p0 $0x1  }
0x5e: {  	_ =	swait.ge @!p0 [sflag:s0], s1  }
0x5f: {  	s1 =	ssub.s32 @!p0 $0x0, s1;
	[sflag:s0] =	ssyncset.done @!p0 $0x0  }
0x60: {  	[sflag:s0] =	ssyncadd.s32 @!p0 s1  }
0x61: {  	[bflag:$0x3] =	sbarrier.arrive $0xFFFF  }
0x62: {  	_ =	shalt  }

// kernel: sparse-core-data-format-call.5.cloned.1.call-start
scs
called_computation.5_lowered:
.L_overlay_start_0:
0x0: {  	s1 =	sld [smem:$0x3FD9]  }
0x1: {  	s2 =	sld [smem:$0x3FFE];
	_ =	sdelay $0x1  }
0x2: {  	s3 =	srdreg.scid  }
0x3: {  	s0 =	sand.u32 $0x1, s3  }
0x4: {  	s17 =	sshll.u32 s0, $0xA;
	s1 =	sadd.s32 s2, s1  }
0x5: {  	s1 =	sadd.s32 s1, s17  }
0x6: {  	[smem:$0x3FBD] =	sst s1  }
0x7: {  	_ = 	snop  }
0x8: {  	(tm) =	ssettm $0x1  }
0x9: {  	s18 =	sld [smem:$0x3FFB];
	_ =	sdelay $0x3  }
0xa: {  	_ =	strace s18  }
0xb: {  	s1 =	sld [smem:$0x3FFC];
	_ =	sdelay $0x3  }
0xc: {  	_ =	strace s1  }
0xd: {  	s1 =	sld [smem:$0x3FFD];
	_ =	sdelay $0x3  }
0xe: {  	_ =	strace s1  }
0xf: {  	_ =	strace $0x8FFFFFFF  }
0x10: {  	s19 =	sld [smem:$0x3FDB];
	_ =	sdelay $0x1  }
0x11: {  	s20 =	simm.s32 $_scs_section_size  }
0x12: {  	s4 =	simm.s32 $_size__tile_overlayer_lowered;
	s5 =	simm.s32 $_tile_overlayer_lowered  }
0x13: {  	s23 =	simm.s32 $0x1BFF;
	s22 =	sshll.u32 s5, $0x1;
	s1 =	sadd.s32 s20, s19  }
0x14: {  	s6 =	simm.s32 $0x0;
	s21 =	sshll.u32 s4, $0x1;
	s4 =	sadd.s32 s22, s1  }
0x15: {  	[timem:s6], [sflag:s23] =	dma.local [hbm:s4], s21  }
0x16: {  	_ =	swait.ge [sflag:s23], s21  }
0x17: {  	s2 =	ssub.s32 $0x0, s21;
	[sflag:s23] =	ssyncset.done $0x0  }
0x18: {  	[sflag:s23] =	ssyncadd.s32 s2;
	_ =	sdelay $0x1  }
0x19: {  	s24 =	simm.s32 $0x1B8B  }
0x1a: {  	_ =	swait.ge [sflag:s24], $0x1  }
0x1b: {  	[sflag:s24] =	ssyncset.done $0x0  }
0x1c: {  	s26 =	simm.s32 $0x1B8E;
	s25 =	sld [smem:$0x3FFE];
	[sflag:s24] =	ssyncadd.s32 $0xFFFFFFFF  }
0x1d: {  	s27 =	simm.s32 $execute0_lowered;
	[smem:$0x3FD2] =	sst s26  }
0x1e: {  	s4 =	sshll.u32 s27, $0x1;
	_ =	strace $0x80000046;
	[dreg:$0x1] =	wrdreg $0xFFFFFFFF  }
0x1f: {  	s28 =	simm.s32 $_size_execute0_lowered;
	s1 =	sadd.s32 s1, s4;
	[dreg:$0x0] =	wrdreg $0x0  }
0x20: {  	s4 =	sshll.u32 s28, $0x1;
	[dreg:$0x2] =	wrdreg s1  }
0x21: {  	[dreg:$0x3] =	wrdreg s4  }
0x22: {  	[dreg:$0x4] =	wrdreg $0xC0  }
0x23: {  	_ =	task [dreg:s6], $0x5FFFF  }
0x24: {  	[dreg:$0x1] =	wrdreg $0xFFFFFFFF  }
0x25: {  	[dreg:$0x0] =	wrdreg $0x60  }
0x26: {  	[dreg:$0x2] =	wrdreg s25  }
0x27: {  	[dreg:$0x3] =	wrdreg $0x9  }
0x28: {  	_ =	task.clear_ibuf [dreg:s6], $0x4FFFF;
	_ =	strace $0x90000046  }
0x29: {  	s29 =	simm.s32 $0x9;
	_ =	strace $0x80000048  }
0x2a: {  	_ =	swait.ge [sflag:s29], $0x1  }
0x2b: {  	[sflag:s29] =	ssyncadd.s32 $0xFFFFFFFF  }
0x2c: {  	_ =	strace $0x90000048  }
0x2d: {  	_ =	sfence  }
0x2e: {  	s30 =	sld [smem:$0x0];
	_ =	sdelay $0x2  }
0x2f: {  	s31 =	sshll.u32 s3, $0xD;
	s3 =	sshrl.u32 s3, $0x2  }
0x30: {  	s2 =	sand.u32 $0x4000, s31;
	s1 =	sadd.s32 s3, s30  }
0x31: {  	s0 =	sor.u32 s2, s0;
	s1 =	sshll.u32 s1, $0x11  }
0x32: {  	s0 =	sor.u32 s1, s0  }
0x33: {  	s0 =	sadd.s32 $0x8F2B, s0  }
0x34: {  	[sflag:s0] =	ssyncadd.remote.s32 $0x1  }
0x35: {  	_ =	sfence.sel $0xFFFF  }
0x36: {  	[dreg:$0x0] =	wrdreg $0xFFFFFFFF;
	(pc) =	sbr.abs _section_cstart, $3  }
0x37: {  	[dreg:$0x1] =	wrdreg $0xFFFFFFFF  }
0x38: {  	_ =	task.clear_ibuf [dreg:s6], $0x2FFFF;
	_ =	strace $0x9FFFFFFF  }
0x39: {  	(tm) =	ssettm $0x7FFFFFFF  }
tec
execute0_lowered:
.L_overlay_start_1:
0x0: {  	(tag) =	ssettag $0x1  }
0x1: {  	s0 =	stileid.u32;
	s1 =	srdreg.scid  }
0x2: {  	s4 =	rddreg [dreg:$0x0];
	s5 =	simm.s32 $0x1;
	s8 =	simm.s32 $0x2  }
0x3: {  	s19 =	simm.s32 $0x0;
	s10 =	simm.s32 $0x0;
	s17 =	simm.s32 $0x0  }
0x4: {  	s21 =	simm.s32 $0x0;
	s18 =	simm.s32 $0x0;
	s20 =	simm.s32 $0x0  }
0x5: {  	s11 =	simm.s32 $0x0;
	s2 =	sshll.u32 s0, $0x5;
	s3 =	sshll.u32 s1, $0x9  }
0x6: {  	s14 =	simm.s32 $0x0;
	s15 =	simm.s32 $0x0;
	s2 =	sor.u32 s2, s3  }
0x7: {  	s1 =	rddreg [dreg:$0x1];
	_ =	strace $0x80000047;
	s2 =	sand.u32 $0x380, s2  }
0x8: {  	s16 =	simm.s32 $0x0;
	s3 =	sadd.s32 $0x304E00, s4;
	s6 =	ssub.s32 $0x5500, s2  }
.Ltmp0:
0x9: {  	s4 =	sadd.s32 $0xB1E00, s4;
	s7 =	sand.u32 $0x380, s6;
	(pc) =	sbr.rel .LBB1_1-.Ltmp0, $4  }
0xa: {  	[sflag:s5] =	ssyncpa.u1 $0x0;
	p0 =	sne.s32 s7, $0x0;
	s7 =	simm.s32 $0x1  }
0xb: {  	[sflag:s8] =	ssyncpa.u1 $0x0;
	s9 =	sshrl.u32 s6, $0xA;
	s7 =	simm.s32 @!p0 $0x0  }
0xc: {  	s12 =	smov.u32 s2;
	s6 =	sand.u32 $0x3, s0;
	s7 =	sadd.s32 s7, s9  }
0xd: {  	s13 =	smov.u32 s6;
	s9 =	simm.s32 $0x15400;
	s8 =	sadd.s32 $0x1, s7  }
.LBB1_9:
0xe: {  	s22 =	sadd.s32 $0x400, s12  }
0xf: {  	s17 =	sadd.s32 $0x8, s11;
	s23 =	smov.u32 s11;
	p1 =	sgt.s32 s22, $0x54FF  }
0x10: {  	s23 =	smov.u32 @p1 s17  }
0x11: {  	s24 =	smov.u32 s13;
	s17 =	sadd.s32 $0x4, s13;
	p2 =	sgt.s32 s23, $0x7  }
0x12: {  	s24 =	smov.u32 @p2 s17  }
0x13: {  	s25 =	smov.u32 s14;
	s17 =	sadd.s32 $0x4, s14;
	p3 =	sgt.s32 s24, $0x3  }
0x14: {  	p0 =	slt.u32 s16, $0x2;
	s26 =	smov.u32 s15;
	s25 =	smov.u32 @p3 s17  }
0x15: {  	s19 =	smov.u32 s12;
	s17 =	sadd.s32 $0x4, s15;
	p4 =	sgt.s32 s25, $0x3  }
0x16: {  	s21 =	smov.u32 s13;
	s18 =	smov.u32 s14;
	s26 =	smov.u32 @p4 s17  }
0x17: {  	s20 =	smov.u32 s15;
	s22 =	smov.u32 @p1 s2;
	p1 =	sgt.s32 s26, $0x3  }
0x18: {  	s27 =	simm.s32 @!p0 $0x2;
	s26 =	simm.s32 @p1 $0x0;
	p1 =	sne.s32 s16, s8  }
.Ltmp1:
0x19: {  	s10 =	sadd.s32 $0x4000, s10;
	_ =	swait.ge @!p0 [sflag:s27], $0x4000;
	(pc) =	sbr.rel @!p1 .LBB1_10-.Ltmp1, $4  }
0x1a: {  	[sflag:s27] =	ssyncset.done @!p0 $0x0;
	s12 =	smov.u32 s22;
	s24 =	smov.u32 @p3 s6  }
0x1b: {  	s23 =	simm.s32 @p2 $0x0;
	[sflag:s27] =	ssyncadd.s32 @!p0 $0xFFFFC000;
	s13 =	smov.u32 s24  }
0x1c: {  	s25 =	simm.s32 @p4 $0x0;
	s17 =	smov.u32 s11;
	s11 =	smov.u32 s23  }
0x1d: {  	s14 =	smov.u32 s25;
	s16 =	sadd.s32 $0x1, s16;
	s15 =	smov.u32 s26  }
.LBB1_1:
0x1e: {  	p0 =	sge.u32 s16, s7  }
0x1f: {  	s22 =	sshrl.u32 @!p0 s11, $0x3  }
0x20: {  	s23 =	sshll.u32 @!p0 s12, $0x3;
	s22 =	smul.u32 @!p0 $0x2A800, s22  }
0x21: {  	s24 =	sshll.u32 @!p0 s11, $0x7;
	s23 =	sand.u32 @!p0 $0xFFFFFC00, s23  }
0x22: {  	s22 =	sadd.s32 @!p0 s22, s23;
	s23 =	sand.u32 @!p0 $0x380, s24  }
0x23: {  	s26 =	smul.u32 @!p0 $0x55000, s15;
	s24 =	sand.u32 @!p0 $0x7F, s12;
	s22 =	sor.u32 @!p0 s23, s22  }
0x24: {  	s27 =	smul.u32 @!p0 $0x15400, s14;
	s23 =	sor.u32 @!p0 s24, s22  }
0x25: {  	s24 =	smulhi.u32 @!p0 $0xC0C0C0C1, s23  }
0x26: {  	s22 =	smulhi.u32 @!p0 $0xC0C0C0C1, s22  }
0x27: {  	s31 =	sadd.s32 $0xFFFFFFFF, s16;
	s28 =	smul.u32 @!p0 $0x5500, s13;
	s24 =	sshrl.u32 @!p0 s24, $0xE  }
0x28: {  	s25 =	sxor.u32 @!p0 $0xFFFFFFFF, s16;
	s22 =	sshrl.u32 @!p0 s22, $0xE;
	s24 =	smul.u32 @!p0 $0x5500, s24  }
0x29: {  	s25 =	sshll.u32 @!p0 s25, $0xE;
	s26 =	sadd.s32 @!p0 s3, s26;
	s22 =	sand.u32 @!p0 $0x7, s22  }
0x2a: {  	s22 =	smul.u32 @!p0 $0xAA0, s22;
	s23 =	ssub.s32 @!p0 s23, s24;
	s24 =	sadd.s32 @!p0 s27, s26  }
0x2b: {  	s25 =	sand.u32 @!p0 $0x4000, s25;
	s24 =	sadd.s32 @!p0 s28, s24;
	s26 =	sand.u32 @!p0 $0x7, s23  }
0x2c: {  	s23 =	sshrl.u32 @!p0 s23, $0x3;
	s22 =	sadd.s32 @!p0 s22, s24;
	s24 =	sshll.u32 @!p0 s26, $0x12  }
0x2d: {  	s22 =	sadd.s32 @!p0 s23, s22;
	s23 =	sor.u32 @!p0 $0x400, s24;
	s24 =	simm.s32 @!p0 $0xAA000  }
0x2e: {  	[tilespmem:s25], [sflag:$0x1] =	stream.strided.gather @!p0 [hbm4b:s22+s23], $0x4000, s24, s23, $0x38;
	[tilespmem:$0x10000] =	vst v63  }
0x2f: {  	p0 =	sge.u32 s31, s7  }
.Ltmp2:
0x30: {  	_ = 	snop;
	(pc) =	sbr.rel @p0 .LBB1_9-.Ltmp2, $1  }
0x31: {  	_ =	sdelay $0x3  }
0x32: {  	s22 =	sand.u32 $0x4000, s10  }
0x33: {  	_ =	swait.ge [sflag:s5], $0x4000;
	s25 =	sshll.u32 s16, $0xE;
	s23 =	sor.u32 $0x8040, s22  }
0x34: {  	s24 =	sor.u32 $0x40, s22;
	[sflag:s5] =	ssyncset.done $0x0;
	s31 =	sand.u32 $0x4000, s25  }
0x35: {  	s25 =	simm.s32 $0x0;
	[sflag:s5] =	ssyncadd.s32 $0xFFFFC000;
	s22 =	sor.u32 $0x8000, s31  }
.LBB1_3:
0x36: {  	s26 =	smov.u32 s24;
	s27 =	smov.u32 s23;
	s28 =	simm.s32 $0x0  }
.LBB1_4:
0x37: {  	v0 =	vmov s26;
	_ =	sdelay $0x3  }
0x38: {  	s30 =	simm.s32 $0x0  }
0x39: {  	v6 =	vld.idx.msk [tilespmem:v0+s30+$0x30 ss:$0x1], $0xffff  }
0x3a: {  	v7 =	vld.idx.msk [tilespmem:v0+s30+$0xFFFFFFC0 ss:$0x1], $0xffff  }
0x3b: {  	v5 =	vld.idx.msk [tilespmem:v0+s30+$0xFFFFFFD0 ss:$0x1], $0xffff  }
0x3c: {  	v4 =	vld.idx.msk [tilespmem:v0+s30+$0xFFFFFFE0 ss:$0x1], $0xffff  }
0x3d: {  	v3 =	vld.idx.msk [tilespmem:v0+s30+$0xFFFFFFF0 ss:$0x1], $0xffff  }
0x3e: {  	v1 =	vld.idx.msk [tilespmem:v0+s30+$0x0 ss:$0x1], $0xffff  }
0x3f: {  	v2 =	vld.idx.msk [tilespmem:v0+s30+$0x10 ss:$0x1], $0xffff;
	[tilespmem:s27+$0x30] =	vst v6  }
0x40: {  	s29 =	simm.s32 $0x80;
	s31 =	simm.s32 $0x400;
	[tilespmem:s27+$0xFFFFFFC0] =	vst v7;
	v6 =	vld.idx.msk [tilespmem:v0+s30+$0x20 ss:$0x1], $0xffff;
	s30 =	smov.u32 s27  }
.LBB1_5:
0x41: {  	p0 =	sne.s32 s31, $0xE00;
	v7 =	vld.idx.msk [tilespmem:v0+s29+$0x30 ss:$0x1], $0xffff;
	[tilespmem:s30+$0xFFFFFFD0] =	vst v5  }
0x42: {  	v8 =	vld.idx.msk [tilespmem:v0+s29+$0xFFFFFFC0 ss:$0x1], $0xffff;
	[tilespmem:s30+$0xFFFFFFE0] =	vst v4  }
0x43: {  	v5 =	vld.idx.msk [tilespmem:v0+s29+$0xFFFFFFD0 ss:$0x1], $0xffff;
	[tilespmem:s30+$0xFFFFFFF0] =	vst v3  }
.Ltmp3:
0x44: {  	v4 =	vld.idx.msk [tilespmem:v0+s29+$0xFFFFFFE0 ss:$0x1], $0xffff;
	[tilespmem:s30+$0x0] =	vst v1;
	(pc) =	sbr.rel @p0 .LBB1_5-.Ltmp3, $4  }
0x45: {  	v3 =	vld.idx.msk [tilespmem:v0+s29+$0xFFFFFFF0 ss:$0x1], $0xffff;
	[tilespmem:s30+$0x10] =	vst v2  }
0x46: {  	v1 =	vld.idx.msk [tilespmem:v0+s29+$0x0 ss:$0x1], $0xffff;
	[tilespmem:s30+$0x20] =	vst v6;
	s30 =	sadd.s32 $0x800, s30  }
0x47: {  	v2 =	vld.idx.msk [tilespmem:v0+s29+$0x10 ss:$0x1], $0xffff;
	[tilespmem:s30+$0x30] =	vst v7  }
0x48: {  	[tilespmem:s30+$0xFFFFFFC0] =	vst v8;
	v6 =	vld.idx.msk [tilespmem:v0+s29+$0x20 ss:$0x1], $0xffff;
	s29 =	sshra.s32 s31, $0x2;
	s31 =	sadd.s32 $0x200, s31  }
0x49: {  	_ =	sdelay $0x2  }
0x4a: {  	[tilespmem:s30+$0xFFFFFFD0] =	vst v5  }
0x4b: {  	v56 =	vld.idx.msk [tilespmem:v0+s29+$0x30 ss:$0x1], $0xffff;
	[tilespmem:s30+$0xFFFFFFE0] =	vst v4  }
0x4c: {  	v57 =	vld.idx.msk [tilespmem:v0+s29+$0xFFFFFFC0 ss:$0x1], $0xffff;
	[tilespmem:s30+$0xFFFFFFF0] =	vst v3  }
0x4d: {  	v58 =	vld.idx.msk [tilespmem:v0+s29+$0xFFFFFFD0 ss:$0x1], $0xffff;
	[tilespmem:s30+$0x0] =	vst v1  }
0x4e: {  	v59 =	vld.idx.msk [tilespmem:v0+s29+$0xFFFFFFE0 ss:$0x1], $0xffff;
	[tilespmem:s30+$0x10] =	vst v2  }
0x4f: {  	v60 =	vld.idx.msk [tilespmem:v0+s29+$0xFFFFFFF0 ss:$0x1], $0xffff;
	s31 =	sadd.s32 $0x800, s30;
	[tilespmem:s30+$0x20] =	vst v6  }
0x50: {  	v61 =	vld.idx.msk [tilespmem:v0+s29+$0x0 ss:$0x1], $0xffff;
	[tilespmem:s31+$0x30] =	vst v56  }
0x51: {  	v62 =	vld.idx.msk [tilespmem:v0+s29+$0x10 ss:$0x1], $0xffff;
	s28 =	sadd.s32 $0x1, s28;
	[tilespmem:s31+$0xFFFFFFC0] =	vst v57  }
0x52: {  	v63 =	vld.idx.msk [tilespmem:v0+s29+$0x20 ss:$0x1], $0xffff;
	p0 =	sne.s32 s28, $0x4;
	[tilespmem:s31+$0xFFFFFFD0] =	vst v58  }
.Ltmp4:
0x53: {  	[tilespmem:s31+$0xFFFFFFE0] =	vst v59;
	(pc) =	sbr.rel @p0 .LBB1_4-.Ltmp4, $4  }
0x54: {  	[tilespmem:s31+$0xFFFFFFF0] =	vst v60  }
0x55: {  	[tilespmem:s31+$0x0] =	vst v61  }
0x56: {  	[tilespmem:s31+$0x10] =	vst v62  }
0x57: {  	s27 =	sadd.s32 $0x80, s27;
	s26 =	sadd.s32 $0x400, s26;
	[tilespmem:s31+$0x20] =	vst v63  }
0x58: {  	s25 =	sadd.s32 $0x1, s25  }
0x59: {  	p0 =	sne.s32 s25, $0x4  }
.Ltmp5:
0x5a: {  	_ = 	snop;
	(pc) =	sbr.rel @p0 .LBB1_3-.Ltmp5, $2  }
0x5b: {  	_ =	sdelay $0x2  }
0x5c: {  	s23 =	sadd.s32 $0x200, s23;
	s24 =	sadd.s32 $0x1000, s24  }
0x5d: {  	s23 =	sshrl.u32 s21, $0x2  }
0x5e: {  	s24 =	sshll.u32 s19, $0x2;
	s23 =	smul.u32 $0x15400, s23  }
0x5f: {  	s28 =	sshll.u32 s21, $0x7;
	s24 =	sand.u32 $0xFFFFFE00, s24  }
0x60: {  	s21 =	sand.u32 $0x180, s28;
	s23 =	sadd.s32 s23, s24  }
0x61: {  	s29 =	sand.u32 $0x7F, s19;
	s20 =	smul.u32 $0xAA00, s20;
	s21 =	sor.u32 s21, s23  }
0x62: {  	s19 =	sor.u32 s29, s21;
	s21 =	smulhi.u32 $0xC0C0C0C1, s21  }
0x63: {  	s30 =	smulhi.u32 $0xC0C0C0C1, s19  }
0x64: {  	s18 =	smul.u32 $0x2A80, s18  }
0x65: {  	s17 =	smul.u32 $0x2A800, s17;
	s21 =	sshrl.u32 s21, $0xE;
	s23 =	sshrl.u32 s30, $0xE  }
0x66: {  	s21 =	sand.u32 $0x3, s21;
	s23 =	smul.u32 $0x5500, s23  }
0x67: {  	s20 =	sadd.s32 s4, s20;
	s21 =	smul.u32 $0xAA0, s21  }
.Ltmp6:
0x68: {  	s18 =	sadd.s32 s18, s20;
	s19 =	ssub.s32 s19, s23;
	(pc) =	sbr.rel .LBB1_9-.Ltmp6, $4  }
0x69: {  	s17 =	sadd.s32 s17, s18;
	s31 =	sand.u32 $0x7, s19  }
0x6a: {  	s17 =	sadd.s32 s21, s17;
	s19 =	sshrl.u32 s19, $0x3;
	s18 =	sshll.u32 s31, $0x12  }
0x6b: {  	s17 =	sadd.s32 s19, s17;
	s18 =	sor.u32 $0x80, s18  }
0x6c: {  	[hbm4b:s17+s18] =	stream.strided.scatter [tilespmem:s22], [sflag:$0x2], $0x4000, s9, s18, $0x38;
	[tilespmem:$0x10000] =	vst v63  }
.LBB1_10:
0x6d: {  	_ =	sfence.sel $0x180000  }
0x6e: {  	s2 =	simm.s32 $0x1;
	[bflag:$0x0] =	sbarrier.arrive $0xFFFF  }
0x6f: {  	s31 =	simm.s32 $0x2;
	[sflag:s2] =	ssyncpa.u1 $0x1  }
0x70: {  	[sflag:s31] =	ssyncpa.u1 $0x1  }
0x71: {  	p0 =	sne.s32 s0, $0x0;
	_ =	strace $0x90000047  }
0x72: {  	s0 =	sadd.s32 @!p0 $0x100000, s1;
	[bflag:$0x2] =	sbarrier.arrive $0xFFFF  }
0x73: {  	[sflag:s0] =	ssyncadd.tile.s32 @!p0 $0x1;
	_ =	shalt  }
.Lfunc_end1:
_tile_overlayer_lowered:
.L_overlay_start_2:
0x74: {  	(tag) =	ssettag $0x2  }
0x75: {  	s0 =	rddreg [dreg:$0x0];
	s2 =	stileid.u32  }
0x76: {  	s1 =	rddreg [dreg:$0x1];
	p0 =	sne.s32 s2, $0x0  }
0x77: {  	s3 =	rddreg [dreg:$0x2];
	[bflag:$0x3] =	sbarrier.arrive $0xFFFF;
	s2 =	simm.s32 @!p0 $0x1C01  }
0x78: {  	[timem:s3], [sflag:s2] =	dma.local @!p0 [hbm:s0], s1  }
0x79: {  	s0 =	simm.s32 @!p0 $0x1  }
0x7a: {  	_ =	swait.ge @!p0 [sflag:s0], s1  }
0x7b: {  	s1 =	ssub.s32 @!p0 $0x0, s1;
	[sflag:s0] =	ssyncset.done @!p0 $0x0  }
0x7c: {  	[sflag:s0] =	ssyncadd.s32 @!p0 s1  }
0x7d: {  	[bflag:$0x3] =	sbarrier.arrive $0xFFFF  }
0x7e: {  	_ =	shalt  }

// kernel: sparse-core-data-format-call.6.cloned.1.call-start
scs
called_computation.6_lowered:
.L_overlay_start_0:
0x0: {  	s2 =	sld [smem:$0x3FD9]  }
0x1: {  	s3 =	sld [smem:$0x3FFE];
	_ =	sdelay $0x1  }
0x2: {  	s1 =	srdreg.scid  }
0x3: {  	s0 =	sand.u32 $0x1, s1  }
0x4: {  	s18 =	sshll.u32 s0, $0xA;
	s2 =	sadd.s32 s3, s2  }
0x5: {  	s2 =	sadd.s32 s2, s18  }
0x6: {  	[smem:$0x3FBD] =	sst s2  }
0x7: {  	_ = 	snop  }
0x8: {  	(tm) =	ssettm $0x1  }
0x9: {  	s19 =	sld [smem:$0x3FFB];
	_ =	sdelay $0x3  }
0xa: {  	_ =	strace s19  }
0xb: {  	s2 =	sld [smem:$0x3FFC];
	_ =	sdelay $0x3  }
0xc: {  	_ =	strace s2  }
0xd: {  	s2 =	sld [smem:$0x3FFD];
	_ =	sdelay $0x3  }
0xe: {  	_ =	strace s2  }
0xf: {  	_ =	strace $0x8FFFFFFF  }
0x10: {  	s20 =	sld [smem:$0x3FDB];
	_ =	sdelay $0x1  }
0x11: {  	s21 =	simm.s32 $_scs_section_size  }
0x12: {  	s4 =	simm.s32 $_size__tile_overlayer_lowered;
	s5 =	simm.s32 $_tile_overlayer_lowered  }
0x13: {  	s6 =	simm.s32 $0x1BFF;
	s22 =	sshll.u32 s5, $0x1;
	s3 =	sadd.s32 s21, s20  }
0x14: {  	s23 =	simm.s32 $0x0;
	s4 =	sshll.u32 s4, $0x1;
	s5 =	sadd.s32 s22, s3  }
0x15: {  	[timem:s23], [sflag:s6] =	dma.local [hbm:s5], s4  }
0x16: {  	_ =	swait.ge [sflag:s6], s4  }
0x17: {  	s4 =	ssub.s32 $0x0, s4;
	[sflag:s6] =	ssyncset.done $0x0  }
0x18: {  	[sflag:s6] =	ssyncadd.s32 s4;
	_ =	sdelay $0x1  }
0x19: {  	s24 =	simm.s32 $0x1B8B  }
0x1a: {  	_ =	swait.ge [sflag:s24], $0x1  }
0x1b: {  	[sflag:s24] =	ssyncset.done $0x0  }
0x1c: {  	[sflag:s24] =	ssyncadd.s32 $0xFFFFFFFF  }
0x1d: {  	s4 =	sld [smem:$0x0]  }
0x1e: {  	s5 =	sand.u32 $0xFFFFFFFE, s1  }
0x1f: {  	p0 =	sne.s32 s1, s5  }
0x20: {  	s5 =	sshll.u32 @p0 s5, $0xE  }
0x21: {  	s5 =	sadd.s32 @p0 $0x11B8D, s5;
	s6 =	sshll.u32 @p0 s4, $0x11  }
0x22: {  	s5 =	sor.u32 @p0 s6, s5  }
0x23: {  	[sflag:s5] =	ssyncadd.remote.s32 @p0 $0x1;
	_ =	sdelay $0x1  }
0x24: {  	s5 =	simm.s32 @p0 $0x1B8D  }
0x25: {  	_ =	swait.eq @p0 [sflag:s5], $0x1  }
0x26: {  	[sflag:s5] =	ssyncadd.s32 @p0 $0xFFFFFFFF  }
0x27: {  	s6 =	sshll.u32 @!p0 s1, $0xE  }
0x28: {  	s6 =	sor.u32 @!p0 $0x4000, s6;
	s5 =	simm.s32 @!p0 $0x1B8D  }
0x29: {  	s4 =	sshll.u32 @!p0 s4, $0x11;
	s6 =	sadd.s32 @!p0 $0x11B8D, s6;
	_ =	swait.eq @!p0 [sflag:s5], $0x1  }
0x2a: {  	s4 =	sor.u32 @!p0 s4, s6;
	[sflag:s5] =	ssyncadd.s32 @!p0 $0xFFFFFFFF  }
0x2b: {  	s26 =	simm.s32 $0x1B8E;
	s25 =	sld [smem:$0x3FFE];
	[sflag:s4] =	ssyncadd.remote.s32 @!p0 $0x1  }
0x2c: {  	s27 =	simm.s32 $execute0_lowered;
	[smem:$0x3FD2] =	sst s26  }
0x2d: {  	s5 =	sshll.u32 s27, $0x1;
	_ =	strace $0x8000004F;
	[dreg:$0x1] =	wrdreg $0xFFFFFFFF  }
0x2e: {  	s28 =	simm.s32 $_size_execute0_lowered;
	s3 =	sadd.s32 s3, s5;
	[dreg:$0x0] =	wrdreg $0x0  }
0x2f: {  	s5 =	sshll.u32 s28, $0x1;
	[dreg:$0x2] =	wrdreg s3  }
0x30: {  	[dreg:$0x3] =	wrdreg s5  }
0x31: {  	[dreg:$0x4] =	wrdreg $0xC0  }
0x32: {  	_ =	task [dreg:s23], $0x5FFFF  }
0x33: {  	[dreg:$0x1] =	wrdreg $0xFFFFFFFF  }
0x34: {  	[dreg:$0x0] =	wrdreg $0x60  }
0x35: {  	[dreg:$0x2] =	wrdreg s25  }
0x36: {  	[dreg:$0x3] =	wrdreg $0xA  }
0x37: {  	_ =	task.clear_ibuf [dreg:s23], $0x4FFFF;
	_ =	strace $0x9000004F  }
0x38: {  	s29 =	simm.s32 $0xA;
	_ =	strace $0x80000051  }
0x39: {  	_ =	swait.ge [sflag:s29], $0x1  }
0x3a: {  	[sflag:s29] =	ssyncadd.s32 $0xFFFFFFFF  }
0x3b: {  	_ =	strace $0x90000051  }
0x3c: {  	_ =	sfence  }
0x3d: {  	s30 =	sld [smem:$0x0];
	_ =	sdelay $0x2  }
0x3e: {  	s31 =	sshll.u32 s1, $0xD;
	s1 =	sshrl.u32 s1, $0x2  }
0x3f: {  	s4 =	sand.u32 $0x4000, s31;
	s1 =	sadd.s32 s1, s30  }
0x40: {  	s0 =	sor.u32 s4, s0;
	s1 =	sshll.u32 s1, $0x11  }
0x41: {  	s0 =	sor.u32 s1, s0  }
0x42: {  	s0 =	sadd.s32 $0x8F2B, s0  }
0x43: {  	[sflag:s0] =	ssyncadd.remote.s32 $0x1  }
0x44: {  	_ =	sfence.sel $0xFFFF  }
0x45: {  	[dreg:$0x0] =	wrdreg $0xFFFFFFFF;
	(pc) =	sbr.abs _section_cstart, $3  }
0x46: {  	[dreg:$0x1] =	wrdreg $0xFFFFFFFF  }
0x47: {  	_ =	task.clear_ibuf [dreg:s23], $0x2FFFF;
	_ =	strace $0x9FFFFFFF  }
0x48: {  	(tm) =	ssettm $0x7FFFFFFF  }
0x49: {  	_ =	shalt  }
tec
execute0_lowered:
.L_overlay_start_1:
0x0: {  	(tag) =	ssettag $0x1  }
0x1: {  	s0 =	rddreg [dreg:$0x0]  }
0x2: {  	s5 =	stileid.u32;
	s1 =	srdreg.scid;
	_ =	strace $0x80000050  }
0x3: {  	s30 =	simm.s32 $0x1;
	s31 =	simm.s32 $0x2;
	s20 =	simm.s32 $0x0  }
0x4: {  	s13 =	simm.s32 $0x0;
	s22 =	simm.s32 $0x0;
	s21 =	simm.s32 $0x0  }
0x5: {  	s23 =	simm.s32 $0x0;
	s24 =	simm.s32 $0x0;
	s14 =	simm.s32 $0x0  }
0x6: {  	s16 =	simm.s32 $0x0;
	s3 =	sshll.u32 s5, $0x5;
	s1 =	sshll.u32 s1, $0x9  }
0x7: {  	s18 =	simm.s32 $0x0;
	s2 =	sadd.s32 $0x9A8E00, s0;
	s1 =	sor.u32 s3, s1  }
0x8: {  	s19 =	simm.s32 $0x0;
	s29 =	sadd.s32 $0xAFCE00, s0;
	s4 =	sand.u32 $0x380, s1  }
0x9: {  	s5 =	sand.u32 $0x3, s5;
	[sflag:s30] =	ssyncpa.u1 $0x0;
	s1 =	ssub.s32 $0x5500, s4  }
.Ltmp0:
0xa: {  	s9 =	sadd.s32 $0xA52E00, s0;
	s7 =	sand.u32 $0x380, s1;
	(pc) =	sbr.rel .LBB1_1-.Ltmp0, $4  }
0xb: {  	s10 =	sadd.s32 $0xAA7E00, s0;
	s3 =	simm.s32 $0x1;
	p0 =	sne.s32 s7, $0x0  }
0xc: {  	[dreg:$0x2] =	wrdreg s29;
	s1 =	sshrl.u32 s1, $0xA;
	s3 =	simm.s32 @!p0 $0x0  }
0xd: {  	[sflag:s31] =	ssyncpa.u1 $0x0;
	s17 =	smov.u32 s5;
	s8 =	sadd.s32 s3, s1  }
0xe: {  	s15 =	smov.u32 s4;
	s7 =	sadd.s32 $0x9FDE00, s0;
	s11 =	sadd.s32 $0x1, s8  }
.LBB1_9:
0xf: {  	s0 =	sadd.s32 $0x400, s15  }
0x10: {  	s1 =	sadd.s32 $0x8, s14;
	s3 =	smov.u32 s14;
	p1 =	sgt.s32 s0, $0x54FF  }
0x11: {  	s3 =	smov.u32 @p1 s1  }
0x12: {  	s6 =	smov.u32 s16;
	s1 =	sadd.s32 $0x4, s16;
	p2 =	sgt.s32 s3, $0x7  }
0x13: {  	s6 =	smov.u32 @p2 s1  }
0x14: {  	s12 =	smov.u32 s17;
	s1 =	sadd.s32 $0x4, s17;
	p3 =	sgt.s32 s6, $0x3  }
0x15: {  	p0 =	slt.u32 s19, $0x2;
	s25 =	smov.u32 s18;
	s12 =	smov.u32 @p3 s1  }
0x16: {  	s20 =	smov.u32 s15;
	s1 =	sadd.s32 $0x4, s18;
	p4 =	sgt.s32 s12, $0x3  }
0x17: {  	s22 =	smov.u32 s14;
	s21 =	smov.u32 s16;
	s25 =	smov.u32 @p4 s1  }
0x18: {  	s23 =	smov.u32 s17;
	s0 =	smov.u32 @p1 s4;
	p1 =	sgt.s32 s25, $0x3  }
0x19: {  	s24 =	smov.u32 s18;
	s25 =	simm.s32 @p1 $0x0;
	p1 =	sne.s32 s19, s11  }
.Ltmp1:
0x1a: {  	s13 =	sadd.s32 $0x4000, s13;
	s3 =	simm.s32 @p2 $0x0;
	(pc) =	sbr.rel @!p1 .LBB1_10-.Ltmp1, $4  }
0x1b: {  	s15 =	smov.u32 s0;
	s14 =	smov.u32 s3;
	s1 =	simm.s32 @!p0 $0x2  }
0x1c: {  	s6 =	simm.s32 @p3 $0x0;
	s12 =	smov.u32 @p4 s5;
	_ =	swait.ge @!p0 [sflag:s1], $0x4000  }
0x1d: {  	s16 =	smov.u32 s6;
	s17 =	smov.u32 s12;
	[sflag:s1] =	ssyncset.done @!p0 $0x0  }
0x1e: {  	s19 =	sadd.s32 $0x1, s19;
	[sflag:s1] =	ssyncadd.s32 @!p0 $0xFFFFC000;
	s18 =	smov.u32 s25  }
.LBB1_1:
0x1f: {  	p0 =	sge.u32 s19, s8  }
0x20: {  	s0 =	sshrl.u32 @!p0 s14, $0x3  }
0x21: {  	s1 =	sshll.u32 @!p0 s15, $0x3;
	s0 =	smul.u32 @!p0 $0x2A800, s0  }
0x22: {  	s3 =	sshll.u32 @!p0 s14, $0x7;
	s1 =	sand.u32 @!p0 $0xFFFFFC00, s1  }
0x23: {  	s0 =	sadd.s32 @!p0 s0, s1;
	s1 =	sand.u32 @!p0 $0x380, s3  }
0x24: {  	s25 =	smul.u32 @!p0 $0x55000, s18;
	s3 =	sand.u32 @!p0 $0x7F, s15;
	s0 =	sor.u32 @!p0 s1, s0  }
0x25: {  	s26 =	smul.u32 @!p0 $0x15400, s17;
	s1 =	sor.u32 @!p0 s3, s0  }
0x26: {  	s3 =	smulhi.u32 @!p0 $0xC0C0C0C1, s1  }
0x27: {  	s0 =	smulhi.u32 @!p0 $0xC0C0C0C1, s0  }
0x28: {  	s27 =	smul.u32 @!p0 $0x5500, s16;
	s3 =	sshrl.u32 @!p0 s3, $0xE  }
0x29: {  	s12 =	sxor.u32 @!p0 $0xFFFFFFFF, s19;
	s0 =	sshrl.u32 @!p0 s0, $0xE;
	s3 =	smul.u32 @!p0 $0x5500, s3  }
0x2a: {  	s29 =	simm.s32 @!p0 $0x2A800;
	s28 =	sadd.s32 @!p0 s2, s25;
	s0 =	sand.u32 @!p0 $0x7, s0  }
0x2b: {  	s0 =	smul.u32 @!p0 $0xAA0, s0;
	s1 =	ssub.s32 @!p0 s1, s3;
	s3 =	sadd.s32 @!p0 s26, s28  }
0x2c: {  	s12 =	sshll.u32 @!p0 s12, $0xE;
	s3 =	sadd.s32 @!p0 s27, s3;
	s28 =	sand.u32 @!p0 $0x7, s1  }
0x2d: {  	s1 =	sshrl.u32 @!p0 s1, $0x3;
	s3 =	sadd.s32 @!p0 s0, s3;
	s28 =	sshll.u32 @!p0 s28, $0x12  }
0x2e: {  	s12 =	sand.u32 @!p0 $0x4000, s12;
	s3 =	sadd.s32 @!p0 s1, s3;
	s28 =	sor.u32 @!p0 $0x400, s28  }
0x2f: {  	[tilespmem:s12], [sflag:$0x1] =	stream.strided.gather @!p0 [hbm4b:s3+s28], $0x1000, s29, s28, $0x38;
	[tilespmem:$0x10000] =	vst v63  }
0x30: {  	s3 =	sadd.s32 @!p0 s25, s7  }
0x31: {  	s3 =	sadd.s32 @!p0 s26, s3  }
0x32: {  	s3 =	sadd.s32 @!p0 s27, s3  }
0x33: {  	s3 =	sadd.s32 @!p0 s0, s3  }
0x34: {  	s30 =	sor.u32 @!p0 $0x1000, s12;
	s3 =	sadd.s32 @!p0 s1, s3  }
0x35: {  	[tilespmem:s30], [sflag:$0x1] =	stream.strided.gather @!p0 [hbm4b:s3+s28], $0x1000, s29, s28, $0x38;
	[tilespmem:$0x10000] =	vst v63  }
0x36: {  	s3 =	sadd.s32 @!p0 s25, s9  }
0x37: {  	s3 =	sadd.s32 @!p0 s26, s3  }
0x38: {  	s3 =	sadd.s32 @!p0 s27, s3  }
0x39: {  	s3 =	sadd.s32 @!p0 s0, s3  }
0x3a: {  	s30 =	sor.u32 @!p0 $0x2000, s12;
	s3 =	sadd.s32 @!p0 s1, s3  }
0x3b: {  	[tilespmem:s30], [sflag:$0x1] =	stream.strided.gather @!p0 [hbm4b:s3+s28], $0x1000, s29, s28, $0x38;
	[tilespmem:$0x10000] =	vst v63  }
0x3c: {  	s3 =	sadd.s32 @!p0 s25, s10  }
0x3d: {  	s3 =	sadd.s32 @!p0 s26, s3  }
0x3e: {  	s3 =	sadd.s32 @!p0 s27, s3  }
0x3f: {  	s0 =	sadd.s32 @!p0 s0, s3  }
0x40: {  	s31 =	sadd.s32 $0xFFFFFFFF, s19;
	s0 =	sadd.s32 @!p0 s1, s0;
	s1 =	sor.u32 @!p0 $0x3000, s12  }
0x41: {  	[tilespmem:s1], [sflag:$0x1] =	stream.strided.gather @!p0 [hbm4b:s0+s28], $0x1000, s29, s28, $0x38;
	[tilespmem:$0x10000] =	vst v63  }
0x42: {  	p0 =	sge.u32 s31, s8  }
.Ltmp2:
0x43: {  	_ = 	snop;
	(pc) =	sbr.rel @p0 .LBB1_9-.Ltmp2, $1  }
0x44: {  	_ =	sdelay $0x3  }
0x45: {  	s0 =	sand.u32 $0x4000, s13;
	s3 =	simm.s32 $0x1  }
0x46: {  	s1 =	sshll.u32 s19, $0xE;
	s28 =	simm.s32 $0x0;
	_ =	swait.ge [sflag:s3], $0x4000  }
0x47: {  	s26 =	sor.u32 $0x8000, s0;
	s31 =	sand.u32 $0x4000, s1;
	[sflag:s3] =	ssyncset.done $0x0  }
0x48: {  	s27 =	sor.u32 $0x40, s0;
	s25 =	sor.u32 $0x8000, s31;
	[sflag:s3] =	ssyncadd.s32 $0xFFFFC000  }
.LBB1_3:
0x49: {  	s29 =	smov.u32 s27;
	s30 =	smov.u32 s26;
	s31 =	simm.s32 $0x0  }
.LBB1_4:
0x4a: {  	v0 =	vld [tilespmem:s29+$0x30]  }
0x4b: {  	v1 =	vld [tilespmem:s29+$0xFFFFFFD0]  }
0x4c: {  	v5 =	vld [tilespmem:s29+$0xFFFFFFE0]  }
0x4d: {  	v6 =	vld [tilespmem:s29+$0xFFFFFFF0]  }
0x4e: {  	s0 =	sadd.s32 $0x0, s30;
	v2 =	vld [tilespmem:s29+$0x0]  }
0x4f: {  	v3 =	vld [tilespmem:s29+$0x10];
	[tilespmem:s0+$0x3800 ss:$0x80] =	vst.msk $0xffff, v0  }
0x50: {  	v4 =	vld [tilespmem:s29+$0x20];
	[tilespmem:s0+$0x800 ss:$0x80] =	vst.msk $0xffff, v1  }
0x51: {  	s1 =	sadd.s32 $0x80, s29;
	v0 =	vld [tilespmem:s29+$0xFFFFFFC0];
	[tilespmem:s0+$0x1000 ss:$0x80] =	vst.msk $0xffff, v5  }
0x52: {  	s12 =	simm.s32 $0x40;
	s3 =	simm.s32 $0x80;
	v1 =	vld [tilespmem:s1+$0x30];
	[tilespmem:s0+$0x1800 ss:$0x80] =	vst.msk $0xffff, v6  }
.LBB1_5:
0x53: {  	p0 =	sne.s32 s3, $0x1C0;
	v5 =	vld [tilespmem:s1+$0xFFFFFFD0];
	[tilespmem:s0+$0x2000 ss:$0x80] =	vst.msk $0xffff, v2  }
0x54: {  	v6 =	vld [tilespmem:s1+$0xFFFFFFE0];
	[tilespmem:s0+$0x2800 ss:$0x80] =	vst.msk $0xffff, v3  }
0x55: {  	s6 =	sshra.s32 s12, $0x2;
	s12 =	smov.u32 s3;
	v7 =	vld [tilespmem:s1+$0xFFFFFFF0];
	[tilespmem:s0+$0x3000 ss:$0x80] =	vst.msk $0xffff, v4  }
.Ltmp3:
0x56: {  	v2 =	vld [tilespmem:s1+$0x0];
	[tilespmem:s0+$0x0 ss:$0x80] =	vst.msk $0xffff, v0;
	s0 =	sadd.s32 s6, s30;
	(pc) =	sbr.rel @p0 .LBB1_5-.Ltmp3, $4  }
0x57: {  	v3 =	vld [tilespmem:s1+$0x10];
	[tilespmem:s0+$0x3800 ss:$0x80] =	vst.msk $0xffff, v1  }
0x58: {  	[tilespmem:s0+$0x800 ss:$0x80] =	vst.msk $0xffff, v5;
	v4 =	vld [tilespmem:s1+$0x20]  }
0x59: {  	v0 =	vld [tilespmem:s1+$0xFFFFFFC0];
	[tilespmem:s0+$0x1000 ss:$0x80] =	vst.msk $0xffff, v6;
	s1 =	sadd.s32 $0x80, s1  }
0x5a: {  	s3 =	sadd.s32 $0x40, s3;
	v1 =	vld [tilespmem:s1+$0x30];
	[tilespmem:s0+$0x1800 ss:$0x80] =	vst.msk $0xffff, v7  }
0x5b: {  	v5 =	vld [tilespmem:s1+$0xFFFFFFD0];
	[tilespmem:s0+$0x2000 ss:$0x80] =	vst.msk $0xffff, v2  }
0x5c: {  	v58 =	vld [tilespmem:s1+$0xFFFFFFE0];
	[tilespmem:s0+$0x2800 ss:$0x80] =	vst.msk $0xffff, v3  }
0x5d: {  	s3 =	sshra.s32 s12, $0x2;
	v59 =	vld [tilespmem:s1+$0xFFFFFFF0];
	[tilespmem:s0+$0x3000 ss:$0x80] =	vst.msk $0xffff, v4  }
0x5e: {  	v60 =	vld [tilespmem:s1+$0x0];
	s3 =	sadd.s32 s3, s30;
	[tilespmem:s0+$0x0 ss:$0x80] =	vst.msk $0xffff, v0  }
0x5f: {  	v61 =	vld [tilespmem:s1+$0x10];
	[tilespmem:s3+$0x3800 ss:$0x80] =	vst.msk $0xffff, v1  }
0x60: {  	v62 =	vld [tilespmem:s1+$0x20];
	s31 =	sadd.s32 $0x1, s31;
	[tilespmem:s3+$0x800 ss:$0x80] =	vst.msk $0xffff, v5  }
0x61: {  	v63 =	vld [tilespmem:s1+$0xFFFFFFC0];
	p0 =	sne.s32 s31, $0x4;
	[tilespmem:s3+$0x1000 ss:$0x80] =	vst.msk $0xffff, v58  }
.Ltmp4:
0x62: {  	[tilespmem:s3+$0x1800 ss:$0x80] =	vst.msk $0xffff, v59;
	(pc) =	sbr.rel @p0 .LBB1_4-.Ltmp4, $4  }
0x63: {  	[tilespmem:s3+$0x2000 ss:$0x80] =	vst.msk $0xffff, v60  }
0x64: {  	[tilespmem:s3+$0x2800 ss:$0x80] =	vst.msk $0xffff, v61  }
0x65: {  	[tilespmem:s3+$0x3000 ss:$0x80] =	vst.msk $0xffff, v62  }
0x66: {  	s29 =	sadd.s32 $0x400, s29;
	s30 =	sadd.s32 $0x1, s30;
	[tilespmem:s3+$0x0 ss:$0x80] =	vst.msk $0xffff, v63  }
0x67: {  	s28 =	sadd.s32 $0x1, s28  }
0x68: {  	p0 =	sne.s32 s28, $0x4  }
.Ltmp5:
0x69: {  	_ = 	snop;
	(pc) =	sbr.rel @p0 .LBB1_3-.Ltmp5, $2  }
0x6a: {  	_ =	sdelay $0x2  }
0x6b: {  	s26 =	sadd.s32 $0x4, s26;
	s27 =	sadd.s32 $0x1000, s27  }
0x6c: {  	s0 =	sshll.u32 s24, $0x6;
	s1 =	sshll.u32 s23, $0x4;
	s3 =	rddreg [dreg:$0x2]  }
0x6d: {  	s26 =	sshll.u32 s22, $0x8;
	s1 =	sand.u32 $0x30, s1;
	s0 =	sadd.s32 s3, s0  }
.Ltmp6:
0x6e: {  	s6 =	sshrl.u32 s21, $0x3;
	s0 =	sadd.s32 s1, s0;
	(pc) =	sbr.rel .LBB1_9-.Ltmp6, $4  }
0x6f: {  	s28 =	sand.u32 $0x7, s21;
	s27 =	sand.u32 $0xF, s6;
	s0 =	sadd.s32 s26, s0  }
0x70: {  	s29 =	sshll.u32 s20, $0xB;
	s30 =	sshll.u32 s28, $0x12;
	s0 =	sadd.s32 s27, s0  }
0x71: {  	s31 =	simm.s32 $0x200;
	s1 =	sor.u32 $0x4, s30;
	s0 =	sadd.s32 s29, s0  }
0x72: {  	[hbm4b:s0+s1] =	stream.strided.scatter [tilespmem:s25], [sflag:$0x2], $0x4000, s31, s1, $0x38;
	[tilespmem:$0x10000] =	vst v63  }
.LBB1_10:
0x73: {  	_ =	sfence.sel $0x180000  }
0x74: {  	s0 =	simm.s32 $0x1;
	[bflag:$0x0] =	sbarrier.arrive $0xFFFF  }
0x75: {  	s30 =	simm.s32 $0x2;
	[sflag:s0] =	ssyncpa.u1 $0x1  }
0x76: {  	[sflag:s30] =	ssyncpa.u1 $0x1  }
0x77: {  	_ =	strace $0x90000050  }
0x78: {  	s31 =	stileid.u32;
	[bflag:$0x2] =	sbarrier.arrive $0xFFFF  }
0x79: {  	p0 =	sne.s32 s31, $0x0;
	s0 =	rddreg [dreg:$0x1]  }
0x7a: {  	s0 =	sadd.s32 @!p0 $0x100000, s0  }
0x7b: {  	[sflag:s0] =	ssyncadd.tile.s32 @!p0 $0x1;
	_ =	shalt  }
.Lfunc_end1:
_tile_overlayer_lowered:
.L_overlay_start_2:
0x7c: {  	(tag) =	ssettag $0x2  }
0x7d: {  	s0 =	rddreg [dreg:$0x0];
	s2 =	stileid.u32  }
0x7e: {  	s1 =	rddreg [dreg:$0x1];
	p0 =	sne.s32 s2, $0x0  }
0x7f: {  	s3 =	rddreg [dreg:$0x2];
	[bflag:$0x3] =	sbarrier.arrive $0xFFFF;
	s2 =	simm.s32 @!p0 $0x1C01  }
0x80: {  	[timem:s3], [sflag:s2] =	dma.local @!p0 [hbm:s0], s1  }
0x81: {  	s0 =	simm.s32 @!p0 $0x1  }
0x82: {  	_ =	swait.ge @!p0 [sflag:s0], s1  }
0x83: {  	s1 =	ssub.s32 @!p0 $0x0, s1;
	[sflag:s0] =	ssyncset.done @!p0 $0x0  }
0x84: {  	[sflag:s0] =	ssyncadd.s32 @!p0 s1  }
0x85: {  	[bflag:$0x3] =	sbarrier.arrive $0xFFFF  }
0x86: {  	_ =	shalt  }

// kernel: sparse-core-data-format-call.cloned.1.call-start
scs
called_computation_lowered:
.L_overlay_start_0:
0x0: {  	s2 =	sld [smem:$0x3FD9]  }
0x1: {  	s3 =	sld [smem:$0x3FFE];
	_ =	sdelay $0x1  }
0x2: {  	s1 =	srdreg.scid  }
0x3: {  	s0 =	sand.u32 $0x1, s1  }
0x4: {  	s18 =	sshll.u32 s0, $0xA;
	s2 =	sadd.s32 s3, s2  }
0x5: {  	s2 =	sadd.s32 s2, s18  }
0x6: {  	[smem:$0x3FBD] =	sst s2  }
0x7: {  	_ = 	snop  }
0x8: {  	(tm) =	ssettm $0x1  }
0x9: {  	s19 =	sld [smem:$0x3FFB];
	_ =	sdelay $0x3  }
0xa: {  	_ =	strace s19  }
0xb: {  	s2 =	sld [smem:$0x3FFC];
	_ =	sdelay $0x3  }
0xc: {  	_ =	strace s2  }
0xd: {  	s2 =	sld [smem:$0x3FFD];
	_ =	sdelay $0x3  }
0xe: {  	_ =	strace s2  }
0xf: {  	_ =	strace $0x8FFFFFFF  }
0x10: {  	s20 =	sld [smem:$0x3FDB];
	_ =	sdelay $0x1  }
0x11: {  	s21 =	simm.s32 $_scs_section_size  }
0x12: {  	s4 =	simm.s32 $_size__tile_overlayer_lowered;
	s5 =	simm.s32 $_tile_overlayer_lowered  }
0x13: {  	s6 =	simm.s32 $0x1BFF;
	s22 =	sshll.u32 s5, $0x1;
	s3 =	sadd.s32 s21, s20  }
0x14: {  	s23 =	simm.s32 $0x0;
	s4 =	sshll.u32 s4, $0x1;
	s5 =	sadd.s32 s22, s3  }
0x15: {  	[timem:s23], [sflag:s6] =	dma.local [hbm:s5], s4  }
0x16: {  	_ =	swait.ge [sflag:s6], s4  }
0x17: {  	s4 =	ssub.s32 $0x0, s4;
	[sflag:s6] =	ssyncset.done $0x0  }
0x18: {  	[sflag:s6] =	ssyncadd.s32 s4;
	_ =	sdelay $0x1  }
0x19: {  	s24 =	simm.s32 $0x1B8B  }
0x1a: {  	_ =	swait.ge [sflag:s24], $0x1  }
0x1b: {  	[sflag:s24] =	ssyncset.done $0x0  }
0x1c: {  	[sflag:s24] =	ssyncadd.s32 $0xFFFFFFFF  }
0x1d: {  	s4 =	sld [smem:$0x0]  }
0x1e: {  	s5 =	sand.u32 $0xFFFFFFFE, s1  }
0x1f: {  	p0 =	sne.s32 s1, s5  }
0x20: {  	s5 =	sshll.u32 @p0 s5, $0xE  }
0x21: {  	s5 =	sadd.s32 @p0 $0x11B8D, s5;
	s6 =	sshll.u32 @p0 s4, $0x11  }
0x22: {  	s5 =	sor.u32 @p0 s6, s5  }
0x23: {  	[sflag:s5] =	ssyncadd.remote.s32 @p0 $0x1;
	_ =	sdelay $0x1  }
0x24: {  	s5 =	simm.s32 @p0 $0x1B8D  }
0x25: {  	_ =	swait.eq @p0 [sflag:s5], $0x1  }
0x26: {  	[sflag:s5] =	ssyncadd.s32 @p0 $0xFFFFFFFF  }
0x27: {  	s6 =	sshll.u32 @!p0 s1, $0xE  }
0x28: {  	s6 =	sor.u32 @!p0 $0x4000, s6;
	s5 =	simm.s32 @!p0 $0x1B8D  }
0x29: {  	s4 =	sshll.u32 @!p0 s4, $0x11;
	s6 =	sadd.s32 @!p0 $0x11B8D, s6;
	_ =	swait.eq @!p0 [sflag:s5], $0x1  }
0x2a: {  	s4 =	sor.u32 @!p0 s4, s6;
	[sflag:s5] =	ssyncadd.s32 @!p0 $0xFFFFFFFF  }
0x2b: {  	s26 =	simm.s32 $0x1B8E;
	s25 =	sld [smem:$0x3FFE];
	[sflag:s4] =	ssyncadd.remote.s32 @!p0 $0x1  }
0x2c: {  	s27 =	simm.s32 $execute0_lowered;
	[smem:$0x3FD2] =	sst s26  }
0x2d: {  	s5 =	sshll.u32 s27, $0x1;
	_ =	strace $0x80000058;
	[dreg:$0x1] =	wrdreg $0xFFFFFFFF  }
0x2e: {  	s28 =	simm.s32 $_size_execute0_lowered;
	s3 =	sadd.s32 s3, s5;
	[dreg:$0x0] =	wrdreg $0x0  }
0x2f: {  	s5 =	sshll.u32 s28, $0x1;
	[dreg:$0x2] =	wrdreg s3  }
0x30: {  	[dreg:$0x3] =	wrdreg s5  }
0x31: {  	[dreg:$0x4] =	wrdreg $0xC0  }
0x32: {  	_ =	task [dreg:s23], $0x5FFFF  }
0x33: {  	[dreg:$0x1] =	wrdreg $0xFFFFFFFF  }
0x34: {  	[dreg:$0x0] =	wrdreg $0x60  }
0x35: {  	[dreg:$0x2] =	wrdreg s25  }
0x36: {  	[dreg:$0x3] =	wrdreg $0xB  }
0x37: {  	_ =	task.clear_ibuf [dreg:s23], $0x4FFFF;
	_ =	strace $0x90000058  }
0x38: {  	s29 =	simm.s32 $0xB;
	_ =	strace $0x8000005A  }
0x39: {  	_ =	swait.ge [sflag:s29], $0x1  }
0x3a: {  	[sflag:s29] =	ssyncadd.s32 $0xFFFFFFFF  }
0x3b: {  	_ =	strace $0x9000005A  }
0x3c: {  	_ =	sfence  }
0x3d: {  	s30 =	sld [smem:$0x0];
	_ =	sdelay $0x2  }
0x3e: {  	s31 =	sshll.u32 s1, $0xD;
	s1 =	sshrl.u32 s1, $0x2  }
0x3f: {  	s4 =	sand.u32 $0x4000, s31;
	s1 =	sadd.s32 s1, s30  }
0x40: {  	s0 =	sor.u32 s4, s0;
	s1 =	sshll.u32 s1, $0x11  }
0x41: {  	s0 =	sor.u32 s1, s0  }
0x42: {  	s0 =	sadd.s32 $0x8F2B, s0  }
0x43: {  	[sflag:s0] =	ssyncadd.remote.s32 $0x1  }
0x44: {  	_ =	sfence.sel $0xFFFF  }
0x45: {  	[dreg:$0x0] =	wrdreg $0xFFFFFFFF;
	(pc) =	sbr.abs _section_cstart, $3  }
0x46: {  	[dreg:$0x1] =	wrdreg $0xFFFFFFFF  }
0x47: {  	_ =	task.clear_ibuf [dreg:s23], $0x2FFFF;
	_ =	strace $0x9FFFFFFF  }
0x48: {  	(tm) =	ssettm $0x7FFFFFFF  }
0x49: {  	_ =	shalt  }
tec
execute0_lowered:
.L_overlay_start_1:
0x0: {  	(tag) =	ssettag $0x1  }
0x1: {  	s0 =	stileid.u32;
	s1 =	srdreg.scid  }
0x2: {  	s7 =	rddreg [dreg:$0x0];
	s31 =	simm.s32 $0x2;
	s14 =	simm.s32 $0x0  }
0x3: {  	s13 =	simm.s32 $0x0;
	s12 =	simm.s32 $0x0;
	s2 =	sshll.u32 s0, $0x7  }
0x4: {  	s3 =	sshll.u32 s0, $0x5;
	s1 =	sshll.u32 s1, $0x9;
	s2 =	sand.u32 $0x180, s2  }
0x5: {  	s3 =	sor.u32 s3, s1;
	s1 =	rddreg [dreg:$0x1];
	_ =	strace $0x80000059  }
0x6: {  	s3 =	sand.u32 $0x380, s3;
	s4 =	ssub.s32 $0x200, s2;
	s11 =	smov.u32 s2  }
0x7: {  	s5 =	sand.u32 $0x180, s4;
	s6 =	ssub.s32 $0x5500, s3;
	s9 =	sshrl.u32 s4, $0x9  }
0x8: {  	p0 =	sne.s32 s5, $0x0;
	s5 =	simm.s32 $0x1;
	s8 =	sand.u32 $0x380, s6  }
0x9: {  	s5 =	simm.s32 @!p0 $0x0;
	p0 =	sne.s32 s8, $0x0;
	s8 =	simm.s32 $0x1  }
.Ltmp0:
0xa: {  	s6 =	sshrl.u32 s6, $0xA;
	s8 =	simm.s32 @!p0 $0x0;
	(pc) =	sbr.rel .LBB1_1-.Ltmp0, $4  }
0xb: {  	s4 =	simm.s32 $0x1;
	s5 =	sadd.s32 s5, s9;
	s6 =	sadd.s32 s8, s6  }
0xc: {  	s10 =	smov.u32 s3;
	[sflag:s4] =	ssyncpa.u1 $0x0;
	s5 =	smul.u32 s5, s6  }
0xd: {  	[sflag:s31] =	ssyncpa.u1 $0x0;
	p0 =	por $0x0, $0x0;
	s9 =	simm.s32 $0x1000  }
0xe: {  	s6 =	sadd.s32 $0x601E00, s7;
	s7 =	sadd.s32 $0x755E00, s7;
	s8 =	sadd.s32 $0x1, s5  }
.LBB1_4:
0xf: {  	s20 =	sshll.u32 s14, $0x9;
	s21 =	sshll.u32 s13, $0x3  }
0x10: {  	v5 =	vld [tilespmem:s18+$0xFFFFFFD0];
	[tilespmem:s17+$0x2040 ss:$0x81] =	vst.msk $0xffff, v4;
	s25 =	sshll.u32 s14, $0x7;
	s20 =	sand.u32 $0xFFFFF000, s20;
	s21 =	sand.u32 $0xFFFFFC00, s21  }
0x11: {  	v58 =	vld [tilespmem:s18+$0xFFFFFFE0];
	[tilespmem:s17+$0x2850 ss:$0x81] =	vst.msk $0xffff, v3;
	s26 =	sand.u32 $0x200, s25;
	s20 =	sadd.s32 s21, s20  }
0x12: {  	s19 =	sshra.s32 s19, $0x2;
	v59 =	vld [tilespmem:s18+$0xFFFFFFF0];
	[tilespmem:s17+$0x3060 ss:$0x81] =	vst.msk $0xffff, v2;
	s20 =	sor.u32 s26, s20  }
0x13: {  	v60 =	vld [tilespmem:s18+$0x0];
	[tilespmem:s17+$0x0 ss:$0x81] =	vst.msk $0xffff, v0;
	s16 =	sadd.s32 s19, s16;
	s27 =	sshrl.u32 s20, $0x9  }
0x14: {  	v61 =	vld [tilespmem:s18+$0x10];
	[tilespmem:s16+$0x3870 ss:$0x81] =	vst.msk $0xffff, v1;
	s28 =	smulhi.u32 $0x606061, s27  }
0x15: {  	v62 =	vld [tilespmem:s18+$0x20];
	[tilespmem:s16+$0x810 ss:$0x81] =	vst.msk $0xffff, v5  }
0x16: {  	v63 =	vld [tilespmem:s18+$0xFFFFFFC0];
	[tilespmem:s16+$0x1020 ss:$0x81] =	vst.msk $0xffff, v58;
	s29 =	sshrl.u32 s28, $0x5  }
0x17: {  	s30 =	sand.u32 $0x78, s13;
	s14 =	sand.u32 $0x180, s25;
	[tilespmem:s16+$0x1830 ss:$0x81] =	vst.msk $0xffff, v59;
	s18 =	smul.u32 $0x5500, s29  }
0x18: {  	s14 =	sor.u32 s30, s14;
	[tilespmem:s16+$0x2040 ss:$0x81] =	vst.msk $0xffff, v60  }
0x19: {  	s31 =	sand.u32 $0x7, s13;
	s14 =	sshrl.u32 s14, $0x3;
	[tilespmem:s16+$0x2850 ss:$0x81] =	vst.msk $0xffff, v61;
	s17 =	ssub.s32 s27, s18  }
0x1a: {  	s13 =	sshll.u32 s31, $0x12;
	s14 =	sadd.s32 s7, s14;
	[tilespmem:s16+$0x3060 ss:$0x81] =	vst.msk $0xffff, v62;
	s17 =	sshll.u32 s17, $0x6  }
0x1b: {  	s13 =	sor.u32 $0x400, s13;
	[tilespmem:s16+$0x0 ss:$0x81] =	vst.msk $0xffff, v63;
	s14 =	sadd.s32 s17, s14  }
0x1c: {  	[hbm4b:s14+s13] =	stream.strided.scatter [tilespmem:s15], [sflag:$0x2], $0x4000, s9, s13, $0x20;
	[tilespmem:$0x10100] =	vst v63  }
.LBB1_5:
0x1d: {  	s15 =	sadd.s32 $0x400, s10  }
0x1e: {  	s13 =	sadd.s32 $0x200, s11;
	s17 =	smov.u32 s11;
	p2 =	sgt.s32 s15, $0x54FF  }
0x1f: {  	s17 =	smov.u32 @p2 s13  }
0x20: {  	s15 =	smov.u32 @p2 s3;
	p2 =	sgt.s32 s17, $0x1FF  }
0x21: {  	s17 =	smov.u32 @p2 s2;
	p2 =	sne.s32 s12, s8  }
.Ltmp1:
0x22: {  	p1 =	slt.u32 s12, $0x2;
	(pc) =	sbr.rel @!p2 .LBB1_6-.Ltmp1, $4  }
0x23: {  	s16 =	simm.s32 @!p1 $0x2  }
0x24: {  	s14 =	smov.u32 s10;
	p0 =	por !p0, !p0;
	_ =	swait.ge @!p1 [sflag:s16], $0x4000  }
0x25: {  	s13 =	smov.u32 s11;
	[sflag:s16] =	ssyncset.done @!p1 $0x0;
	s10 =	smov.u32 s15  }
0x26: {  	s12 =	sadd.s32 $0x1, s12;
	[sflag:s16] =	ssyncadd.s32 @!p1 $0xFFFFC000;
	s11 =	smov.u32 s17  }
.LBB1_1:
0x27: {  	p1 =	sge.u32 s12, s5  }
0x28: {  	s15 =	sshrl.u32 @!p1 s11, $0x3  }
0x29: {  	s16 =	sshll.u32 @!p1 s10, $0x3;
	s15 =	smul.u32 @!p1 $0x2A800, s15  }
0x2a: {  	s17 =	sshll.u32 @!p1 s11, $0x7;
	s16 =	sand.u32 @!p1 $0xFFFFFC00, s16  }
0x2b: {  	s15 =	sadd.s32 @!p1 s15, s16;
	s16 =	sand.u32 @!p1 $0x380, s17  }
0x2c: {  	s17 =	sand.u32 @!p1 $0x7F, s10;
	s15 =	sor.u32 @!p1 s16, s15  }
0x2d: {  	s16 =	sor.u32 @!p1 s17, s15  }
0x2e: {  	s17 =	smulhi.u32 @!p1 $0xC0C0C0C1, s16;
	_ =	sdelay $0x1  }
0x2f: {  	s15 =	smulhi.u32 @!p1 $0xC0C0C0C1, s15;
	s17 =	sshrl.u32 @!p1 s17, $0xE  }
0x30: {  	s17 =	smul.u32 @!p1 $0x5500, s17  }
0x31: {  	s31 =	sadd.s32 $0xFFFFFFFF, s12;
	s18 =	sxor.u32 @!p1 $0xFFFFFFFF, s12;
	s15 =	sshrl.u32 @!p1 s15, $0xE  }
0x32: {  	s18 =	sshll.u32 @!p1 s18, $0xE;
	s15 =	sand.u32 @!p1 $0x1FF, s15;
	s16 =	ssub.s32 @!p1 s16, s17  }
0x33: {  	s15 =	smul.u32 @!p1 $0xAA0, s15;
	s17 =	sshrl.u32 @!p1 s16, $0x3;
	s16 =	sand.u32 @!p1 $0x7, s16  }
0x34: {  	s18 =	sand.u32 @!p1 $0x4000, s18;
	s17 =	sadd.s32 @!p1 s6, s17;
	s16 =	sshll.u32 @!p1 s16, $0x12  }
0x35: {  	s15 =	sadd.s32 @!p1 s15, s17;
	s16 =	sor.u32 @!p1 $0x400, s16;
	s17 =	simm.s32 @!p1 $0x2A800  }
0x36: {  	[tilespmem:s18], [sflag:$0x1] =	stream.strided.gather @!p1 [hbm4b:s15+s16], $0x4000, s17, s16, $0x38;
	[tilespmem:$0x10100] =	vst v63  }
0x37: {  	p1 =	sge.u32 s31, s5  }
.Ltmp2:
0x38: {  	_ = 	snop;
	(pc) =	sbr.rel @p1 .LBB1_5-.Ltmp2, $1  }
0x39: {  	_ =	sdelay $0x3  }
0x3a: {  	s15 =	simm.s32 $0x1  }
0x3b: {  	_ =	swait.ge [sflag:s4], $0x4000;
	s15 =	simm.s32 @!p0 $0x0  }
0x3c: {  	[sflag:s4] =	ssyncset.done $0x0;
	s16 =	sshll.u32 s15, $0xE  }
0x3d: {  	[sflag:s4] =	ssyncadd.s32 $0xFFFFC000;
	s18 =	sor.u32 $0x40, s16  }
0x3e: {  	s15 =	smul.u32 $0x10200, s15;
	v0 =	vld [tilespmem:s18+$0x30]  }
0x3f: {  	v1 =	vld [tilespmem:s18+$0xFFFFFFD0]  }
0x40: {  	s15 =	sshrl.u32 s15, $0x2;
	v5 =	vld [tilespmem:s18+$0xFFFFFFE0]  }
0x41: {  	v6 =	vld [tilespmem:s18+$0xFFFFFFF0];
	s16 =	sor.u32 $0x8000, s15  }
0x42: {  	s31 =	sand.u32 $0x1, s12;
	v4 =	vld [tilespmem:s18+$0x0];
	s17 =	sadd.s32 $0x0, s16  }
0x43: {  	v3 =	vld [tilespmem:s18+$0x10];
	s15 =	smul.u32 $0x10200, s31;
	[tilespmem:s17+$0x3870 ss:$0x81] =	vst.msk $0xffff, v0  }
0x44: {  	v2 =	vld [tilespmem:s18+$0x20];
	[tilespmem:s17+$0x810 ss:$0x81] =	vst.msk $0xffff, v1  }
0x45: {  	s15 =	sshrl.u32 s15, $0x2;
	v0 =	vld [tilespmem:s18+$0xFFFFFFC0];
	[tilespmem:s17+$0x1020 ss:$0x81] =	vst.msk $0xffff, v5;
	s18 =	sadd.s32 $0x80, s18  }
0x46: {  	s19 =	simm.s32 $0x4;
	s20 =	simm.s32 $0x8;
	s15 =	sor.u32 $0x8000, s15;
	[tilespmem:s17+$0x1830 ss:$0x81] =	vst.msk $0xffff, v6;
	v1 =	vld [tilespmem:s18+$0x30]  }
.LBB1_3:
0x47: {  	p1 =	sne.s32 s20, $0x1FC;
	v5 =	vld [tilespmem:s18+$0xFFFFFFD0];
	[tilespmem:s17+$0x2040 ss:$0x81] =	vst.msk $0xffff, v4  }
0x48: {  	v6 =	vld [tilespmem:s18+$0xFFFFFFE0];
	[tilespmem:s17+$0x2850 ss:$0x81] =	vst.msk $0xffff, v3  }
0x49: {  	s21 =	sshra.s32 s19, $0x2;
	s19 =	smov.u32 s20;
	v7 =	vld [tilespmem:s18+$0xFFFFFFF0];
	[tilespmem:s17+$0x3060 ss:$0x81] =	vst.msk $0xffff, v2  }
.Ltmp3:
0x4a: {  	v4 =	vld [tilespmem:s18+$0x0];
	[tilespmem:s17+$0x0 ss:$0x81] =	vst.msk $0xffff, v0;
	s17 =	sadd.s32 s21, s16;
	(pc) =	sbr.rel @p1 .LBB1_3-.Ltmp3, $4  }
0x4b: {  	v3 =	vld [tilespmem:s18+$0x10];
	[tilespmem:s17+$0x3870 ss:$0x81] =	vst.msk $0xffff, v1  }
0x4c: {  	[tilespmem:s17+$0x810 ss:$0x81] =	vst.msk $0xffff, v5;
	v2 =	vld [tilespmem:s18+$0x20]  }
0x4d: {  	v0 =	vld [tilespmem:s18+$0xFFFFFFC0];
	[tilespmem:s17+$0x1020 ss:$0x81] =	vst.msk $0xffff, v6;
	s18 =	sadd.s32 $0x80, s18  }
0x4e: {  	s20 =	sadd.s32 $0x4, s20;
	v1 =	vld [tilespmem:s18+$0x30];
	[tilespmem:s17+$0x1830 ss:$0x81] =	vst.msk $0xffff, v7  }
.Ltmp4:
0x4f: {  	_ = 	snop;
	(pc) =	sbr.rel .LBB1_4-.Ltmp4, $1  }
0x50: {  	_ =	sdelay $0x3  }
.LBB1_6:
0x51: {  	_ =	sfence.sel $0x180000  }
0x52: {  	s2 =	simm.s32 $0x1;
	[bflag:$0x0] =	sbarrier.arrive $0xFFFF  }
0x53: {  	s31 =	simm.s32 $0x2;
	[sflag:s2] =	ssyncpa.u1 $0x1  }
0x54: {  	[sflag:s31] =	ssyncpa.u1 $0x1  }
0x55: {  	p0 =	sne.s32 s0, $0x0;
	_ =	strace $0x90000059  }
0x56: {  	s0 =	sadd.s32 @!p0 $0x100000, s1;
	[bflag:$0x2] =	sbarrier.arrive $0xFFFF  }
0x57: {  	[sflag:s0] =	ssyncadd.tile.s32 @!p0 $0x1;
	_ =	shalt  }
.Lfunc_end1:
_tile_overlayer_lowered:
.L_overlay_start_2:
0x58: {  	(tag) =	ssettag $0x2  }
0x59: {  	s0 =	rddreg [dreg:$0x0];
	s2 =	stileid.u32  }
0x5a: {  	s1 =	rddreg [dreg:$0x1];
	p0 =	sne.s32 s2, $0x0  }
0x5b: {  	s3 =	rddreg [dreg:$0x2];
	[bflag:$0x3] =	sbarrier.arrive $0xFFFF;
	s2 =	simm.s32 @!p0 $0x1C01  }
0x5c: {  	[timem:s3], [sflag:s2] =	dma.local @!p0 [hbm:s0], s1  }
0x5d: {  	s0 =	simm.s32 @!p0 $0x1  }
0x5e: {  	_ =	swait.ge @!p0 [sflag:s0], s1  }
0x5f: {  	s1 =	ssub.s32 @!p0 $0x0, s1;
	[sflag:s0] =	ssyncset.done @!p0 $0x0  }
0x60: {  	[sflag:s0] =	ssyncadd.s32 @!p0 s1  }
0x61: {  	[bflag:$0x3] =	sbarrier.arrive $0xFFFF  }
0x62: {  	_ =	shalt  }

</sc_bundles>
